<compile_context>
chip_gen: v7x
topology: tpu7x:2x2x1
jax: 0.10.2.dev20260603
libtpu: 0.0.44.dev20260713+nightly
codegen_flags: <defaults>
</compile_context>

<pallas_src>
import jax
import jax.numpy as jnp
from jax import lax
from jax.experimental import pallas as pl
from jax.experimental.pallas import tpu as pltpu
from jax.experimental.pallas import tpu_sc as plsc

N = 10000
NPAD = 10240
F = 128
E = 320000
NG = 64
NC = 2
NS = 16
NW = NC * NS
CHUNK = 128
NCH = 80
PCH = 40
EPAD = NW * NCH * CHUNK
RPT = NPAD // NS
NBLK = 5
BLK = NPAD // NBLK


def _mesh():
    return plsc.VectorSubcoreMesh(
        core_axis_name="c", subcore_axis_name="s", num_cores=NC, num_subcores=NS
    )


def _deg_body(pei_hbm, cnt_hbm, col_v, cnt_v):
    cid = lax.axis_index("c")
    sid = lax.axis_index("s")
    wid = cid * NS + sid
    pltpu.sync_copy(pei_hbm.at[1, wid], col_v)

    def zero(i, _):
        cnt_v[pl.ds(i * 16, 16)] = jnp.zeros((16,), jnp.float32)
        return 0

    lax.fori_loop(0, NPAD // 16, zero, 0)

    ones = jnp.ones((16,), jnp.float32)

    def hist(j, _):
        for q in range(CHUNK // 16):
            iv = col_v[j, pl.ds(q * 16, 16)]
            plsc.addupdate_scatter(cnt_v, [iv], ones)
        return 0

    lax.fori_loop(0, NCH, hist, 0)
    pltpu.sync_copy(cnt_v, cnt_hbm.at[wid])


def _sc_degree(pei):
    return pl.kernel(
        _deg_body,
        out_type=jax.ShapeDtypeStruct((NW, NPAD), jnp.float32),
        mesh=_mesh(),
        scratch_types=[
            pltpu.VMEM((NCH, CHUNK), jnp.int32),
            pltpu.VMEM((NPAD,), jnp.float32),
        ],
        compiler_params=pltpu.CompilerParams(needs_layout_passes=False),
    )(pei)


def _agg_body(pei_hbm, g_hbm, tab_hbm, root_hbm,
              s_hbm, r_hbm,
              row_v, col_v, gbuf0, gbuf1, ridx_v, rbuf, acc, sem0, sem1):
    cid = lax.axis_index("c")
    sid = lax.axis_index("s")
    wid = cid * NS + sid

    def zero(i, _):
        for q in range(F // 16):
            gbuf0[i, pl.ds(q * 16, 16)] = jnp.zeros((16,), jnp.float32)
        return 0

    lax.fori_loop(0, CHUNK, zero, 0)
    for k in range(RPT // CHUNK):
        pltpu.sync_copy(gbuf0, acc.at[pl.ds(sid * RPT + k * CHUNK, CHUNK)])
    plsc.subcore_barrier()

    for phase in range(NCH // PCH):
        pltpu.sync_copy(pei_hbm.at[0, wid, pl.ds(phase * PCH, PCH)], row_v)
        pltpu.sync_copy(pei_hbm.at[1, wid, pl.ds(phase * PCH, PCH)], col_v)
        def fire(j, buf, sem):
            half = CHUNK // 2
            pltpu.async_copy(g_hbm.at[row_v.at[j, pl.ds(0, half)]],
                             buf.at[pl.ds(0, half)], sem)
            pltpu.async_copy(g_hbm.at[row_v.at[j, pl.ds(half, half)]],
                             buf.at[pl.ds(half, half)], sem)

        def drain(j, buf, sem):
            pltpu.make_async_copy(g_hbm.at[row_v.at[j]], buf, sem).wait()

        fire(0, gbuf0, sem0)

        def pair(jj, _):
            j0 = jj * 2
            fire(j0 + 1, gbuf1, sem1)
            drain(j0, gbuf0, sem0)
            pltpu.sync_copy(gbuf0, acc.at[col_v.at[j0]], add=True)

            @pl.when(j0 + 2 < PCH)
            def _():
                fire(j0 + 2, gbuf0, sem0)

            drain(j0 + 1, gbuf1, sem1)
            pltpu.sync_copy(gbuf1, acc.at[col_v.at[j0 + 1]], add=True)
            return 0

        lax.fori_loop(0, PCH // 2, pair, 0)
    plsc.subcore_barrier()
    pltpu.sync_copy(acc.at[pl.ds(sid * RPT, RPT)],
                    s_hbm.at[cid, pl.ds(sid * RPT, RPT)])

    pltpu.sync_copy(root_hbm.at[wid], ridx_v)
    pltpu.async_copy(tab_hbm.at[ridx_v], rbuf, sem0).wait()
    pltpu.sync_copy(rbuf, r_hbm.at[pl.ds(wid * 2, 2)])


def _sc_agg(pei, g, tab, root2):
    return pl.kernel(
        _agg_body,
        out_type=[
            jax.ShapeDtypeStruct((NC, NPAD, F), jnp.float32),
            jax.ShapeDtypeStruct((NG, F), jnp.float32),
        ],
        mesh=_mesh(),
        scratch_types=[
            pltpu.VMEM((PCH, CHUNK), jnp.int32),
            pltpu.VMEM((PCH, CHUNK), jnp.int32),
            pltpu.VMEM((CHUNK, F), jnp.float32),
            pltpu.VMEM((CHUNK, F), jnp.float32),
            pltpu.VMEM((2,), jnp.int32),
            pltpu.VMEM((2, F), jnp.float32),
            pltpu.VMEM_SHARED((NPAD, F), jnp.float32),
            pltpu.SemaphoreType.DMA,
            pltpu.SemaphoreType.DMA,
        ],
        compiler_params=pltpu.CompilerParams(needs_layout_passes=False),
    )(pei, g, tab, root2)


def _mm1_body(cnt_ref, x_ref, w1_ref, g1_ref, dinv_ref):
    deg = jnp.sum(cnt_ref[...], axis=0) + 1.0
    dinv = lax.rsqrt(deg)
    h = jnp.dot(x_ref[...], w1_ref[...], preferred_element_type=jnp.float32)
    g1_ref[...] = h * dinv[:, None]
    dinv_ref[...] = dinv[:, None]


def _tc_mm1(cnt, xp, W1):
    return pl.pallas_call(
        _mm1_body,
        grid=(NBLK,),
        in_specs=[
            pl.BlockSpec((NW, BLK), lambda i: (0, i)),
            pl.BlockSpec((BLK, F), lambda i: (i, 0)),
            pl.BlockSpec((F, F), lambda i: (0, 0)),
        ],
        out_specs=[
            pl.BlockSpec((BLK, F), lambda i: (i, 0)),
            pl.BlockSpec((BLK, 1), lambda i: (i, 0)),
        ],
        out_shape=[
            jax.ShapeDtypeStruct((NPAD, F), jnp.float32),
            jax.ShapeDtypeStruct((NPAD, 1), jnp.float32),
        ],
    )(cnt, xp, W1)


def _mid_body(s1_ref, g1_ref, dinv_ref, b1_ref, batch_ref, r_ref,
              w2a_ref, w2b_ref, x2_ref, g2_ref):
    dinv = dinv_ref[...]
    x2 = (s1_ref[0] + s1_ref[1] + g1_ref[...]) * dinv + b1_ref[...]
    a = jnp.maximum(x2, 0.0)
    rw = jnp.dot(jnp.maximum(r_ref[...], 0.0), w2b_ref[...],
                 preferred_element_type=jnp.float32)
    oh = (batch_ref[...] == lax.broadcasted_iota(jnp.int32, (BLK, NG), 1)
          ).astype(jnp.float32)
    h2pre = (jnp.dot(a, w2a_ref[...], preferred_element_type=jnp.float32)
             + jnp.dot(oh, rw, preferred_element_type=jnp.float32))
    x2_ref[...] = x2
    g2_ref[...] = h2pre * dinv


def _tc_mid(s1p, g1, dinv, b1r, batchp, r, W2a, W2b):
    return pl.pallas_call(
        _mid_body,
        grid=(NBLK,),
        in_specs=[
            pl.BlockSpec((NC, BLK, F), lambda i: (0, i, 0)),
            pl.BlockSpec((BLK, F), lambda i: (i, 0)),
            pl.BlockSpec((BLK, 1), lambda i: (i, 0)),
            pl.BlockSpec((1, F), lambda i: (0, 0)),
            pl.BlockSpec((BLK, 1), lambda i: (i, 0)),
            pl.BlockSpec((NG, F), lambda i: (0, 0)),
            pl.BlockSpec((F, F), lambda i: (0, 0)),
            pl.BlockSpec((F, F), lambda i: (0, 0)),
        ],
        out_specs=[
            pl.BlockSpec((BLK, F), lambda i: (i, 0)),
            pl.BlockSpec((BLK, F), lambda i: (i, 0)),
        ],
        out_shape=[
            jax.ShapeDtypeStruct((NPAD, F), jnp.float32),
            jax.ShapeDtypeStruct((NPAD, F), jnp.float32),
        ],
    )(s1p, g1, dinv, b1r, batchp, r, W2a, W2b)


def _pool_body(s2_ref, g2_ref, dinv_ref, b2_ref, batch_ref, r2_ref,
               o_ref, sacc_ref, cacc_ref):
    i = pl.program_id(0)
    h2 = jnp.maximum(
        (s2_ref[0] + s2_ref[1] + g2_ref[...]) * dinv_ref[...] + b2_ref[...],
        0.0)
    oh = (batch_ref[...] == lax.broadcasted_iota(jnp.int32, (BLK, NG), 1)
          ).astype(jnp.float32)
    psum = lax.dot_general(oh, h2, (((0,), (0,)), ((), ())),
                           preferred_element_type=jnp.float32)
    pcnt = jnp.sum(oh, axis=0)

    @pl.when(i == 0)
    def _():
        sacc_ref[...] = jnp.zeros_like(sacc_ref)
        cacc_ref[...] = jnp.zeros_like(cacc_ref)

    sacc_ref[...] += psum
    cacc_ref[...] += pcnt[:, None]

    @pl.when(i == NBLK - 1)
    def _():
        cnt = cacc_ref[...]
        o_ref[:, :F] = sacc_ref[...] / jnp.maximum(cnt, 1.0)
        o_ref[:, F:] = jnp.where(cnt > 0.0, r2_ref[...], 0.0)


def _tc_pool(s2p, g2, dinv, b2r, batchp, r2):
    return pl.pallas_call(
        _pool_body,
        grid=(NBLK,),
        in_specs=[
            pl.BlockSpec((NC, BLK, F), lambda i: (0, i, 0)),
            pl.BlockSpec((BLK, F), lambda i: (i, 0)),
            pl.BlockSpec((BLK, 1), lambda i: (i, 0)),
            pl.BlockSpec((1, F), lambda i: (0, 0)),
            pl.BlockSpec((BLK, 1), lambda i: (i, 0)),
            pl.BlockSpec((NG, F), lambda i: (0, 0)),
        ],
        out_specs=pl.BlockSpec((NG, 2 * F), lambda i: (0, 0)),
        out_shape=jax.ShapeDtypeStruct((NG, 2 * F), jnp.float32),
        scratch_shapes=[pltpu.VMEM((NG, F), jnp.float32),
                        pltpu.VMEM((NG, F), jnp.float32)],
    )(s2p, g2, dinv, b2r, batchp, r2)


def kernel(x, edge_index, root_index, batch, W1, b1, W2, b2):
    ei = edge_index.astype(jnp.int32)
    npad_e = EPAD - E
    pad_i = jnp.arange(npad_e, dtype=jnp.int32)
    pad_e = jnp.stack([(pad_i * 37) % N, N + pad_i % (NPAD - N)])
    pei = jnp.concatenate([ei, pad_e], axis=1).reshape(2, NW, NCH, CHUNK)
    xp = jnp.pad(x, ((0, NPAD - N), (0, 0)))
    batchp = jnp.pad(batch.astype(jnp.int32), (0, NPAD - N),
                     constant_values=NG).reshape(NPAD, 1)
    root2 = root_index.astype(jnp.int32).reshape(NW, NG // NW)
    W2a, W2b = W2[:F], W2[F:]
    b1r, b2r = b1.reshape(1, F), b2.reshape(1, F)

    cnt = _sc_degree(pei)
    g1, dinv = _tc_mm1(cnt, xp, W1)
    s1p, r = _sc_agg(pei, g1, xp, root2)
    x2, g2 = _tc_mid(s1p, g1, dinv, b1r, batchp, r, W2a, W2b)
    s2p, r2 = _sc_agg(pei, g2, x2, root2)
    return _tc_pool(s2p, g2, dinv, b2r, batchp, r2)

# --- scband reference (transcript-rebuilt; emitter-appended) ---
"""Pipeline reference for scband-tdrumor-gcn-9182640079570 (READ-ONLY COPY).

The authoritative reference and input builder live on the scoring server;
editing this copy changes nothing except your own understanding.
"""

import jax, jax.numpy as jnp
import numpy as np

N_NODES = 10000
N_EDGES = 320000
IN_FEATS = 128
HID_FEATS = 128
OUT_FEATS = 128
N_GRAPHS = 64


def gcn_conv(x, edge_index, W, b, num_nodes):
    # PyG-style GCNConv: x @ W, add self-loops, symmetric normalization, scatter-add aggregate, + bias
    h = x @ W
    loop = jnp.arange(num_nodes, dtype=edge_index.dtype)
    row = jnp.concatenate([edge_index[0], loop])
    col = jnp.concatenate([edge_index[1], loop])
    deg = jnp.zeros((num_nodes,), dtype=h.dtype).at[col].add(1.0)
    deg_inv_sqrt = jnp.where(deg > 0, 1.0 / jnp.sqrt(deg), 0.0)
    norm = deg_inv_sqrt[row] * deg_inv_sqrt[col]
    msg = h[row] * norm[:, None]
    out = jnp.zeros((num_nodes, h.shape[1]), dtype=h.dtype).at[col].add(msg)
    return out + b


def setup_inputs(seed: int = 0) -> dict:
    key = jax.random.key(seed)
    k1, k2, k3, k4, k5, k6, k7, k8 = jax.random.split(key, 8)
    x = jax.random.normal(k1, (N_NODES, IN_FEATS), dtype=jnp.float32)
    edge_index = jax.random.randint(k2, (2, N_EDGES), 0, N_NODES, dtype=jnp.int64)
    root_index = jax.random.randint(k3, (N_GRAPHS,), 0, N_NODES, dtype=jnp.int64)
    batch = jnp.sort(jax.random.randint(k4, (N_NODES,), 0, N_GRAPHS, dtype=jnp.int64))
    W1 = jax.random.normal(k5, (IN_FEATS, HID_FEATS), dtype=jnp.float32) * (1.0 / np.sqrt(IN_FEATS))
    b1 = jnp.zeros((HID_FEATS,), dtype=jnp.float32)
    W2 = jax.random.normal(k6, (HID_FEATS + IN_FEATS, OUT_FEATS), dtype=jnp.float32) * (1.0 / np.sqrt(HID_FEATS + IN_FEATS))
    b2 = jnp.zeros((OUT_FEATS,), dtype=jnp.float32)
    return {"x": x, "edge_index": edge_index, "root_index": root_index, "batch": batch,
            "W1": W1, "b1": b1, "W2": W2, "b2": b2}


def reference(x, edge_index, root_index, batch, W1, b1, W2, b2):
    num_nodes = x.shape[0]
    x1 = x
    h = gcn_conv(x, edge_index, W1, b1, num_nodes)
    x2 = h
    # vectorized equivalent of the per-batch python loop: root_extend[i] = x1[root_index[batch[i]]]
    root_extend = x1[root_index[batch]]
    h = jnp.concatenate([h, root_extend], axis=1)
    h = jax.nn.relu(h)
    # dropout is identity in eval mode
    h = gcn_conv(h, edge_index, W2, b2, num_nodes)
    h = jax.nn.relu(h)
    root_extend2 = x2[root_index[batch]]
    h = jnp.concatenate([h, root_extend2], axis=1)
    # scatter_mean over batch ids
    sums = jax.ops.segment_sum(h, batch, num_segments=N_GRAPHS)
    counts = jax.ops.segment_sum(jnp.ones((num_nodes,), dtype=h.dtype), batch, num_segments=N_GRAPHS)
    out = sums / jnp.clip(counts, 1.0)[:, None]
    return out

if __name__ == "__main__":
    import jax
    _d = setup_inputs()
    print(jax.jit(kernel)(*tuple(_d.values())))

</pallas_src>

<mosaic_0001>
#map = affine_map<(d0, d1) -> (0, 0, 0, 0)>
#map1 = affine_map<(d0, d1) -> (0, 0)>
module attributes {stable_mosaic.version = 14 : i64} {
  func.func @_deg_body(%arg0: i32, %arg1: i32, %arg2: memref<2x32x80x128xi32, #tpu.memory_space<hbm>>, %arg3: memref<32x10240xf32, #tpu.memory_space<hbm>>, %arg4: memref<80x128xi32, #tpu.memory_space<vmem>>, %arg5: memref<10240xf32, #tpu.memory_space<vmem>>) attributes {dimension_semantics = [#tpu.dimension_semantics<core_parallel>, #tpu.dimension_semantics<subcore_parallel>], iteration_bounds = array<i64: 2, 16>, scalar_prefetch = 0 : i64, scratch_operands = 2 : i64, tpu.core_type = #tpu.core_type<sc_vector_subcore>, window_params = [{transform_indices = #map}, {transform_indices = #map1}]} {
    %mul3A = arith.constant 16 : i32
    %mul3A_0 = arith.muli %arg0, %mul3A : i32
    %add3A = arith.addi %mul3A_0, %arg1 : i32
    %run_scoped3A = arith.constant 1 : i32
    "tpu.region"() ({
      %run_scoped3A_15 = tpu.sem_alloc : memref<!tpu.dma_semaphore, #tpu.memory_space<semaphore_mem>>
      %dma_start3A = arith.constant 0 : i32
      %dma_start3A_16 = arith.constant 0 : i32
      %dma_start3A_17 = tpu.memref_slice %arg2[%run_scoped3A, %add3A, %dma_start3A, %dma_start3A_16] : memref<2x32x80x128xi32, #tpu.memory_space<hbm>> -> memref<1x1x80x128xi32, #tpu.memory_space<hbm>>
      %dma_start3A_18 = tpu.memref_squeeze %dma_start3A_17 : memref<1x1x80x128xi32, #tpu.memory_space<hbm>> -> memref<80x128xi32, #tpu.memory_space<hbm>>
      %dma_start3A_19 = arith.constant 0 : i32
      %dma_start3A_20 = arith.constant 0 : i32
      %dma_start3A_21 = tpu.memref_slice %arg2[%run_scoped3A, %add3A, %dma_start3A_19, %dma_start3A_20] : memref<2x32x80x128xi32, #tpu.memory_space<hbm>> -> memref<1x1x80x128xi32, #tpu.memory_space<hbm>>
      %dma_start3A_22 = tpu.memref_squeeze %dma_start3A_21 : memref<1x1x80x128xi32, #tpu.memory_space<hbm>> -> memref<80x128xi32, #tpu.memory_space<hbm>>
      tpu.enqueue_dma source(%dma_start3A_22 : memref<80x128xi32, #tpu.memory_space<hbm>>) target(%arg4 : memref<80x128xi32, #tpu.memory_space<vmem>>) target_semaphore(%run_scoped3A_15 : memref<!tpu.dma_semaphore, #tpu.memory_space<semaphore_mem>>)
      %dma_wait3A = arith.constant 0 : i32
      %dma_wait3A_23 = arith.constant 0 : i32
      %dma_wait3A_24 = tpu.memref_slice %arg2[%run_scoped3A, %add3A, %dma_wait3A, %dma_wait3A_23] : memref<2x32x80x128xi32, #tpu.memory_space<hbm>> -> memref<1x1x80x128xi32, #tpu.memory_space<hbm>>
      %dma_wait3A_25 = tpu.memref_squeeze %dma_wait3A_24 : memref<1x1x80x128xi32, #tpu.memory_space<hbm>> -> memref<80x128xi32, #tpu.memory_space<hbm>>
      %dma_wait3A_26 = arith.constant 0 : i32
      %dma_wait3A_27 = arith.constant 0 : i32
      %dma_wait3A_28 = tpu.memref_slice %arg2[%run_scoped3A, %add3A, %dma_wait3A_26, %dma_wait3A_27] : memref<2x32x80x128xi32, #tpu.memory_space<hbm>> -> memref<1x1x80x128xi32, #tpu.memory_space<hbm>>
      %dma_wait3A_29 = tpu.memref_squeeze %dma_wait3A_28 : memref<1x1x80x128xi32, #tpu.memory_space<hbm>> -> memref<80x128xi32, #tpu.memory_space<hbm>>
      tpu.wait_dma2 semaphore(%run_scoped3A_15 : memref<!tpu.dma_semaphore, #tpu.memory_space<semaphore_mem>>) src(%dma_wait3A_29 : memref<80x128xi32, #tpu.memory_space<hbm>>) dst(%arg4 : memref<80x128xi32, #tpu.memory_space<vmem>>)
      tpu.yield
    }) : () -> ()
    %scan3A = arith.constant 0 : i32
    %scan3A_1 = arith.constant 0 : i32
    %scan3A_2 = arith.constant 640 : i32
    %scan3A_3 = arith.addi %scan3A_1, %scan3A_2 : i32
    %scan3A_4 = arith.constant 1 : i32
    %scan3A_5 = scf.for %scan3A_15 = %scan3A_1 to %scan3A_3 step %scan3A_4 iter_args(%scan3A_16 = %scan3A) -> (i32)  : i32 {
      %broadcast_in_dim3A_17 = arith.constant 0.000000e+00 : f32
      %broadcast_in_dim3A_18 = vector.broadcast %broadcast_in_dim3A_17 : f32 to vector<16xf32>
      %mul3A_19 = arith.constant 16 : i32
      %mul3A_20 = arith.muli %scan3A_15, %mul3A_19 : i32
      %swap3A = arith.index_cast %mul3A_20 : i32 to index
      %swap3A_21 = tpu.vector_load %arg5[%swap3A] {strides = array<i32>} : memref<10240xf32, #tpu.memory_space<vmem>>, vector<16xf32>,
      tpu.vector_store %arg5[%swap3A], %broadcast_in_dim3A_18 {strides = array<i32>} : memref<10240xf32, #tpu.memory_space<vmem>>, vector<16xf32>,
      %scan3A_22 = arith.constant 0 : i32
      scf.yield %scan3A_22 : i32
    }
    %scan3A_6 = arith.constant 640 : i32
    %broadcast_in_dim3A = arith.constant 1.000000e+00 : f32
    %broadcast_in_dim3A_7 = vector.broadcast %broadcast_in_dim3A : f32 to vector<16xf32>
    %scan3A_8 = arith.constant 0 : i32
    %scan3A_9 = arith.constant 0 : i32
    %scan3A_10 = arith.constant 80 : i32
    %scan3A_11 = arith.addi %scan3A_9, %scan3A_10 : i32
    %scan3A_12 = arith.constant 1 : i32
    %scan3A_13 = scf.for %scan3A_15 = %scan3A_9 to %scan3A_11 step %scan3A_12 iter_args(%scan3A_16 = %scan3A_8) -> (i32)  : i32 {
      %get3A = arith.index_cast %scan3A_15 : i32 to index
      %get3A_17 = arith.constant 0 : index
      %get3A_18 = tpu.vector_load %arg4[%get3A, %get3A_17] {strides = array<i32>} : memref<80x128xi32, #tpu.memory_space<vmem>>, vector<16xi32>,
      tpu.vector_store_idx %arg5[%get3A_18], %broadcast_in_dim3A_7 {add = true} : memref<10240xf32, #tpu.memory_space<vmem>>[vector<16xi32>], vector<16xf32>,
      %get3A_19 = arith.index_cast %scan3A_15 : i32 to index
      %get3A_20 = arith.constant 16 : index
      %get3A_21 = tpu.vector_load %arg4[%get3A_19, %get3A_20] {strides = array<i32>} : memref<80x128xi32, #tpu.memory_space<vmem>>, vector<16xi32>,
      tpu.vector_store_idx %arg5[%get3A_21], %broadcast_in_dim3A_7 {add = true} : memref<10240xf32, #tpu.memory_space<vmem>>[vector<16xi32>], vector<16xf32>,
      %get3A_22 = arith.index_cast %scan3A_15 : i32 to index
      %get3A_23 = arith.constant 32 : index
      %get3A_24 = tpu.vector_load %arg4[%get3A_22, %get3A_23] {strides = array<i32>} : memref<80x128xi32, #tpu.memory_space<vmem>>, vector<16xi32>,
      tpu.vector_store_idx %arg5[%get3A_24], %broadcast_in_dim3A_7 {add = true} : memref<10240xf32, #tpu.memory_space<vmem>>[vector<16xi32>], vector<16xf32>,
      %get3A_25 = arith.index_cast %scan3A_15 : i32 to index
      %get3A_26 = arith.constant 48 : index
      %get3A_27 = tpu.vector_load %arg4[%get3A_25, %get3A_26] {strides = array<i32>} : memref<80x128xi32, #tpu.memory_space<vmem>>, vector<16xi32>,
      tpu.vector_store_idx %arg5[%get3A_27], %broadcast_in_dim3A_7 {add = true} : memref<10240xf32, #tpu.memory_space<vmem>>[vector<16xi32>], vector<16xf32>,
      %get3A_28 = arith.index_cast %scan3A_15 : i32 to index
      %get3A_29 = arith.constant 64 : index
      %get3A_30 = tpu.vector_load %arg4[%get3A_28, %get3A_29] {strides = array<i32>} : memref<80x128xi32, #tpu.memory_space<vmem>>, vector<16xi32>,
      tpu.vector_store_idx %arg5[%get3A_30], %broadcast_in_dim3A_7 {add = true} : memref<10240xf32, #tpu.memory_space<vmem>>[vector<16xi32>], vector<16xf32>,
      %get3A_31 = arith.index_cast %scan3A_15 : i32 to index
      %get3A_32 = arith.constant 80 : index
      %get3A_33 = tpu.vector_load %arg4[%get3A_31, %get3A_32] {strides = array<i32>} : memref<80x128xi32, #tpu.memory_space<vmem>>, vector<16xi32>,
      tpu.vector_store_idx %arg5[%get3A_33], %broadcast_in_dim3A_7 {add = true} : memref<10240xf32, #tpu.memory_space<vmem>>[vector<16xi32>], vector<16xf32>,
      %get3A_34 = arith.index_cast %scan3A_15 : i32 to index
      %get3A_35 = arith.constant 96 : index
      %get3A_36 = tpu.vector_load %arg4[%get3A_34, %get3A_35] {strides = array<i32>} : memref<80x128xi32, #tpu.memory_space<vmem>>, vector<16xi32>,
      tpu.vector_store_idx %arg5[%get3A_36], %broadcast_in_dim3A_7 {add = true} : memref<10240xf32, #tpu.memory_space<vmem>>[vector<16xi32>], vector<16xf32>,
      %get3A_37 = arith.index_cast %scan3A_15 : i32 to index
      %get3A_38 = arith.constant 112 : index
      %get3A_39 = tpu.vector_load %arg4[%get3A_37, %get3A_38] {strides = array<i32>} : memref<80x128xi32, #tpu.memory_space<vmem>>, vector<16xi32>,
      tpu.vector_store_idx %arg5[%get3A_39], %broadcast_in_dim3A_7 {add = true} : memref<10240xf32, #tpu.memory_space<vmem>>[vector<16xi32>], vector<16xf32>,
      %scan3A_40 = arith.constant 0 : i32
      scf.yield %scan3A_40 : i32
    }
    %scan3A_14 = arith.constant 80 : i32
    "tpu.region"() ({
      %run_scoped3A_15 = tpu.sem_alloc : memref<!tpu.dma_semaphore, #tpu.memory_space<semaphore_mem>>
      %dma_start3A = arith.constant 0 : i32
      %dma_start3A_16 = tpu.memref_slice %arg3[%add3A, %dma_start3A] : memref<32x10240xf32, #tpu.memory_space<hbm>> -> memref<1x10240xf32, #tpu.memory_space<hbm>>
      %dma_start3A_17 = tpu.memref_squeeze %dma_start3A_16 : memref<1x10240xf32, #tpu.memory_space<hbm>> -> memref<10240xf32, #tpu.memory_space<hbm>>
      %dma_start3A_18 = arith.constant 0 : i32
      %dma_start3A_19 = tpu.memref_slice %arg3[%add3A, %dma_start3A_18] : memref<32x10240xf32, #tpu.memory_space<hbm>> -> memref<1x10240xf32, #tpu.memory_space<hbm>>
      %dma_start3A_20 = tpu.memref_squeeze %dma_start3A_19 : memref<1x10240xf32, #tpu.memory_space<hbm>> -> memref<10240xf32, #tpu.memory_space<hbm>>
      tpu.enqueue_dma source(%arg5 : memref<10240xf32, #tpu.memory_space<vmem>>) target(%dma_start3A_20 : memref<10240xf32, #tpu.memory_space<hbm>>) target_semaphore(%run_scoped3A_15 : memref<!tpu.dma_semaphore, #tpu.memory_space<semaphore_mem>>)
      %dma_wait3A = arith.constant 0 : i32
      %dma_wait3A_21 = tpu.memref_slice %arg3[%add3A, %dma_wait3A] : memref<32x10240xf32, #tpu.memory_space<hbm>> -> memref<1x10240xf32, #tpu.memory_space<hbm>>
      %dma_wait3A_22 = tpu.memref_squeeze %dma_wait3A_21 : memref<1x10240xf32, #tpu.memory_space<hbm>> -> memref<10240xf32, #tpu.memory_space<hbm>>
      %dma_wait3A_23 = arith.constant 0 : i32
      %dma_wait3A_24 = tpu.memref_slice %arg3[%add3A, %dma_wait3A_23] : memref<32x10240xf32, #tpu.memory_space<hbm>> -> memref<1x10240xf32, #tpu.memory_space<hbm>>
      %dma_wait3A_25 = tpu.memref_squeeze %dma_wait3A_24 : memref<1x10240xf32, #tpu.memory_space<hbm>> -> memref<10240xf32, #tpu.memory_space<hbm>>
      tpu.wait_dma2 semaphore(%run_scoped3A_15 : memref<!tpu.dma_semaphore, #tpu.memory_space<semaphore_mem>>) src(%arg5 : memref<10240xf32, #tpu.memory_space<vmem>>) dst(%dma_wait3A_25 : memref<10240xf32, #tpu.memory_space<hbm>>)
      tpu.yield
    }) : () -> ()
    return
  }
}

#map = affine_map<(d0, d1) -> (0, 0, 0, 0)>
#map1 = affine_map<(d0, d1) -> (0, 0)>
#map2 = affine_map<(d0, d1) -> (0, 0, 0)>
module attributes {stable_mosaic.version = 14 : i64} {
  func.func @_agg_body(%arg0: i32, %arg1: i32, %arg2: memref<2x32x80x128xi32, #tpu.memory_space<hbm>>, %arg3: memref<10240x128xf32, #tpu.memory_space<hbm>>, %arg4: memref<10240x128xf32, #tpu.memory_space<hbm>>, %arg5: memref<32x2xi32, #tpu.memory_space<hbm>>, %arg6: memref<2x10240x128xf32, #tpu.memory_space<hbm>>, %arg7: memref<64x128xf32, #tpu.memory_space<hbm>>, %arg8: memref<40x128xi32, #tpu.memory_space<vmem>>, %arg9: memref<40x128xi32, #tpu.memory_space<vmem>>, %arg10: memref<128x128xf32, #tpu.memory_space<vmem>>, %arg11: memref<128x128xf32, #tpu.memory_space<vmem>>, %arg12: memref<2xi32, #tpu.memory_space<vmem>>, %arg13: memref<2x128xf32, #tpu.memory_space<vmem>>, %arg14: memref<10240x128xf32, #tpu.memory_space<vmem_shared>>, %arg15: memref<!tpu.dma_semaphore, #tpu.memory_space<semaphore_mem>>, %arg16: memref<!tpu.dma_semaphore, #tpu.memory_space<semaphore_mem>>) attributes {dimension_semantics = [#tpu.dimension_semantics<core_parallel>, #tpu.dimension_semantics<subcore_parallel>], iteration_bounds = array<i64: 2, 16>, scalar_prefetch = 0 : i64, scratch_operands = 9 : i64, tpu.core_type = #tpu.core_type<sc_vector_subcore>, window_params = [{transform_indices = #map}, {transform_indices = #map1}, {transform_indices = #map1}, {transform_indices = #map1}, {transform_indices = #map2}, {transform_indices = #map1}]} {
    %mul3A = arith.constant 16 : i32
    %mul3A_0 = arith.muli %arg0, %mul3A : i32
    %add3A = arith.addi %mul3A_0, %arg1 : i32
    %scan3A = arith.constant 0 : i32
    %scan3A_1 = arith.constant 0 : i32
    %scan3A_2 = arith.constant 128 : i32
    %scan3A_3 = arith.addi %scan3A_1, %scan3A_2 : i32
    %scan3A_4 = arith.constant 1 : i32
    %scan3A_5 = scf.for %scan3A_95 = %scan3A_1 to %scan3A_3 step %scan3A_4 iter_args(%scan3A_96 = %scan3A) -> (i32)  : i32 {
      %broadcast_in_dim3A = arith.constant 0.000000e+00 : f32
      %broadcast_in_dim3A_97 = vector.broadcast %broadcast_in_dim3A : f32 to vector<16xf32>
      %swap3A = arith.index_cast %scan3A_95 : i32 to index
      %swap3A_98 = arith.constant 0 : index
      %swap3A_99 = tpu.vector_load %arg10[%swap3A, %swap3A_98] {strides = array<i32>} : memref<128x128xf32, #tpu.memory_space<vmem>>, vector<16xf32>,
      tpu.vector_store %arg10[%swap3A, %swap3A_98], %broadcast_in_dim3A_97 {strides = array<i32>} : memref<128x128xf32, #tpu.memory_space<vmem>>, vector<16xf32>,
      %broadcast_in_dim3A_100 = arith.constant 0.000000e+00 : f32
      %broadcast_in_dim3A_101 = vector.broadcast %broadcast_in_dim3A_100 : f32 to vector<16xf32>
      %swap3A_102 = arith.index_cast %scan3A_95 : i32 to index
      %swap3A_103 = arith.constant 16 : index
      %swap3A_104 = tpu.vector_load %arg10[%swap3A_102, %swap3A_103] {strides = array<i32>} : memref<128x128xf32, #tpu.memory_space<vmem>>, vector<16xf32>,
      tpu.vector_store %arg10[%swap3A_102, %swap3A_103], %broadcast_in_dim3A_101 {strides = array<i32>} : memref<128x128xf32, #tpu.memory_space<vmem>>, vector<16xf32>,
      %broadcast_in_dim3A_105 = arith.constant 0.000000e+00 : f32
      %broadcast_in_dim3A_106 = vector.broadcast %broadcast_in_dim3A_105 : f32 to vector<16xf32>
      %swap3A_107 = arith.index_cast %scan3A_95 : i32 to index
      %swap3A_108 = arith.constant 32 : index
      %swap3A_109 = tpu.vector_load %arg10[%swap3A_107, %swap3A_108] {strides = array<i32>} : memref<128x128xf32, #tpu.memory_space<vmem>>, vector<16xf32>,
      tpu.vector_store %arg10[%swap3A_107, %swap3A_108], %broadcast_in_dim3A_106 {strides = array<i32>} : memref<128x128xf32, #tpu.memory_space<vmem>>, vector<16xf32>,
      %broadcast_in_dim3A_110 = arith.constant 0.000000e+00 : f32
      %broadcast_in_dim3A_111 = vector.broadcast %broadcast_in_dim3A_110 : f32 to vector<16xf32>
      %swap3A_112 = arith.index_cast %scan3A_95 : i32 to index
      %swap3A_113 = arith.constant 48 : index
      %swap3A_114 = tpu.vector_load %arg10[%swap3A_112, %swap3A_113] {strides = array<i32>} : memref<128x128xf32, #tpu.memory_space<vmem>>, vector<16xf32>,
      tpu.vector_store %arg10[%swap3A_112, %swap3A_113], %broadcast_in_dim3A_111 {strides = array<i32>} : memref<128x128xf32, #tpu.memory_space<vmem>>, vector<16xf32>,
      %broadcast_in_dim3A_115 = arith.constant 0.000000e+00 : f32
      %broadcast_in_dim3A_116 = vector.broadcast %broadcast_in_dim3A_115 : f32 to vector<16xf32>
      %swap3A_117 = arith.index_cast %scan3A_95 : i32 to index
      %swap3A_118 = arith.constant 64 : index
      %swap3A_119 = tpu.vector_load %arg10[%swap3A_117, %swap3A_118] {strides = array<i32>} : memref<128x128xf32, #tpu.memory_space<vmem>>, vector<16xf32>,
      tpu.vector_store %arg10[%swap3A_117, %swap3A_118], %broadcast_in_dim3A_116 {strides = array<i32>} : memref<128x128xf32, #tpu.memory_space<vmem>>, vector<16xf32>,
      %broadcast_in_dim3A_120 = arith.constant 0.000000e+00 : f32
      %broadcast_in_dim3A_121 = vector.broadcast %broadcast_in_dim3A_120 : f32 to vector<16xf32>
      %swap3A_122 = arith.index_cast %scan3A_95 : i32 to index
      %swap3A_123 = arith.constant 80 : index
      %swap3A_124 = tpu.vector_load %arg10[%swap3A_122, %swap3A_123] {strides = array<i32>} : memref<128x128xf32, #tpu.memory_space<vmem>>, vector<16xf32>,
      tpu.vector_store %arg10[%swap3A_122, %swap3A_123], %broadcast_in_dim3A_121 {strides = array<i32>} : memref<128x128xf32, #tpu.memory_space<vmem>>, vector<16xf32>,
      %broadcast_in_dim3A_125 = arith.constant 0.000000e+00 : f32
      %broadcast_in_dim3A_126 = vector.broadcast %broadcast_in_dim3A_125 : f32 to vector<16xf32>
      %swap3A_127 = arith.index_cast %scan3A_95 : i32 to index
      %swap3A_128 = arith.constant 96 : index
      %swap3A_129 = tpu.vector_load %arg10[%swap3A_127, %swap3A_128] {strides = array<i32>} : memref<128x128xf32, #tpu.memory_space<vmem>>, vector<16xf32>,
      tpu.vector_store %arg10[%swap3A_127, %swap3A_128], %broadcast_in_dim3A_126 {strides = array<i32>} : memref<128x128xf32, #tpu.memory_space<vmem>>, vector<16xf32>,
      %broadcast_in_dim3A_130 = arith.constant 0.000000e+00 : f32
      %broadcast_in_dim3A_131 = vector.broadcast %broadcast_in_dim3A_130 : f32 to vector<16xf32>
      %swap3A_132 = arith.index_cast %scan3A_95 : i32 to index
      %swap3A_133 = arith.constant 112 : index
      %swap3A_134 = tpu.vector_load %arg10[%swap3A_132, %swap3A_133] {strides = array<i32>} : memref<128x128xf32, #tpu.memory_space<vmem>>, vector<16xf32>,
      tpu.vector_store %arg10[%swap3A_132, %swap3A_133], %broadcast_in_dim3A_131 {strides = array<i32>} : memref<128x128xf32, #tpu.memory_space<vmem>>, vector<16xf32>,
      %scan3A_135 = arith.constant 0 : i32
      scf.yield %scan3A_135 : i32
    }
    %scan3A_6 = arith.constant 128 : i32
    %mul3A_7 = arith.constant 640 : i32
    %mul3A_8 = arith.muli %arg1, %mul3A_7 : i32
    %add3A_9 = arith.constant 0 : i32
    %add3A_10 = arith.addi %mul3A_8, %add3A_9 : i32
    "tpu.region"() ({
      %run_scoped3A_95 = tpu.sem_alloc : memref<!tpu.dma_semaphore, #tpu.memory_space<semaphore_mem>>
      %dma_start3A_96 = arith.constant 0 : i32
      %dma_start3A_97 = tpu.memref_slice %arg14[%add3A_10, %dma_start3A_96] : memref<10240x128xf32, #tpu.memory_space<vmem_shared>> -> memref<128x128xf32, #tpu.memory_space<vmem_shared>>
      %dma_start3A_98 = arith.constant 0 : i32
      %dma_start3A_99 = tpu.memref_slice %arg14[%add3A_10, %dma_start3A_98] : memref<10240x128xf32, #tpu.memory_space<vmem_shared>> -> memref<128x128xf32, #tpu.memory_space<vmem_shared>>
      tpu.enqueue_dma source(%arg10 : memref<128x128xf32, #tpu.memory_space<vmem>>) target(%dma_start3A_99 : memref<128x128xf32, #tpu.memory_space<vmem_shared>>) target_semaphore(%run_scoped3A_95 : memref<!tpu.dma_semaphore, #tpu.memory_space<semaphore_mem>>)
      %dma_wait3A_100 = arith.constant 0 : i32
      %dma_wait3A_101 = tpu.memref_slice %arg14[%add3A_10, %dma_wait3A_100] : memref<10240x128xf32, #tpu.memory_space<vmem_shared>> -> memref<128x128xf32, #tpu.memory_space<vmem_shared>>
      %dma_wait3A_102 = arith.constant 0 : i32
      %dma_wait3A_103 = tpu.memref_slice %arg14[%add3A_10, %dma_wait3A_102] : memref<10240x128xf32, #tpu.memory_space<vmem_shared>> -> memref<128x128xf32, #tpu.memory_space<vmem_shared>>
      tpu.wait_dma2 semaphore(%run_scoped3A_95 : memref<!tpu.dma_semaphore, #tpu.memory_space<semaphore_mem>>) src(%arg10 : memref<128x128xf32, #tpu.memory_space<vmem>>) dst(%dma_wait3A_103 : memref<128x128xf32, #tpu.memory_space<vmem_shared>>)
      tpu.yield
    }) : () -> ()
    %mul3A_11 = arith.constant 640 : i32
    %mul3A_12 = arith.muli %arg1, %mul3A_11 : i32
    %add3A_13 = arith.constant 128 : i32
    %add3A_14 = arith.addi %mul3A_12, %add3A_13 : i32
    "tpu.region"() ({
      %run_scoped3A_95 = tpu.sem_alloc : memref<!tpu.dma_semaphore, #tpu.memory_space<semaphore_mem>>
      %dma_start3A_96 = arith.constant 0 : i32
      %dma_start3A_97 = tpu.memref_slice %arg14[%add3A_14, %dma_start3A_96] : memref<10240x128xf32, #tpu.memory_space<vmem_shared>> -> memref<128x128xf32, #tpu.memory_space<vmem_shared>>
      %dma_start3A_98 = arith.constant 0 : i32
      %dma_start3A_99 = tpu.memref_slice %arg14[%add3A_14, %dma_start3A_98] : memref<10240x128xf32, #tpu.memory_space<vmem_shared>> -> memref<128x128xf32, #tpu.memory_space<vmem_shared>>
      tpu.enqueue_dma source(%arg10 : memref<128x128xf32, #tpu.memory_space<vmem>>) target(%dma_start3A_99 : memref<128x128xf32, #tpu.memory_space<vmem_shared>>) target_semaphore(%run_scoped3A_95 : memref<!tpu.dma_semaphore, #tpu.memory_space<semaphore_mem>>)
      %dma_wait3A_100 = arith.constant 0 : i32
      %dma_wait3A_101 = tpu.memref_slice %arg14[%add3A_14, %dma_wait3A_100] : memref<10240x128xf32, #tpu.memory_space<vmem_shared>> -> memref<128x128xf32, #tpu.memory_space<vmem_shared>>
      %dma_wait3A_102 = arith.constant 0 : i32
      %dma_wait3A_103 = tpu.memref_slice %arg14[%add3A_14, %dma_wait3A_102] : memref<10240x128xf32, #tpu.memory_space<vmem_shared>> -> memref<128x128xf32, #tpu.memory_space<vmem_shared>>
      tpu.wait_dma2 semaphore(%run_scoped3A_95 : memref<!tpu.dma_semaphore, #tpu.memory_space<semaphore_mem>>) src(%arg10 : memref<128x128xf32, #tpu.memory_space<vmem>>) dst(%dma_wait3A_103 : memref<128x128xf32, #tpu.memory_space<vmem_shared>>)
      tpu.yield
    }) : () -> ()
    %mul3A_15 = arith.constant 640 : i32
    %mul3A_16 = arith.muli %arg1, %mul3A_15 : i32
    %add3A_17 = arith.constant 256 : i32
    %add3A_18 = arith.addi %mul3A_16, %add3A_17 : i32
    "tpu.region"() ({
      %run_scoped3A_95 = tpu.sem_alloc : memref<!tpu.dma_semaphore, #tpu.memory_space<semaphore_mem>>
      %dma_start3A_96 = arith.constant 0 : i32
      %dma_start3A_97 = tpu.memref_slice %arg14[%add3A_18, %dma_start3A_96] : memref<10240x128xf32, #tpu.memory_space<vmem_shared>> -> memref<128x128xf32, #tpu.memory_space<vmem_shared>>
      %dma_start3A_98 = arith.constant 0 : i32
      %dma_start3A_99 = tpu.memref_slice %arg14[%add3A_18, %dma_start3A_98] : memref<10240x128xf32, #tpu.memory_space<vmem_shared>> -> memref<128x128xf32, #tpu.memory_space<vmem_shared>>
      tpu.enqueue_dma source(%arg10 : memref<128x128xf32, #tpu.memory_space<vmem>>) target(%dma_start3A_99 : memref<128x128xf32, #tpu.memory_space<vmem_shared>>) target_semaphore(%run_scoped3A_95 : memref<!tpu.dma_semaphore, #tpu.memory_space<semaphore_mem>>)
      %dma_wait3A_100 = arith.constant 0 : i32
      %dma_wait3A_101 = tpu.memref_slice %arg14[%add3A_18, %dma_wait3A_100] : memref<10240x128xf32, #tpu.memory_space<vmem_shared>> -> memref<128x128xf32, #tpu.memory_space<vmem_shared>>
      %dma_wait3A_102 = arith.constant 0 : i32
      %dma_wait3A_103 = tpu.memref_slice %arg14[%add3A_18, %dma_wait3A_102] : memref<10240x128xf32, #tpu.memory_space<vmem_shared>> -> memref<128x128xf32, #tpu.memory_space<vmem_shared>>
      tpu.wait_dma2 semaphore(%run_scoped3A_95 : memref<!tpu.dma_semaphore, #tpu.memory_space<semaphore_mem>>) src(%arg10 : memref<128x128xf32, #tpu.memory_space<vmem>>) dst(%dma_wait3A_103 : memref<128x128xf32, #tpu.memory_space<vmem_shared>>)
      tpu.yield
    }) : () -> ()
    %mul3A_19 = arith.constant 640 : i32
    %mul3A_20 = arith.muli %arg1, %mul3A_19 : i32
    %add3A_21 = arith.constant 384 : i32
    %add3A_22 = arith.addi %mul3A_20, %add3A_21 : i32
    "tpu.region"() ({
      %run_scoped3A_95 = tpu.sem_alloc : memref<!tpu.dma_semaphore, #tpu.memory_space<semaphore_mem>>
      %dma_start3A_96 = arith.constant 0 : i32
      %dma_start3A_97 = tpu.memref_slice %arg14[%add3A_22, %dma_start3A_96] : memref<10240x128xf32, #tpu.memory_space<vmem_shared>> -> memref<128x128xf32, #tpu.memory_space<vmem_shared>>
      %dma_start3A_98 = arith.constant 0 : i32
      %dma_start3A_99 = tpu.memref_slice %arg14[%add3A_22, %dma_start3A_98] : memref<10240x128xf32, #tpu.memory_space<vmem_shared>> -> memref<128x128xf32, #tpu.memory_space<vmem_shared>>
      tpu.enqueue_dma source(%arg10 : memref<128x128xf32, #tpu.memory_space<vmem>>) target(%dma_start3A_99 : memref<128x128xf32, #tpu.memory_space<vmem_shared>>) target_semaphore(%run_scoped3A_95 : memref<!tpu.dma_semaphore, #tpu.memory_space<semaphore_mem>>)
      %dma_wait3A_100 = arith.constant 0 : i32
      %dma_wait3A_101 = tpu.memref_slice %arg14[%add3A_22, %dma_wait3A_100] : memref<10240x128xf32, #tpu.memory_space<vmem_shared>> -> memref<128x128xf32, #tpu.memory_space<vmem_shared>>
      %dma_wait3A_102 = arith.constant 0 : i32
      %dma_wait3A_103 = tpu.memref_slice %arg14[%add3A_22, %dma_wait3A_102] : memref<10240x128xf32, #tpu.memory_space<vmem_shared>> -> memref<128x128xf32, #tpu.memory_space<vmem_shared>>
      tpu.wait_dma2 semaphore(%run_scoped3A_95 : memref<!tpu.dma_semaphore, #tpu.memory_space<semaphore_mem>>) src(%arg10 : memref<128x128xf32, #tpu.memory_space<vmem>>) dst(%dma_wait3A_103 : memref<128x128xf32, #tpu.memory_space<vmem_shared>>)
      tpu.yield
    }) : () -> ()
    %mul3A_23 = arith.constant 640 : i32
    %mul3A_24 = arith.muli %arg1, %mul3A_23 : i32
    %add3A_25 = arith.constant 512 : i32
    %add3A_26 = arith.addi %mul3A_24, %add3A_25 : i32
    "tpu.region"() ({
      %run_scoped3A_95 = tpu.sem_alloc : memref<!tpu.dma_semaphore, #tpu.memory_space<semaphore_mem>>
      %dma_start3A_96 = arith.constant 0 : i32
      %dma_start3A_97 = tpu.memref_slice %arg14[%add3A_26, %dma_start3A_96] : memref<10240x128xf32, #tpu.memory_space<vmem_shared>> -> memref<128x128xf32, #tpu.memory_space<vmem_shared>>
      %dma_start3A_98 = arith.constant 0 : i32
      %dma_start3A_99 = tpu.memref_slice %arg14[%add3A_26, %dma_start3A_98] : memref<10240x128xf32, #tpu.memory_space<vmem_shared>> -> memref<128x128xf32, #tpu.memory_space<vmem_shared>>
      tpu.enqueue_dma source(%arg10 : memref<128x128xf32, #tpu.memory_space<vmem>>) target(%dma_start3A_99 : memref<128x128xf32, #tpu.memory_space<vmem_shared>>) target_semaphore(%run_scoped3A_95 : memref<!tpu.dma_semaphore, #tpu.memory_space<semaphore_mem>>)
      %dma_wait3A_100 = arith.constant 0 : i32
      %dma_wait3A_101 = tpu.memref_slice %arg14[%add3A_26, %dma_wait3A_100] : memref<10240x128xf32, #tpu.memory_space<vmem_shared>> -> memref<128x128xf32, #tpu.memory_space<vmem_shared>>
      %dma_wait3A_102 = arith.constant 0 : i32
      %dma_wait3A_103 = tpu.memref_slice %arg14[%add3A_26, %dma_wait3A_102] : memref<10240x128xf32, #tpu.memory_space<vmem_shared>> -> memref<128x128xf32, #tpu.memory_space<vmem_shared>>
      tpu.wait_dma2 semaphore(%run_scoped3A_95 : memref<!tpu.dma_semaphore, #tpu.memory_space<semaphore_mem>>) src(%arg10 : memref<128x128xf32, #tpu.memory_space<vmem>>) dst(%dma_wait3A_103 : memref<128x128xf32, #tpu.memory_space<vmem_shared>>)
      tpu.yield
    }) : () -> ()
    %barrier3A = arith.constant 0 : index
    tpu.barrier barrier_id(%barrier3A)
    %run_scoped3A = arith.constant 0 : i32
    "tpu.region"() ({
      %run_scoped3A_95 = tpu.sem_alloc : memref<!tpu.dma_semaphore, #tpu.memory_space<semaphore_mem>>
      %dma_start3A_96 = arith.constant 0 : i32
      %dma_start3A_97 = arith.constant 0 : i32
      %dma_start3A_98 = tpu.memref_slice %arg2[%run_scoped3A, %add3A, %dma_start3A_96, %dma_start3A_97] : memref<2x32x80x128xi32, #tpu.memory_space<hbm>> -> memref<1x1x40x128xi32, #tpu.memory_space<hbm>>
      %dma_start3A_99 = tpu.memref_squeeze %dma_start3A_98 : memref<1x1x40x128xi32, #tpu.memory_space<hbm>> -> memref<40x128xi32, #tpu.memory_space<hbm>>
      %dma_start3A_100 = arith.constant 0 : i32
      %dma_start3A_101 = arith.constant 0 : i32
      %dma_start3A_102 = tpu.memref_slice %arg2[%run_scoped3A, %add3A, %dma_start3A_100, %dma_start3A_101] : memref<2x32x80x128xi32, #tpu.memory_space<hbm>> -> memref<1x1x40x128xi32, #tpu.memory_space<hbm>>
      %dma_start3A_103 = tpu.memref_squeeze %dma_start3A_102 : memref<1x1x40x128xi32, #tpu.memory_space<hbm>> -> memref<40x128xi32, #tpu.memory_space<hbm>>
      tpu.enqueue_dma source(%dma_start3A_103 : memref<40x128xi32, #tpu.memory_space<hbm>>) target(%arg8 : memref<40x128xi32, #tpu.memory_space<vmem>>) target_semaphore(%run_scoped3A_95 : memref<!tpu.dma_semaphore, #tpu.memory_space<semaphore_mem>>)
      %dma_wait3A_104 = arith.constant 0 : i32
      %dma_wait3A_105 = arith.constant 0 : i32
      %dma_wait3A_106 = tpu.memref_slice %arg2[%run_scoped3A, %add3A, %dma_wait3A_104, %dma_wait3A_105] : memref<2x32x80x128xi32, #tpu.memory_space<hbm>> -> memref<1x1x40x128xi32, #tpu.memory_space<hbm>>
      %dma_wait3A_107 = tpu.memref_squeeze %dma_wait3A_106 : memref<1x1x40x128xi32, #tpu.memory_space<hbm>> -> memref<40x128xi32, #tpu.memory_space<hbm>>
      %dma_wait3A_108 = arith.constant 0 : i32
      %dma_wait3A_109 = arith.constant 0 : i32
      %dma_wait3A_110 = tpu.memref_slice %arg2[%run_scoped3A, %add3A, %dma_wait3A_108, %dma_wait3A_109] : memref<2x32x80x128xi32, #tpu.memory_space<hbm>> -> memref<1x1x40x128xi32, #tpu.memory_space<hbm>>
      %dma_wait3A_111 = tpu.memref_squeeze %dma_wait3A_110 : memref<1x1x40x128xi32, #tpu.memory_space<hbm>> -> memref<40x128xi32, #tpu.memory_space<hbm>>
      tpu.wait_dma2 semaphore(%run_scoped3A_95 : memref<!tpu.dma_semaphore, #tpu.memory_space<semaphore_mem>>) src(%dma_wait3A_111 : memref<40x128xi32, #tpu.memory_space<hbm>>) dst(%arg8 : memref<40x128xi32, #tpu.memory_space<vmem>>)
      tpu.yield
    }) : () -> ()
    %run_scoped3A_27 = arith.constant 1 : i32
    "tpu.region"() ({
      %run_scoped3A_95 = tpu.sem_alloc : memref<!tpu.dma_semaphore, #tpu.memory_space<semaphore_mem>>
      %dma_start3A_96 = arith.constant 0 : i32
      %dma_start3A_97 = arith.constant 0 : i32
      %dma_start3A_98 = tpu.memref_slice %arg2[%run_scoped3A_27, %add3A, %dma_start3A_96, %dma_start3A_97] : memref<2x32x80x128xi32, #tpu.memory_space<hbm>> -> memref<1x1x40x128xi32, #tpu.memory_space<hbm>>
      %dma_start3A_99 = tpu.memref_squeeze %dma_start3A_98 : memref<1x1x40x128xi32, #tpu.memory_space<hbm>> -> memref<40x128xi32, #tpu.memory_space<hbm>>
      %dma_start3A_100 = arith.constant 0 : i32
      %dma_start3A_101 = arith.constant 0 : i32
      %dma_start3A_102 = tpu.memref_slice %arg2[%run_scoped3A_27, %add3A, %dma_start3A_100, %dma_start3A_101] : memref<2x32x80x128xi32, #tpu.memory_space<hbm>> -> memref<1x1x40x128xi32, #tpu.memory_space<hbm>>
      %dma_start3A_103 = tpu.memref_squeeze %dma_start3A_102 : memref<1x1x40x128xi32, #tpu.memory_space<hbm>> -> memref<40x128xi32, #tpu.memory_space<hbm>>
      tpu.enqueue_dma source(%dma_start3A_103 : memref<40x128xi32, #tpu.memory_space<hbm>>) target(%arg9 : memref<40x128xi32, #tpu.memory_space<vmem>>) target_semaphore(%run_scoped3A_95 : memref<!tpu.dma_semaphore, #tpu.memory_space<semaphore_mem>>)
      %dma_wait3A_104 = arith.constant 0 : i32
      %dma_wait3A_105 = arith.constant 0 : i32
      %dma_wait3A_106 = tpu.memref_slice %arg2[%run_scoped3A_27, %add3A, %dma_wait3A_104, %dma_wait3A_105] : memref<2x32x80x128xi32, #tpu.memory_space<hbm>> -> memref<1x1x40x128xi32, #tpu.memory_space<hbm>>
      %dma_wait3A_107 = tpu.memref_squeeze %dma_wait3A_106 : memref<1x1x40x128xi32, #tpu.memory_space<hbm>> -> memref<40x128xi32, #tpu.memory_space<hbm>>
      %dma_wait3A_108 = arith.constant 0 : i32
      %dma_wait3A_109 = arith.constant 0 : i32
      %dma_wait3A_110 = tpu.memref_slice %arg2[%run_scoped3A_27, %add3A, %dma_wait3A_108, %dma_wait3A_109] : memref<2x32x80x128xi32, #tpu.memory_space<hbm>> -> memref<1x1x40x128xi32, #tpu.memory_space<hbm>>
      %dma_wait3A_111 = tpu.memref_squeeze %dma_wait3A_110 : memref<1x1x40x128xi32, #tpu.memory_space<hbm>> -> memref<40x128xi32, #tpu.memory_space<hbm>>
      tpu.wait_dma2 semaphore(%run_scoped3A_95 : memref<!tpu.dma_semaphore, #tpu.memory_space<semaphore_mem>>) src(%dma_wait3A_111 : memref<40x128xi32, #tpu.memory_space<hbm>>) dst(%arg9 : memref<40x128xi32, #tpu.memory_space<vmem>>)
      tpu.yield
    }) : () -> ()
    %dma_start3A = arith.constant 0 : i32
    %dma_start3A_28 = arith.constant 0 : i32
    %dma_start3A_29 = arith.constant 0 : i32
    %dma_start3A_30 = tpu.memref_slice %arg10[%dma_start3A_28, %dma_start3A_29] : memref<128x128xf32, #tpu.memory_space<vmem>> -> memref<64x128xf32, #tpu.memory_space<vmem>>
    %dma_start3A_31 = arith.constant 0 : i32
    %dma_start3A_32 = tpu.memref_slice %arg8[%dma_start3A, %dma_start3A_31] : memref<40x128xi32, #tpu.memory_space<vmem>> -> memref<1x64xi32, #tpu.memory_space<vmem>>
    %dma_start3A_33 = tpu.memref_squeeze %dma_start3A_32 : memref<1x64xi32, #tpu.memory_space<vmem>> -> memref<64xi32, #tpu.memory_space<vmem>>
    %dma_start3A_34 = arith.constant 0 : i32
    %dma_start3A_35 = arith.constant 0 : i32
    %dma_start3A_36 = tpu.memref_slice %arg3[%dma_start3A_34, %dma_start3A_35] : memref<10240x128xf32, #tpu.memory_space<hbm>> -> memref<10240x128xf32, #tpu.memory_space<hbm>>
    tpu.enqueue_indirect_dma source(%dma_start3A_36 : memref<10240x128xf32, #tpu.memory_space<hbm>>) target(%dma_start3A_30 : memref<64x128xf32, #tpu.memory_space<vmem>>) offsets(%dma_start3A_33 : memref<64xi32, #tpu.memory_space<vmem>>) semaphore(%arg15 : memref<!tpu.dma_semaphore, #tpu.memory_space<semaphore_mem>>)
    %dma_start3A_37 = arith.constant 0 : i32
    %dma_start3A_38 = arith.constant 64 : i32
    %dma_start3A_39 = arith.constant 0 : i32
    %dma_start3A_40 = tpu.memref_slice %arg10[%dma_start3A_38, %dma_start3A_39] : memref<128x128xf32, #tpu.memory_space<vmem>> -> memref<64x128xf32, #tpu.memory_space<vmem>>
    %dma_start3A_41 = arith.constant 64 : i32
    %dma_start3A_42 = tpu.memref_slice %arg8[%dma_start3A_37, %dma_start3A_41] : memref<40x128xi32, #tpu.memory_space<vmem>> -> memref<1x64xi32, #tpu.memory_space<vmem>>
    %dma_start3A_43 = tpu.memref_squeeze %dma_start3A_42 : memref<1x64xi32, #tpu.memory_space<vmem>> -> memref<64xi32, #tpu.memory_space<vmem>>
    %dma_start3A_44 = arith.constant 0 : i32
    %dma_start3A_45 = arith.constant 0 : i32
    %dma_start3A_46 = tpu.memref_slice %arg3[%dma_start3A_44, %dma_start3A_45] : memref<10240x128xf32, #tpu.memory_space<hbm>> -> memref<10240x128xf32, #tpu.memory_space<hbm>>
    tpu.enqueue_indirect_dma source(%dma_start3A_46 : memref<10240x128xf32, #tpu.memory_space<hbm>>) target(%dma_start3A_40 : memref<64x128xf32, #tpu.memory_space<vmem>>) offsets(%dma_start3A_43 : memref<64xi32, #tpu.memory_space<vmem>>) semaphore(%arg15 : memref<!tpu.dma_semaphore, #tpu.memory_space<semaphore_mem>>)
    %scan3A_47 = arith.constant 0 : i32
    %scan3A_48 = arith.constant 0 : i32
    %scan3A_49 = arith.constant 20 : i32
    %scan3A_50 = arith.addi %scan3A_48, %scan3A_49 : i32
    %scan3A_51 = arith.constant 1 : i32
    %scan3A_52 = scf.for %scan3A_95 = %scan3A_48 to %scan3A_50 step %scan3A_51 iter_args(%scan3A_96 = %scan3A_47) -> (i32)  : i32 {
      %mul3A_97 = arith.constant 2 : i32
      %mul3A_98 = arith.muli %scan3A_95, %mul3A_97 : i32
      %add3A_99 = arith.constant 1 : i32
      %add3A_100 = arith.addi %mul3A_98, %add3A_99 : i32
      %dma_start3A_101 = arith.constant 0 : i32
      %dma_start3A_102 = arith.constant 0 : i32
      %dma_start3A_103 = tpu.memref_slice %arg11[%dma_start3A_101, %dma_start3A_102] : memref<128x128xf32, #tpu.memory_space<vmem>> -> memref<64x128xf32, #tpu.memory_space<vmem>>
      %dma_start3A_104 = arith.constant 0 : i32
      %dma_start3A_105 = tpu.memref_slice %arg8[%add3A_100, %dma_start3A_104] : memref<40x128xi32, #tpu.memory_space<vmem>> -> memref<1x64xi32, #tpu.memory_space<vmem>>
      %dma_start3A_106 = tpu.memref_squeeze %dma_start3A_105 : memref<1x64xi32, #tpu.memory_space<vmem>> -> memref<64xi32, #tpu.memory_space<vmem>>
      %dma_start3A_107 = arith.constant 0 : i32
      %dma_start3A_108 = arith.constant 0 : i32
      %dma_start3A_109 = tpu.memref_slice %arg3[%dma_start3A_107, %dma_start3A_108] : memref<10240x128xf32, #tpu.memory_space<hbm>> -> memref<10240x128xf32, #tpu.memory_space<hbm>>
      tpu.enqueue_indirect_dma source(%dma_start3A_109 : memref<10240x128xf32, #tpu.memory_space<hbm>>) target(%dma_start3A_103 : memref<64x128xf32, #tpu.memory_space<vmem>>) offsets(%dma_start3A_106 : memref<64xi32, #tpu.memory_space<vmem>>) semaphore(%arg16 : memref<!tpu.dma_semaphore, #tpu.memory_space<semaphore_mem>>)
      %dma_start3A_110 = arith.constant 64 : i32
      %dma_start3A_111 = arith.constant 0 : i32
      %dma_start3A_112 = tpu.memref_slice %arg11[%dma_start3A_110, %dma_start3A_111] : memref<128x128xf32, #tpu.memory_space<vmem>> -> memref<64x128xf32, #tpu.memory_space<vmem>>
      %dma_start3A_113 = arith.constant 64 : i32
      %dma_start3A_114 = tpu.memref_slice %arg8[%add3A_100, %dma_start3A_113] : memref<40x128xi32, #tpu.memory_space<vmem>> -> memref<1x64xi32, #tpu.memory_space<vmem>>
      %dma_start3A_115 = tpu.memref_squeeze %dma_start3A_114 : memref<1x64xi32, #tpu.memory_space<vmem>> -> memref<64xi32, #tpu.memory_space<vmem>>
      %dma_start3A_116 = arith.constant 0 : i32
      %dma_start3A_117 = arith.constant 0 : i32
      %dma_start3A_118 = tpu.memref_slice %arg3[%dma_start3A_116, %dma_start3A_117] : memref<10240x128xf32, #tpu.memory_space<hbm>> -> memref<10240x128xf32, #tpu.memory_space<hbm>>
      tpu.enqueue_indirect_dma source(%dma_start3A_118 : memref<10240x128xf32, #tpu.memory_space<hbm>>) target(%dma_start3A_112 : memref<64x128xf32, #tpu.memory_space<vmem>>) offsets(%dma_start3A_115 : memref<64xi32, #tpu.memory_space<vmem>>) semaphore(%arg16 : memref<!tpu.dma_semaphore, #tpu.memory_space<semaphore_mem>>)
      %dma_wait3A_119 = arith.constant 0 : i32
      %dma_wait3A_120 = tpu.memref_slice %arg8[%mul3A_98, %dma_wait3A_119] : memref<40x128xi32, #tpu.memory_space<vmem>> -> memref<1x128xi32, #tpu.memory_space<vmem>>
      %dma_wait3A_121 = tpu.memref_squeeze %dma_wait3A_120 : memref<1x128xi32, #tpu.memory_space<vmem>> -> memref<128xi32, #tpu.memory_space<vmem>>
      %dma_wait3A_122 = arith.constant 0 : i32
      %dma_wait3A_123 = arith.constant 0 : i32
      %dma_wait3A_124 = tpu.memref_slice %arg3[%dma_wait3A_122, %dma_wait3A_123] : memref<10240x128xf32, #tpu.memory_space<hbm>> -> memref<10240x128xf32, #tpu.memory_space<hbm>>
      tpu.wait_indirect_dma semaphore(%arg15 : memref<!tpu.dma_semaphore, #tpu.memory_space<semaphore_mem>>) src(%dma_wait3A_124 : memref<10240x128xf32, #tpu.memory_space<hbm>>) dst(%arg10 : memref<128x128xf32, #tpu.memory_space<vmem>>)
      "tpu.region"() ({
        %run_scoped3A_140 = tpu.sem_alloc : memref<!tpu.dma_semaphore, #tpu.memory_space<semaphore_mem>>
        %dma_start3A_141 = arith.constant 0 : i32
        %dma_start3A_142 = tpu.memref_slice %arg9[%mul3A_98, %dma_start3A_141] : memref<40x128xi32, #tpu.memory_space<vmem>> -> memref<1x128xi32, #tpu.memory_space<vmem>>
        %dma_start3A_143 = tpu.memref_squeeze %dma_start3A_142 : memref<1x128xi32, #tpu.memory_space<vmem>> -> memref<128xi32, #tpu.memory_space<vmem>>
        %dma_start3A_144 = arith.constant 0 : i32
        %dma_start3A_145 = arith.constant 0 : i32
        %dma_start3A_146 = tpu.memref_slice %arg14[%dma_start3A_144, %dma_start3A_145] : memref<10240x128xf32, #tpu.memory_space<vmem_shared>> -> memref<10240x128xf32, #tpu.memory_space<vmem_shared>>
        tpu.enqueue_indirect_dma source(%arg10 : memref<128x128xf32, #tpu.memory_space<vmem>>) target(%dma_start3A_146 : memref<10240x128xf32, #tpu.memory_space<vmem_shared>>) offsets(%dma_start3A_143 : memref<128xi32, #tpu.memory_space<vmem>>) semaphore(%run_scoped3A_140 : memref<!tpu.dma_semaphore, #tpu.memory_space<semaphore_mem>>) {add = true}
        %dma_wait3A_147 = arith.constant 0 : i32
        %dma_wait3A_148 = tpu.memref_slice %arg9[%mul3A_98, %dma_wait3A_147] : memref<40x128xi32, #tpu.memory_space<vmem>> -> memref<1x128xi32, #tpu.memory_space<vmem>>
        %dma_wait3A_149 = tpu.memref_squeeze %dma_wait3A_148 : memref<1x128xi32, #tpu.memory_space<vmem>> -> memref<128xi32, #tpu.memory_space<vmem>>
        %dma_wait3A_150 = arith.constant 0 : i32
        %dma_wait3A_151 = arith.constant 0 : i32
        %dma_wait3A_152 = tpu.memref_slice %arg14[%dma_wait3A_150, %dma_wait3A_151] : memref<10240x128xf32, #tpu.memory_space<vmem_shared>> -> memref<10240x128xf32, #tpu.memory_space<vmem_shared>>
        tpu.wait_indirect_dma semaphore(%run_scoped3A_140 : memref<!tpu.dma_semaphore, #tpu.memory_space<semaphore_mem>>) src(%arg10 : memref<128x128xf32, #tpu.memory_space<vmem>>) dst(%dma_wait3A_152 : memref<10240x128xf32, #tpu.memory_space<vmem_shared>>)
        tpu.yield
      }) : () -> ()
      %add3A_125 = arith.constant 2 : i32
      %add3A_126 = arith.addi %mul3A_98, %add3A_125 : i32
      %lt3A = arith.constant 40 : i32
      %lt3A_127 = arith.cmpi slt, %add3A_126, %lt3A : i32
      %convert_element_type3A = arith.extui %lt3A_127 : i1 to i32
      %cond3A = arith.constant 0 : i32
      %cond3A_128 = arith.cmpi ne, %convert_element_type3A, %cond3A : i32
      scf.if %cond3A_128 {
        %add3A_140 = arith.constant 2 : i32
        %add3A_141 = arith.addi %mul3A_98, %add3A_140 : i32
        %dma_start3A_142 = arith.constant 0 : i32
        %dma_start3A_143 = arith.constant 0 : i32
        %dma_start3A_144 = tpu.memref_slice %arg10[%dma_start3A_142, %dma_start3A_143] : memref<128x128xf32, #tpu.memory_space<vmem>> -> memref<64x128xf32, #tpu.memory_space<vmem>>
        %dma_start3A_145 = arith.constant 0 : i32
        %dma_start3A_146 = tpu.memref_slice %arg8[%add3A_141, %dma_start3A_145] : memref<40x128xi32, #tpu.memory_space<vmem>> -> memref<1x64xi32, #tpu.memory_space<vmem>>
        %dma_start3A_147 = tpu.memref_squeeze %dma_start3A_146 : memref<1x64xi32, #tpu.memory_space<vmem>> -> memref<64xi32, #tpu.memory_space<vmem>>
        %dma_start3A_148 = arith.constant 0 : i32
        %dma_start3A_149 = arith.constant 0 : i32
        %dma_start3A_150 = tpu.memref_slice %arg3[%dma_start3A_148, %dma_start3A_149] : memref<10240x128xf32, #tpu.memory_space<hbm>> -> memref<10240x128xf32, #tpu.memory_space<hbm>>
        tpu.enqueue_indirect_dma source(%dma_start3A_150 : memref<10240x128xf32, #tpu.memory_space<hbm>>) target(%dma_start3A_144 : memref<64x128xf32, #tpu.memory_space<vmem>>) offsets(%dma_start3A_147 : memref<64xi32, #tpu.memory_space<vmem>>) semaphore(%arg15 : memref<!tpu.dma_semaphore, #tpu.memory_space<semaphore_mem>>)
        %dma_start3A_151 = arith.constant 64 : i32
        %dma_start3A_152 = arith.constant 0 : i32
        %dma_start3A_153 = tpu.memref_slice %arg10[%dma_start3A_151, %dma_start3A_152] : memref<128x128xf32, #tpu.memory_space<vmem>> -> memref<64x128xf32, #tpu.memory_space<vmem>>
        %dma_start3A_154 = arith.constant 64 : i32
        %dma_start3A_155 = tpu.memref_slice %arg8[%add3A_141, %dma_start3A_154] : memref<40x128xi32, #tpu.memory_space<vmem>> -> memref<1x64xi32, #tpu.memory_space<vmem>>
        %dma_start3A_156 = tpu.memref_squeeze %dma_start3A_155 : memref<1x64xi32, #tpu.memory_space<vmem>> -> memref<64xi32, #tpu.memory_space<vmem>>
        %dma_start3A_157 = arith.constant 0 : i32
        %dma_start3A_158 = arith.constant 0 : i32
        %dma_start3A_159 = tpu.memref_slice %arg3[%dma_start3A_157, %dma_start3A_158] : memref<10240x128xf32, #tpu.memory_space<hbm>> -> memref<10240x128xf32, #tpu.memory_space<hbm>>
        tpu.enqueue_indirect_dma source(%dma_start3A_159 : memref<10240x128xf32, #tpu.memory_space<hbm>>) target(%dma_start3A_153 : memref<64x128xf32, #tpu.memory_space<vmem>>) offsets(%dma_start3A_156 : memref<64xi32, #tpu.memory_space<vmem>>) semaphore(%arg15 : memref<!tpu.dma_semaphore, #tpu.memory_space<semaphore_mem>>)
      } else {
      }
      %add3A_129 = arith.constant 1 : i32
      %add3A_130 = arith.addi %mul3A_98, %add3A_129 : i32
      %dma_wait3A_131 = arith.constant 0 : i32
      %dma_wait3A_132 = tpu.memref_slice %arg8[%add3A_130, %dma_wait3A_131] : memref<40x128xi32, #tpu.memory_space<vmem>> -> memref<1x128xi32, #tpu.memory_space<vmem>>
      %dma_wait3A_133 = tpu.memref_squeeze %dma_wait3A_132 : memref<1x128xi32, #tpu.memory_space<vmem>> -> memref<128xi32, #tpu.memory_space<vmem>>
      %dma_wait3A_134 = arith.constant 0 : i32
      %dma_wait3A_135 = arith.constant 0 : i32
      %dma_wait3A_136 = tpu.memref_slice %arg3[%dma_wait3A_134, %dma_wait3A_135] : memref<10240x128xf32, #tpu.memory_space<hbm>> -> memref<10240x128xf32, #tpu.memory_space<hbm>>
      tpu.wait_indirect_dma semaphore(%arg16 : memref<!tpu.dma_semaphore, #tpu.memory_space<semaphore_mem>>) src(%dma_wait3A_136 : memref<10240x128xf32, #tpu.memory_space<hbm>>) dst(%arg11 : memref<128x128xf32, #tpu.memory_space<vmem>>)
      %add3A_137 = arith.constant 1 : i32
      %add3A_138 = arith.addi %mul3A_98, %add3A_137 : i32
      "tpu.region"() ({
        %run_scoped3A_140 = tpu.sem_alloc : memref<!tpu.dma_semaphore, #tpu.memory_space<semaphore_mem>>
        %dma_start3A_141 = arith.constant 0 : i32
        %dma_start3A_142 = tpu.memref_slice %arg9[%add3A_138, %dma_start3A_141] : memref<40x128xi32, #tpu.memory_space<vmem>> -> memref<1x128xi32, #tpu.memory_space<vmem>>
        %dma_start3A_143 = tpu.memref_squeeze %dma_start3A_142 : memref<1x128xi32, #tpu.memory_space<vmem>> -> memref<128xi32, #tpu.memory_space<vmem>>
        %dma_start3A_144 = arith.constant 0 : i32
        %dma_start3A_145 = arith.constant 0 : i32
        %dma_start3A_146 = tpu.memref_slice %arg14[%dma_start3A_144, %dma_start3A_145] : memref<10240x128xf32, #tpu.memory_space<vmem_shared>> -> memref<10240x128xf32, #tpu.memory_space<vmem_shared>>
        tpu.enqueue_indirect_dma source(%arg11 : memref<128x128xf32, #tpu.memory_space<vmem>>) target(%dma_start3A_146 : memref<10240x128xf32, #tpu.memory_space<vmem_shared>>) offsets(%dma_start3A_143 : memref<128xi32, #tpu.memory_space<vmem>>) semaphore(%run_scoped3A_140 : memref<!tpu.dma_semaphore, #tpu.memory_space<semaphore_mem>>) {add = true}
        %dma_wait3A_147 = arith.constant 0 : i32
        %dma_wait3A_148 = tpu.memref_slice %arg9[%add3A_138, %dma_wait3A_147] : memref<40x128xi32, #tpu.memory_space<vmem>> -> memref<1x128xi32, #tpu.memory_space<vmem>>
        %dma_wait3A_149 = tpu.memref_squeeze %dma_wait3A_148 : memref<1x128xi32, #tpu.memory_space<vmem>> -> memref<128xi32, #tpu.memory_space<vmem>>
        %dma_wait3A_150 = arith.constant 0 : i32
        %dma_wait3A_151 = arith.constant 0 : i32
        %dma_wait3A_152 = tpu.memref_slice %arg14[%dma_wait3A_150, %dma_wait3A_151] : memref<10240x128xf32, #tpu.memory_space<vmem_shared>> -> memref<10240x128xf32, #tpu.memory_space<vmem_shared>>
        tpu.wait_indirect_dma semaphore(%run_scoped3A_140 : memref<!tpu.dma_semaphore, #tpu.memory_space<semaphore_mem>>) src(%arg11 : memref<128x128xf32, #tpu.memory_space<vmem>>) dst(%dma_wait3A_152 : memref<10240x128xf32, #tpu.memory_space<vmem_shared>>)
        tpu.yield
      }) : () -> ()
      %scan3A_139 = arith.constant 0 : i32
      scf.yield %scan3A_139 : i32
    }
    %scan3A_53 = arith.constant 20 : i32
    %run_scoped3A_54 = arith.constant 0 : i32
    "tpu.region"() ({
      %run_scoped3A_95 = tpu.sem_alloc : memref<!tpu.dma_semaphore, #tpu.memory_space<semaphore_mem>>
      %dma_start3A_96 = arith.constant 40 : i32
      %dma_start3A_97 = arith.constant 0 : i32
      %dma_start3A_98 = tpu.memref_slice %arg2[%run_scoped3A_54, %add3A, %dma_start3A_96, %dma_start3A_97] : memref<2x32x80x128xi32, #tpu.memory_space<hbm>> -> memref<1x1x40x128xi32, #tpu.memory_space<hbm>>
      %dma_start3A_99 = tpu.memref_squeeze %dma_start3A_98 : memref<1x1x40x128xi32, #tpu.memory_space<hbm>> -> memref<40x128xi32, #tpu.memory_space<hbm>>
      %dma_start3A_100 = arith.constant 40 : i32
      %dma_start3A_101 = arith.constant 0 : i32
      %dma_start3A_102 = tpu.memref_slice %arg2[%run_scoped3A_54, %add3A, %dma_start3A_100, %dma_start3A_101] : memref<2x32x80x128xi32, #tpu.memory_space<hbm>> -> memref<1x1x40x128xi32, #tpu.memory_space<hbm>>
      %dma_start3A_103 = tpu.memref_squeeze %dma_start3A_102 : memref<1x1x40x128xi32, #tpu.memory_space<hbm>> -> memref<40x128xi32, #tpu.memory_space<hbm>>
      tpu.enqueue_dma source(%dma_start3A_103 : memref<40x128xi32, #tpu.memory_space<hbm>>) target(%arg8 : memref<40x128xi32, #tpu.memory_space<vmem>>) target_semaphore(%run_scoped3A_95 : memref<!tpu.dma_semaphore, #tpu.memory_space<semaphore_mem>>)
      %dma_wait3A_104 = arith.constant 40 : i32
      %dma_wait3A_105 = arith.constant 0 : i32
      %dma_wait3A_106 = tpu.memref_slice %arg2[%run_scoped3A_54, %add3A, %dma_wait3A_104, %dma_wait3A_105] : memref<2x32x80x128xi32, #tpu.memory_space<hbm>> -> memref<1x1x40x128xi32, #tpu.memory_space<hbm>>
      %dma_wait3A_107 = tpu.memref_squeeze %dma_wait3A_106 : memref<1x1x40x128xi32, #tpu.memory_space<hbm>> -> memref<40x128xi32, #tpu.memory_space<hbm>>
      %dma_wait3A_108 = arith.constant 40 : i32
      %dma_wait3A_109 = arith.constant 0 : i32
      %dma_wait3A_110 = tpu.memref_slice %arg2[%run_scoped3A_54, %add3A, %dma_wait3A_108, %dma_wait3A_109] : memref<2x32x80x128xi32, #tpu.memory_space<hbm>> -> memref<1x1x40x128xi32, #tpu.memory_space<hbm>>
      %dma_wait3A_111 = tpu.memref_squeeze %dma_wait3A_110 : memref<1x1x40x128xi32, #tpu.memory_space<hbm>> -> memref<40x128xi32, #tpu.memory_space<hbm>>
      tpu.wait_dma2 semaphore(%run_scoped3A_95 : memref<!tpu.dma_semaphore, #tpu.memory_space<semaphore_mem>>) src(%dma_wait3A_111 : memref<40x128xi32, #tpu.memory_space<hbm>>) dst(%arg8 : memref<40x128xi32, #tpu.memory_space<vmem>>)
      tpu.yield
    }) : () -> ()
    %run_scoped3A_55 = arith.constant 1 : i32
    "tpu.region"() ({
      %run_scoped3A_95 = tpu.sem_alloc : memref<!tpu.dma_semaphore, #tpu.memory_space<semaphore_mem>>
      %dma_start3A_96 = arith.constant 40 : i32
      %dma_start3A_97 = arith.constant 0 : i32
      %dma_start3A_98 = tpu.memref_slice %arg2[%run_scoped3A_55, %add3A, %dma_start3A_96, %dma_start3A_97] : memref<2x32x80x128xi32, #tpu.memory_space<hbm>> -> memref<1x1x40x128xi32, #tpu.memory_space<hbm>>
      %dma_start3A_99 = tpu.memref_squeeze %dma_start3A_98 : memref<1x1x40x128xi32, #tpu.memory_space<hbm>> -> memref<40x128xi32, #tpu.memory_space<hbm>>
      %dma_start3A_100 = arith.constant 40 : i32
      %dma_start3A_101 = arith.constant 0 : i32
      %dma_start3A_102 = tpu.memref_slice %arg2[%run_scoped3A_55, %add3A, %dma_start3A_100, %dma_start3A_101] : memref<2x32x80x128xi32, #tpu.memory_space<hbm>> -> memref<1x1x40x128xi32, #tpu.memory_space<hbm>>
      %dma_start3A_103 = tpu.memref_squeeze %dma_start3A_102 : memref<1x1x40x128xi32, #tpu.memory_space<hbm>> -> memref<40x128xi32, #tpu.memory_space<hbm>>
      tpu.enqueue_dma source(%dma_start3A_103 : memref<40x128xi32, #tpu.memory_space<hbm>>) target(%arg9 : memref<40x128xi32, #tpu.memory_space<vmem>>) target_semaphore(%run_scoped3A_95 : memref<!tpu.dma_semaphore, #tpu.memory_space<semaphore_mem>>)
      %dma_wait3A_104 = arith.constant 40 : i32
      %dma_wait3A_105 = arith.constant 0 : i32
      %dma_wait3A_106 = tpu.memref_slice %arg2[%run_scoped3A_55, %add3A, %dma_wait3A_104, %dma_wait3A_105] : memref<2x32x80x128xi32, #tpu.memory_space<hbm>> -> memref<1x1x40x128xi32, #tpu.memory_space<hbm>>
      %dma_wait3A_107 = tpu.memref_squeeze %dma_wait3A_106 : memref<1x1x40x128xi32, #tpu.memory_space<hbm>> -> memref<40x128xi32, #tpu.memory_space<hbm>>
      %dma_wait3A_108 = arith.constant 40 : i32
      %dma_wait3A_109 = arith.constant 0 : i32
      %dma_wait3A_110 = tpu.memref_slice %arg2[%run_scoped3A_55, %add3A, %dma_wait3A_108, %dma_wait3A_109] : memref<2x32x80x128xi32, #tpu.memory_space<hbm>> -> memref<1x1x40x128xi32, #tpu.memory_space<hbm>>
      %dma_wait3A_111 = tpu.memref_squeeze %dma_wait3A_110 : memref<1x1x40x128xi32, #tpu.memory_space<hbm>> -> memref<40x128xi32, #tpu.memory_space<hbm>>
      tpu.wait_dma2 semaphore(%run_scoped3A_95 : memref<!tpu.dma_semaphore, #tpu.memory_space<semaphore_mem>>) src(%dma_wait3A_111 : memref<40x128xi32, #tpu.memory_space<hbm>>) dst(%arg9 : memref<40x128xi32, #tpu.memory_space<vmem>>)
      tpu.yield
    }) : () -> ()
    %dma_start3A_56 = arith.constant 0 : i32
    %dma_start3A_57 = arith.constant 0 : i32
    %dma_start3A_58 = arith.constant 0 : i32
    %dma_start3A_59 = tpu.memref_slice %arg10[%dma_start3A_57, %dma_start3A_58] : memref<128x128xf32, #tpu.memory_space<vmem>> -> memref<64x128xf32, #tpu.memory_space<vmem>>
    %dma_start3A_60 = arith.constant 0 : i32
    %dma_start3A_61 = tpu.memref_slice %arg8[%dma_start3A_56, %dma_start3A_60] : memref<40x128xi32, #tpu.memory_space<vmem>> -> memref<1x64xi32, #tpu.memory_space<vmem>>
    %dma_start3A_62 = tpu.memref_squeeze %dma_start3A_61 : memref<1x64xi32, #tpu.memory_space<vmem>> -> memref<64xi32, #tpu.memory_space<vmem>>
    %dma_start3A_63 = arith.constant 0 : i32
    %dma_start3A_64 = arith.constant 0 : i32
    %dma_start3A_65 = tpu.memref_slice %arg3[%dma_start3A_63, %dma_start3A_64] : memref<10240x128xf32, #tpu.memory_space<hbm>> -> memref<10240x128xf32, #tpu.memory_space<hbm>>
    tpu.enqueue_indirect_dma source(%dma_start3A_65 : memref<10240x128xf32, #tpu.memory_space<hbm>>) target(%dma_start3A_59 : memref<64x128xf32, #tpu.memory_space<vmem>>) offsets(%dma_start3A_62 : memref<64xi32, #tpu.memory_space<vmem>>) semaphore(%arg15 : memref<!tpu.dma_semaphore, #tpu.memory_space<semaphore_mem>>)
    %dma_start3A_66 = arith.constant 0 : i32
    %dma_start3A_67 = arith.constant 64 : i32
    %dma_start3A_68 = arith.constant 0 : i32
    %dma_start3A_69 = tpu.memref_slice %arg10[%dma_start3A_67, %dma_start3A_68] : memref<128x128xf32, #tpu.memory_space<vmem>> -> memref<64x128xf32, #tpu.memory_space<vmem>>
    %dma_start3A_70 = arith.constant 64 : i32
    %dma_start3A_71 = tpu.memref_slice %arg8[%dma_start3A_66, %dma_start3A_70] : memref<40x128xi32, #tpu.memory_space<vmem>> -> memref<1x64xi32, #tpu.memory_space<vmem>>
    %dma_start3A_72 = tpu.memref_squeeze %dma_start3A_71 : memref<1x64xi32, #tpu.memory_space<vmem>> -> memref<64xi32, #tpu.memory_space<vmem>>
    %dma_start3A_73 = arith.constant 0 : i32
    %dma_start3A_74 = arith.constant 0 : i32
    %dma_start3A_75 = tpu.memref_slice %arg3[%dma_start3A_73, %dma_start3A_74] : memref<10240x128xf32, #tpu.memory_space<hbm>> -> memref<10240x128xf32, #tpu.memory_space<hbm>>
    tpu.enqueue_indirect_dma source(%dma_start3A_75 : memref<10240x128xf32, #tpu.memory_space<hbm>>) target(%dma_start3A_69 : memref<64x128xf32, #tpu.memory_space<vmem>>) offsets(%dma_start3A_72 : memref<64xi32, #tpu.memory_space<vmem>>) semaphore(%arg15 : memref<!tpu.dma_semaphore, #tpu.memory_space<semaphore_mem>>)
    %scan3A_76 = arith.constant 0 : i32
    %scan3A_77 = arith.constant 0 : i32
    %scan3A_78 = arith.constant 20 : i32
    %scan3A_79 = arith.addi %scan3A_77, %scan3A_78 : i32
    %scan3A_80 = arith.constant 1 : i32
    %scan3A_81 = scf.for %scan3A_95 = %scan3A_77 to %scan3A_79 step %scan3A_80 iter_args(%scan3A_96 = %scan3A_76) -> (i32)  : i32 {
      %mul3A_97 = arith.constant 2 : i32
      %mul3A_98 = arith.muli %scan3A_95, %mul3A_97 : i32
      %add3A_99 = arith.constant 1 : i32
      %add3A_100 = arith.addi %mul3A_98, %add3A_99 : i32
      %dma_start3A_101 = arith.constant 0 : i32
      %dma_start3A_102 = arith.constant 0 : i32
      %dma_start3A_103 = tpu.memref_slice %arg11[%dma_start3A_101, %dma_start3A_102] : memref<128x128xf32, #tpu.memory_space<vmem>> -> memref<64x128xf32, #tpu.memory_space<vmem>>
      %dma_start3A_104 = arith.constant 0 : i32
      %dma_start3A_105 = tpu.memref_slice %arg8[%add3A_100, %dma_start3A_104] : memref<40x128xi32, #tpu.memory_space<vmem>> -> memref<1x64xi32, #tpu.memory_space<vmem>>
      %dma_start3A_106 = tpu.memref_squeeze %dma_start3A_105 : memref<1x64xi32, #tpu.memory_space<vmem>> -> memref<64xi32, #tpu.memory_space<vmem>>
      %dma_start3A_107 = arith.constant 0 : i32
      %dma_start3A_108 = arith.constant 0 : i32
      %dma_start3A_109 = tpu.memref_slice %arg3[%dma_start3A_107, %dma_start3A_108] : memref<10240x128xf32, #tpu.memory_space<hbm>> -> memref<10240x128xf32, #tpu.memory_space<hbm>>
      tpu.enqueue_indirect_dma source(%dma_start3A_109 : memref<10240x128xf32, #tpu.memory_space<hbm>>) target(%dma_start3A_103 : memref<64x128xf32, #tpu.memory_space<vmem>>) offsets(%dma_start3A_106 : memref<64xi32, #tpu.memory_space<vmem>>) semaphore(%arg16 : memref<!tpu.dma_semaphore, #tpu.memory_space<semaphore_mem>>)
      %dma_start3A_110 = arith.constant 64 : i32
      %dma_start3A_111 = arith.constant 0 : i32
      %dma_start3A_112 = tpu.memref_slice %arg11[%dma_start3A_110, %dma_start3A_111] : memref<128x128xf32, #tpu.memory_space<vmem>> -> memref<64x128xf32, #tpu.memory_space<vmem>>
      %dma_start3A_113 = arith.constant 64 : i32
      %dma_start3A_114 = tpu.memref_slice %arg8[%add3A_100, %dma_start3A_113] : memref<40x128xi32, #tpu.memory_space<vmem>> -> memref<1x64xi32, #tpu.memory_space<vmem>>
      %dma_start3A_115 = tpu.memref_squeeze %dma_start3A_114 : memref<1x64xi32, #tpu.memory_space<vmem>> -> memref<64xi32, #tpu.memory_space<vmem>>
      %dma_start3A_116 = arith.constant 0 : i32
      %dma_start3A_117 = arith.constant 0 : i32
      %dma_start3A_118 = tpu.memref_slice %arg3[%dma_start3A_116, %dma_start3A_117] : memref<10240x128xf32, #tpu.memory_space<hbm>> -> memref<10240x128xf32, #tpu.memory_space<hbm>>
      tpu.enqueue_indirect_dma source(%dma_start3A_118 : memref<10240x128xf32, #tpu.memory_space<hbm>>) target(%dma_start3A_112 : memref<64x128xf32, #tpu.memory_space<vmem>>) offsets(%dma_start3A_115 : memref<64xi32, #tpu.memory_space<vmem>>) semaphore(%arg16 : memref<!tpu.dma_semaphore, #tpu.memory_space<semaphore_mem>>)
      %dma_wait3A_119 = arith.constant 0 : i32
      %dma_wait3A_120 = tpu.memref_slice %arg8[%mul3A_98, %dma_wait3A_119] : memref<40x128xi32, #tpu.memory_space<vmem>> -> memref<1x128xi32, #tpu.memory_space<vmem>>
      %dma_wait3A_121 = tpu.memref_squeeze %dma_wait3A_120 : memref<1x128xi32, #tpu.memory_space<vmem>> -> memref<128xi32, #tpu.memory_space<vmem>>
      %dma_wait3A_122 = arith.constant 0 : i32
      %dma_wait3A_123 = arith.constant 0 : i32
      %dma_wait3A_124 = tpu.memref_slice %arg3[%dma_wait3A_122, %dma_wait3A_123] : memref<10240x128xf32, #tpu.memory_space<hbm>> -> memref<10240x128xf32, #tpu.memory_space<hbm>>
      tpu.wait_indirect_dma semaphore(%arg15 : memref<!tpu.dma_semaphore, #tpu.memory_space<semaphore_mem>>) src(%dma_wait3A_124 : memref<10240x128xf32, #tpu.memory_space<hbm>>) dst(%arg10 : memref<128x128xf32, #tpu.memory_space<vmem>>)
      "tpu.region"() ({
        %run_scoped3A_140 = tpu.sem_alloc : memref<!tpu.dma_semaphore, #tpu.memory_space<semaphore_mem>>
        %dma_start3A_141 = arith.constant 0 : i32
        %dma_start3A_142 = tpu.memref_slice %arg9[%mul3A_98, %dma_start3A_141] : memref<40x128xi32, #tpu.memory_space<vmem>> -> memref<1x128xi32, #tpu.memory_space<vmem>>
        %dma_start3A_143 = tpu.memref_squeeze %dma_start3A_142 : memref<1x128xi32, #tpu.memory_space<vmem>> -> memref<128xi32, #tpu.memory_space<vmem>>
        %dma_start3A_144 = arith.constant 0 : i32
        %dma_start3A_145 = arith.constant 0 : i32
        %dma_start3A_146 = tpu.memref_slice %arg14[%dma_start3A_144, %dma_start3A_145] : memref<10240x128xf32, #tpu.memory_space<vmem_shared>> -> memref<10240x128xf32, #tpu.memory_space<vmem_shared>>
        tpu.enqueue_indirect_dma source(%arg10 : memref<128x128xf32, #tpu.memory_space<vmem>>) target(%dma_start3A_146 : memref<10240x128xf32, #tpu.memory_space<vmem_shared>>) offsets(%dma_start3A_143 : memref<128xi32, #tpu.memory_space<vmem>>) semaphore(%run_scoped3A_140 : memref<!tpu.dma_semaphore, #tpu.memory_space<semaphore_mem>>) {add = true}
        %dma_wait3A_147 = arith.constant 0 : i32
        %dma_wait3A_148 = tpu.memref_slice %arg9[%mul3A_98, %dma_wait3A_147] : memref<40x128xi32, #tpu.memory_space<vmem>> -> memref<1x128xi32, #tpu.memory_space<vmem>>
        %dma_wait3A_149 = tpu.memref_squeeze %dma_wait3A_148 : memref<1x128xi32, #tpu.memory_space<vmem>> -> memref<128xi32, #tpu.memory_space<vmem>>
        %dma_wait3A_150 = arith.constant 0 : i32
        %dma_wait3A_151 = arith.constant 0 : i32
        %dma_wait3A_152 = tpu.memref_slice %arg14[%dma_wait3A_150, %dma_wait3A_151] : memref<10240x128xf32, #tpu.memory_space<vmem_shared>> -> memref<10240x128xf32, #tpu.memory_space<vmem_shared>>
        tpu.wait_indirect_dma semaphore(%run_scoped3A_140 : memref<!tpu.dma_semaphore, #tpu.memory_space<semaphore_mem>>) src(%arg10 : memref<128x128xf32, #tpu.memory_space<vmem>>) dst(%dma_wait3A_152 : memref<10240x128xf32, #tpu.memory_space<vmem_shared>>)
        tpu.yield
      }) : () -> ()
      %add3A_125 = arith.constant 2 : i32
      %add3A_126 = arith.addi %mul3A_98, %add3A_125 : i32
      %lt3A = arith.constant 40 : i32
      %lt3A_127 = arith.cmpi slt, %add3A_126, %lt3A : i32
      %convert_element_type3A = arith.extui %lt3A_127 : i1 to i32
      %cond3A = arith.constant 0 : i32
      %cond3A_128 = arith.cmpi ne, %convert_element_type3A, %cond3A : i32
      scf.if %cond3A_128 {
        %add3A_140 = arith.constant 2 : i32
        %add3A_141 = arith.addi %mul3A_98, %add3A_140 : i32
        %dma_start3A_142 = arith.constant 0 : i32
        %dma_start3A_143 = arith.constant 0 : i32
        %dma_start3A_144 = tpu.memref_slice %arg10[%dma_start3A_142, %dma_start3A_143] : memref<128x128xf32, #tpu.memory_space<vmem>> -> memref<64x128xf32, #tpu.memory_space<vmem>>
        %dma_start3A_145 = arith.constant 0 : i32
        %dma_start3A_146 = tpu.memref_slice %arg8[%add3A_141, %dma_start3A_145] : memref<40x128xi32, #tpu.memory_space<vmem>> -> memref<1x64xi32, #tpu.memory_space<vmem>>
        %dma_start3A_147 = tpu.memref_squeeze %dma_start3A_146 : memref<1x64xi32, #tpu.memory_space<vmem>> -> memref<64xi32, #tpu.memory_space<vmem>>
        %dma_start3A_148 = arith.constant 0 : i32
        %dma_start3A_149 = arith.constant 0 : i32
        %dma_start3A_150 = tpu.memref_slice %arg3[%dma_start3A_148, %dma_start3A_149] : memref<10240x128xf32, #tpu.memory_space<hbm>> -> memref<10240x128xf32, #tpu.memory_space<hbm>>
        tpu.enqueue_indirect_dma source(%dma_start3A_150 : memref<10240x128xf32, #tpu.memory_space<hbm>>) target(%dma_start3A_144 : memref<64x128xf32, #tpu.memory_space<vmem>>) offsets(%dma_start3A_147 : memref<64xi32, #tpu.memory_space<vmem>>) semaphore(%arg15 : memref<!tpu.dma_semaphore, #tpu.memory_space<semaphore_mem>>)
        %dma_start3A_151 = arith.constant 64 : i32
        %dma_start3A_152 = arith.constant 0 : i32
        %dma_start3A_153 = tpu.memref_slice %arg10[%dma_start3A_151, %dma_start3A_152] : memref<128x128xf32, #tpu.memory_space<vmem>> -> memref<64x128xf32, #tpu.memory_space<vmem>>
        %dma_start3A_154 = arith.constant 64 : i32
        %dma_start3A_155 = tpu.memref_slice %arg8[%add3A_141, %dma_start3A_154] : memref<40x128xi32, #tpu.memory_space<vmem>> -> memref<1x64xi32, #tpu.memory_space<vmem>>
        %dma_start3A_156 = tpu.memref_squeeze %dma_start3A_155 : memref<1x64xi32, #tpu.memory_space<vmem>> -> memref<64xi32, #tpu.memory_space<vmem>>
        %dma_start3A_157 = arith.constant 0 : i32
        %dma_start3A_158 = arith.constant 0 : i32
        %dma_start3A_159 = tpu.memref_slice %arg3[%dma_start3A_157, %dma_start3A_158] : memref<10240x128xf32, #tpu.memory_space<hbm>> -> memref<10240x128xf32, #tpu.memory_space<hbm>>
        tpu.enqueue_indirect_dma source(%dma_start3A_159 : memref<10240x128xf32, #tpu.memory_space<hbm>>) target(%dma_start3A_153 : memref<64x128xf32, #tpu.memory_space<vmem>>) offsets(%dma_start3A_156 : memref<64xi32, #tpu.memory_space<vmem>>) semaphore(%arg15 : memref<!tpu.dma_semaphore, #tpu.memory_space<semaphore_mem>>)
      } else {
      }
      %add3A_129 = arith.constant 1 : i32
      %add3A_130 = arith.addi %mul3A_98, %add3A_129 : i32
      %dma_wait3A_131 = arith.constant 0 : i32
      %dma_wait3A_132 = tpu.memref_slice %arg8[%add3A_130, %dma_wait3A_131] : memref<40x128xi32, #tpu.memory_space<vmem>> -> memref<1x128xi32, #tpu.memory_space<vmem>>
      %dma_wait3A_133 = tpu.memref_squeeze %dma_wait3A_132 : memref<1x128xi32, #tpu.memory_space<vmem>> -> memref<128xi32, #tpu.memory_space<vmem>>
      %dma_wait3A_134 = arith.constant 0 : i32
      %dma_wait3A_135 = arith.constant 0 : i32
      %dma_wait3A_136 = tpu.memref_slice %arg3[%dma_wait3A_134, %dma_wait3A_135] : memref<10240x128xf32, #tpu.memory_space<hbm>> -> memref<10240x128xf32, #tpu.memory_space<hbm>>
      tpu.wait_indirect_dma semaphore(%arg16 : memref<!tpu.dma_semaphore, #tpu.memory_space<semaphore_mem>>) src(%dma_wait3A_136 : memref<10240x128xf32, #tpu.memory_space<hbm>>) dst(%arg11 : memref<128x128xf32, #tpu.memory_space<vmem>>)
      %add3A_137 = arith.constant 1 : i32
      %add3A_138 = arith.addi %mul3A_98, %add3A_137 : i32
      "tpu.region"() ({
        %run_scoped3A_140 = tpu.sem_alloc : memref<!tpu.dma_semaphore, #tpu.memory_space<semaphore_mem>>
        %dma_start3A_141 = arith.constant 0 : i32
        %dma_start3A_142 = tpu.memref_slice %arg9[%add3A_138, %dma_start3A_141] : memref<40x128xi32, #tpu.memory_space<vmem>> -> memref<1x128xi32, #tpu.memory_space<vmem>>
        %dma_start3A_143 = tpu.memref_squeeze %dma_start3A_142 : memref<1x128xi32, #tpu.memory_space<vmem>> -> memref<128xi32, #tpu.memory_space<vmem>>
        %dma_start3A_144 = arith.constant 0 : i32
        %dma_start3A_145 = arith.constant 0 : i32
        %dma_start3A_146 = tpu.memref_slice %arg14[%dma_start3A_144, %dma_start3A_145] : memref<10240x128xf32, #tpu.memory_space<vmem_shared>> -> memref<10240x128xf32, #tpu.memory_space<vmem_shared>>
        tpu.enqueue_indirect_dma source(%arg11 : memref<128x128xf32, #tpu.memory_space<vmem>>) target(%dma_start3A_146 : memref<10240x128xf32, #tpu.memory_space<vmem_shared>>) offsets(%dma_start3A_143 : memref<128xi32, #tpu.memory_space<vmem>>) semaphore(%run_scoped3A_140 : memref<!tpu.dma_semaphore, #tpu.memory_space<semaphore_mem>>) {add = true}
        %dma_wait3A_147 = arith.constant 0 : i32
        %dma_wait3A_148 = tpu.memref_slice %arg9[%add3A_138, %dma_wait3A_147] : memref<40x128xi32, #tpu.memory_space<vmem>> -> memref<1x128xi32, #tpu.memory_space<vmem>>
        %dma_wait3A_149 = tpu.memref_squeeze %dma_wait3A_148 : memref<1x128xi32, #tpu.memory_space<vmem>> -> memref<128xi32, #tpu.memory_space<vmem>>
        %dma_wait3A_150 = arith.constant 0 : i32
        %dma_wait3A_151 = arith.constant 0 : i32
        %dma_wait3A_152 = tpu.memref_slice %arg14[%dma_wait3A_150, %dma_wait3A_151] : memref<10240x128xf32, #tpu.memory_space<vmem_shared>> -> memref<10240x128xf32, #tpu.memory_space<vmem_shared>>
        tpu.wait_indirect_dma semaphore(%run_scoped3A_140 : memref<!tpu.dma_semaphore, #tpu.memory_space<semaphore_mem>>) src(%arg11 : memref<128x128xf32, #tpu.memory_space<vmem>>) dst(%dma_wait3A_152 : memref<10240x128xf32, #tpu.memory_space<vmem_shared>>)
        tpu.yield
      }) : () -> ()
      %scan3A_139 = arith.constant 0 : i32
      scf.yield %scan3A_139 : i32
    }
    %scan3A_82 = arith.constant 20 : i32
    %barrier3A_83 = arith.constant 0 : index
    tpu.barrier barrier_id(%barrier3A_83)
    %mul3A_84 = arith.constant 640 : i32
    %mul3A_85 = arith.muli %arg1, %mul3A_84 : i32
    %mul3A_86 = arith.constant 640 : i32
    %mul3A_87 = arith.muli %arg1, %mul3A_86 : i32
    "tpu.region"() ({
      %run_scoped3A_95 = tpu.sem_alloc : memref<!tpu.dma_semaphore, #tpu.memory_space<semaphore_mem>>
      %dma_start3A_96 = arith.constant 0 : i32
      %dma_start3A_97 = tpu.memref_slice %arg6[%arg0, %mul3A_87, %dma_start3A_96] : memref<2x10240x128xf32, #tpu.memory_space<hbm>> -> memref<1x640x128xf32, #tpu.memory_space<hbm>>
      %dma_start3A_98 = tpu.memref_squeeze %dma_start3A_97 : memref<1x640x128xf32, #tpu.memory_space<hbm>> -> memref<640x128xf32, #tpu.memory_space<hbm>>
      %dma_start3A_99 = arith.constant 0 : i32
      %dma_start3A_100 = tpu.memref_slice %arg14[%mul3A_85, %dma_start3A_99] : memref<10240x128xf32, #tpu.memory_space<vmem_shared>> -> memref<640x128xf32, #tpu.memory_space<vmem_shared>>
      tpu.enqueue_dma source(%dma_start3A_100 : memref<640x128xf32, #tpu.memory_space<vmem_shared>>) target(%dma_start3A_98 : memref<640x128xf32, #tpu.memory_space<hbm>>) target_semaphore(%run_scoped3A_95 : memref<!tpu.dma_semaphore, #tpu.memory_space<semaphore_mem>>)
      %dma_wait3A_101 = arith.constant 0 : i32
      %dma_wait3A_102 = tpu.memref_slice %arg6[%arg0, %mul3A_87, %dma_wait3A_101] : memref<2x10240x128xf32, #tpu.memory_space<hbm>> -> memref<1x640x128xf32, #tpu.memory_space<hbm>>
      %dma_wait3A_103 = tpu.memref_squeeze %dma_wait3A_102 : memref<1x640x128xf32, #tpu.memory_space<hbm>> -> memref<640x128xf32, #tpu.memory_space<hbm>>
      %dma_wait3A_104 = arith.constant 0 : i32
      %dma_wait3A_105 = tpu.memref_slice %arg14[%mul3A_85, %dma_wait3A_104] : memref<10240x128xf32, #tpu.memory_space<vmem_shared>> -> memref<640x128xf32, #tpu.memory_space<vmem_shared>>
      tpu.wait_dma2 semaphore(%run_scoped3A_95 : memref<!tpu.dma_semaphore, #tpu.memory_space<semaphore_mem>>) src(%dma_wait3A_105 : memref<640x128xf32, #tpu.memory_space<vmem_shared>>) dst(%dma_wait3A_103 : memref<640x128xf32, #tpu.memory_space<hbm>>)
      tpu.yield
    }) : () -> ()
    "tpu.region"() ({
      %run_scoped3A_95 = tpu.sem_alloc : memref<!tpu.dma_semaphore, #tpu.memory_space<semaphore_mem>>
      %dma_start3A_96 = arith.constant 0 : i32
      %dma_start3A_97 = tpu.memref_slice %arg5[%add3A, %dma_start3A_96] : memref<32x2xi32, #tpu.memory_space<hbm>> -> memref<1x2xi32, #tpu.memory_space<hbm>>
      %dma_start3A_98 = tpu.memref_squeeze %dma_start3A_97 : memref<1x2xi32, #tpu.memory_space<hbm>> -> memref<2xi32, #tpu.memory_space<hbm>>
      %dma_start3A_99 = arith.constant 0 : i32
      %dma_start3A_100 = tpu.memref_slice %arg5[%add3A, %dma_start3A_99] : memref<32x2xi32, #tpu.memory_space<hbm>> -> memref<1x2xi32, #tpu.memory_space<hbm>>
      %dma_start3A_101 = tpu.memref_squeeze %dma_start3A_100 : memref<1x2xi32, #tpu.memory_space<hbm>> -> memref<2xi32, #tpu.memory_space<hbm>>
      tpu.enqueue_dma source(%dma_start3A_101 : memref<2xi32, #tpu.memory_space<hbm>>) target(%arg12 : memref<2xi32, #tpu.memory_space<vmem>>) target_semaphore(%run_scoped3A_95 : memref<!tpu.dma_semaphore, #tpu.memory_space<semaphore_mem>>)
      %dma_wait3A_102 = arith.constant 0 : i32
      %dma_wait3A_103 = tpu.memref_slice %arg5[%add3A, %dma_wait3A_102] : memref<32x2xi32, #tpu.memory_space<hbm>> -> memref<1x2xi32, #tpu.memory_space<hbm>>
      %dma_wait3A_104 = tpu.memref_squeeze %dma_wait3A_103 : memref<1x2xi32, #tpu.memory_space<hbm>> -> memref<2xi32, #tpu.memory_space<hbm>>
      %dma_wait3A_105 = arith.constant 0 : i32
      %dma_wait3A_106 = tpu.memref_slice %arg5[%add3A, %dma_wait3A_105] : memref<32x2xi32, #tpu.memory_space<hbm>> -> memref<1x2xi32, #tpu.memory_space<hbm>>
      %dma_wait3A_107 = tpu.memref_squeeze %dma_wait3A_106 : memref<1x2xi32, #tpu.memory_space<hbm>> -> memref<2xi32, #tpu.memory_space<hbm>>
      tpu.wait_dma2 semaphore(%run_scoped3A_95 : memref<!tpu.dma_semaphore, #tpu.memory_space<semaphore_mem>>) src(%dma_wait3A_107 : memref<2xi32, #tpu.memory_space<hbm>>) dst(%arg12 : memref<2xi32, #tpu.memory_space<vmem>>)
      tpu.yield
    }) : () -> ()
    %dma_start3A_88 = arith.constant 0 : i32
    %dma_start3A_89 = arith.constant 0 : i32
    %dma_start3A_90 = tpu.memref_slice %arg4[%dma_start3A_88, %dma_start3A_89] : memref<10240x128xf32, #tpu.memory_space<hbm>> -> memref<10240x128xf32, #tpu.memory_space<hbm>>
    tpu.enqueue_indirect_dma source(%dma_start3A_90 : memref<10240x128xf32, #tpu.memory_space<hbm>>) target(%arg13 : memref<2x128xf32, #tpu.memory_space<vmem>>) offsets(%arg12 : memref<2xi32, #tpu.memory_space<vmem>>) semaphore(%arg15 : memref<!tpu.dma_semaphore, #tpu.memory_space<semaphore_mem>>)
    %dma_wait3A = arith.constant 0 : i32
    %dma_wait3A_91 = arith.constant 0 : i32
    %dma_wait3A_92 = tpu.memref_slice %arg4[%dma_wait3A, %dma_wait3A_91] : memref<10240x128xf32, #tpu.memory_space<hbm>> -> memref<10240x128xf32, #tpu.memory_space<hbm>>
    tpu.wait_indirect_dma semaphore(%arg15 : memref<!tpu.dma_semaphore, #tpu.memory_space<semaphore_mem>>) src(%dma_wait3A_92 : memref<10240x128xf32, #tpu.memory_space<hbm>>) dst(%arg13 : memref<2x128xf32, #tpu.memory_space<vmem>>)
    %mul3A_93 = arith.constant 2 : i32
    %mul3A_94 = arith.muli %add3A, %mul3A_93 : i32
    "tpu.region"() ({
      %run_scoped3A_95 = tpu.sem_alloc : memref<!tpu.dma_semaphore, #tpu.memory_space<semaphore_mem>>
      %dma_start3A_96 = arith.constant 0 : i32
      %dma_start3A_97 = tpu.memref_slice %arg7[%mul3A_94, %dma_start3A_96] : memref<64x128xf32, #tpu.memory_space<hbm>> -> memref<2x128xf32, #tpu.memory_space<hbm>>
      %dma_start3A_98 = arith.constant 0 : i32
      %dma_start3A_99 = tpu.memref_slice %arg7[%mul3A_94, %dma_start3A_98] : memref<64x128xf32, #tpu.memory_space<hbm>> -> memref<2x128xf32, #tpu.memory_space<hbm>>
      tpu.enqueue_dma source(%arg13 : memref<2x128xf32, #tpu.memory_space<vmem>>) target(%dma_start3A_99 : memref<2x128xf32, #tpu.memory_space<hbm>>) target_semaphore(%run_scoped3A_95 : memref<!tpu.dma_semaphore, #tpu.memory_space<semaphore_mem>>)
      %dma_wait3A_100 = arith.constant 0 : i32
      %dma_wait3A_101 = tpu.memref_slice %arg7[%mul3A_94, %dma_wait3A_100] : memref<64x128xf32, #tpu.memory_space<hbm>> -> memref<2x128xf32, #tpu.memory_space<hbm>>
      %dma_wait3A_102 = arith.constant 0 : i32
      %dma_wait3A_103 = tpu.memref_slice %arg7[%mul3A_94, %dma_wait3A_102] : memref<64x128xf32, #tpu.memory_space<hbm>> -> memref<2x128xf32, #tpu.memory_space<hbm>>
      tpu.wait_dma2 semaphore(%run_scoped3A_95 : memref<!tpu.dma_semaphore, #tpu.memory_space<semaphore_mem>>) src(%arg13 : memref<2x128xf32, #tpu.memory_space<vmem>>) dst(%dma_wait3A_103 : memref<2x128xf32, #tpu.memory_space<hbm>>)
      tpu.yield
    }) : () -> ()
    return
  }
}

#map = affine_map<(d0, d1) -> (0, 0, 0, 0)>
#map1 = affine_map<(d0, d1) -> (0, 0)>
#map2 = affine_map<(d0, d1) -> (0, 0, 0)>
module attributes {stable_mosaic.version = 14 : i64} {
  func.func @_agg_body(%arg0: i32, %arg1: i32, %arg2: memref<2x32x80x128xi32, #tpu.memory_space<hbm>>, %arg3: memref<10240x128xf32, #tpu.memory_space<hbm>>, %arg4: memref<10240x128xf32, #tpu.memory_space<hbm>>, %arg5: memref<32x2xi32, #tpu.memory_space<hbm>>, %arg6: memref<2x10240x128xf32, #tpu.memory_space<hbm>>, %arg7: memref<64x128xf32, #tpu.memory_space<hbm>>, %arg8: memref<40x128xi32, #tpu.memory_space<vmem>>, %arg9: memref<40x128xi32, #tpu.memory_space<vmem>>, %arg10: memref<128x128xf32, #tpu.memory_space<vmem>>, %arg11: memref<128x128xf32, #tpu.memory_space<vmem>>, %arg12: memref<2xi32, #tpu.memory_space<vmem>>, %arg13: memref<2x128xf32, #tpu.memory_space<vmem>>, %arg14: memref<10240x128xf32, #tpu.memory_space<vmem_shared>>, %arg15: memref<!tpu.dma_semaphore, #tpu.memory_space<semaphore_mem>>, %arg16: memref<!tpu.dma_semaphore, #tpu.memory_space<semaphore_mem>>) attributes {dimension_semantics = [#tpu.dimension_semantics<core_parallel>, #tpu.dimension_semantics<subcore_parallel>], iteration_bounds = array<i64: 2, 16>, scalar_prefetch = 0 : i64, scratch_operands = 9 : i64, tpu.core_type = #tpu.core_type<sc_vector_subcore>, window_params = [{transform_indices = #map}, {transform_indices = #map1}, {transform_indices = #map1}, {transform_indices = #map1}, {transform_indices = #map2}, {transform_indices = #map1}]} {
    %mul3A = arith.constant 16 : i32
    %mul3A_0 = arith.muli %arg0, %mul3A : i32
    %add3A = arith.addi %mul3A_0, %arg1 : i32
    %scan3A = arith.constant 0 : i32
    %scan3A_1 = arith.constant 0 : i32
    %scan3A_2 = arith.constant 128 : i32
    %scan3A_3 = arith.addi %scan3A_1, %scan3A_2 : i32
    %scan3A_4 = arith.constant 1 : i32
    %scan3A_5 = scf.for %scan3A_95 = %scan3A_1 to %scan3A_3 step %scan3A_4 iter_args(%scan3A_96 = %scan3A) -> (i32)  : i32 {
      %broadcast_in_dim3A = arith.constant 0.000000e+00 : f32
      %broadcast_in_dim3A_97 = vector.broadcast %broadcast_in_dim3A : f32 to vector<16xf32>
      %swap3A = arith.index_cast %scan3A_95 : i32 to index
      %swap3A_98 = arith.constant 0 : index
      %swap3A_99 = tpu.vector_load %arg10[%swap3A, %swap3A_98] {strides = array<i32>} : memref<128x128xf32, #tpu.memory_space<vmem>>, vector<16xf32>,
      tpu.vector_store %arg10[%swap3A, %swap3A_98], %broadcast_in_dim3A_97 {strides = array<i32>} : memref<128x128xf32, #tpu.memory_space<vmem>>, vector<16xf32>,
      %broadcast_in_dim3A_100 = arith.constant 0.000000e+00 : f32
      %broadcast_in_dim3A_101 = vector.broadcast %broadcast_in_dim3A_100 : f32 to vector<16xf32>
      %swap3A_102 = arith.index_cast %scan3A_95 : i32 to index
      %swap3A_103 = arith.constant 16 : index
      %swap3A_104 = tpu.vector_load %arg10[%swap3A_102, %swap3A_103] {strides = array<i32>} : memref<128x128xf32, #tpu.memory_space<vmem>>, vector<16xf32>,
      tpu.vector_store %arg10[%swap3A_102, %swap3A_103], %broadcast_in_dim3A_101 {strides = array<i32>} : memref<128x128xf32, #tpu.memory_space<vmem>>, vector<16xf32>,
      %broadcast_in_dim3A_105 = arith.constant 0.000000e+00 : f32
      %broadcast_in_dim3A_106 = vector.broadcast %broadcast_in_dim3A_105 : f32 to vector<16xf32>
      %swap3A_107 = arith.index_cast %scan3A_95 : i32 to index
      %swap3A_108 = arith.constant 32 : index
      %swap3A_109 = tpu.vector_load %arg10[%swap3A_107, %swap3A_108] {strides = array<i32>} : memref<128x128xf32, #tpu.memory_space<vmem>>, vector<16xf32>,
      tpu.vector_store %arg10[%swap3A_107, %swap3A_108], %broadcast_in_dim3A_106 {strides = array<i32>} : memref<128x128xf32, #tpu.memory_space<vmem>>, vector<16xf32>,
      %broadcast_in_dim3A_110 = arith.constant 0.000000e+00 : f32
      %broadcast_in_dim3A_111 = vector.broadcast %broadcast_in_dim3A_110 : f32 to vector<16xf32>
      %swap3A_112 = arith.index_cast %scan3A_95 : i32 to index
      %swap3A_113 = arith.constant 48 : index
      %swap3A_114 = tpu.vector_load %arg10[%swap3A_112, %swap3A_113] {strides = array<i32>} : memref<128x128xf32, #tpu.memory_space<vmem>>, vector<16xf32>,
      tpu.vector_store %arg10[%swap3A_112, %swap3A_113], %broadcast_in_dim3A_111 {strides = array<i32>} : memref<128x128xf32, #tpu.memory_space<vmem>>, vector<16xf32>,
      %broadcast_in_dim3A_115 = arith.constant 0.000000e+00 : f32
      %broadcast_in_dim3A_116 = vector.broadcast %broadcast_in_dim3A_115 : f32 to vector<16xf32>
      %swap3A_117 = arith.index_cast %scan3A_95 : i32 to index
      %swap3A_118 = arith.constant 64 : index
      %swap3A_119 = tpu.vector_load %arg10[%swap3A_117, %swap3A_118] {strides = array<i32>} : memref<128x128xf32, #tpu.memory_space<vmem>>, vector<16xf32>,
      tpu.vector_store %arg10[%swap3A_117, %swap3A_118], %broadcast_in_dim3A_116 {strides = array<i32>} : memref<128x128xf32, #tpu.memory_space<vmem>>, vector<16xf32>,
      %broadcast_in_dim3A_120 = arith.constant 0.000000e+00 : f32
      %broadcast_in_dim3A_121 = vector.broadcast %broadcast_in_dim3A_120 : f32 to vector<16xf32>
      %swap3A_122 = arith.index_cast %scan3A_95 : i32 to index
      %swap3A_123 = arith.constant 80 : index
      %swap3A_124 = tpu.vector_load %arg10[%swap3A_122, %swap3A_123] {strides = array<i32>} : memref<128x128xf32, #tpu.memory_space<vmem>>, vector<16xf32>,
      tpu.vector_store %arg10[%swap3A_122, %swap3A_123], %broadcast_in_dim3A_121 {strides = array<i32>} : memref<128x128xf32, #tpu.memory_space<vmem>>, vector<16xf32>,
      %broadcast_in_dim3A_125 = arith.constant 0.000000e+00 : f32
      %broadcast_in_dim3A_126 = vector.broadcast %broadcast_in_dim3A_125 : f32 to vector<16xf32>
      %swap3A_127 = arith.index_cast %scan3A_95 : i32 to index
      %swap3A_128 = arith.constant 96 : index
      %swap3A_129 = tpu.vector_load %arg10[%swap3A_127, %swap3A_128] {strides = array<i32>} : memref<128x128xf32, #tpu.memory_space<vmem>>, vector<16xf32>,
      tpu.vector_store %arg10[%swap3A_127, %swap3A_128], %broadcast_in_dim3A_126 {strides = array<i32>} : memref<128x128xf32, #tpu.memory_space<vmem>>, vector<16xf32>,
      %broadcast_in_dim3A_130 = arith.constant 0.000000e+00 : f32
      %broadcast_in_dim3A_131 = vector.broadcast %broadcast_in_dim3A_130 : f32 to vector<16xf32>
      %swap3A_132 = arith.index_cast %scan3A_95 : i32 to index
      %swap3A_133 = arith.constant 112 : index
      %swap3A_134 = tpu.vector_load %arg10[%swap3A_132, %swap3A_133] {strides = array<i32>} : memref<128x128xf32, #tpu.memory_space<vmem>>, vector<16xf32>,
      tpu.vector_store %arg10[%swap3A_132, %swap3A_133], %broadcast_in_dim3A_131 {strides = array<i32>} : memref<128x128xf32, #tpu.memory_space<vmem>>, vector<16xf32>,
      %scan3A_135 = arith.constant 0 : i32
      scf.yield %scan3A_135 : i32
    }
    %scan3A_6 = arith.constant 128 : i32
    %mul3A_7 = arith.constant 640 : i32
    %mul3A_8 = arith.muli %arg1, %mul3A_7 : i32
    %add3A_9 = arith.constant 0 : i32
    %add3A_10 = arith.addi %mul3A_8, %add3A_9 : i32
    "tpu.region"() ({
      %run_scoped3A_95 = tpu.sem_alloc : memref<!tpu.dma_semaphore, #tpu.memory_space<semaphore_mem>>
      %dma_start3A_96 = arith.constant 0 : i32
      %dma_start3A_97 = tpu.memref_slice %arg14[%add3A_10, %dma_start3A_96] : memref<10240x128xf32, #tpu.memory_space<vmem_shared>> -> memref<128x128xf32, #tpu.memory_space<vmem_shared>>
      %dma_start3A_98 = arith.constant 0 : i32
      %dma_start3A_99 = tpu.memref_slice %arg14[%add3A_10, %dma_start3A_98] : memref<10240x128xf32, #tpu.memory_space<vmem_shared>> -> memref<128x128xf32, #tpu.memory_space<vmem_shared>>
      tpu.enqueue_dma source(%arg10 : memref<128x128xf32, #tpu.memory_space<vmem>>) target(%dma_start3A_99 : memref<128x128xf32, #tpu.memory_space<vmem_shared>>) target_semaphore(%run_scoped3A_95 : memref<!tpu.dma_semaphore, #tpu.memory_space<semaphore_mem>>)
      %dma_wait3A_100 = arith.constant 0 : i32
      %dma_wait3A_101 = tpu.memref_slice %arg14[%add3A_10, %dma_wait3A_100] : memref<10240x128xf32, #tpu.memory_space<vmem_shared>> -> memref<128x128xf32, #tpu.memory_space<vmem_shared>>
      %dma_wait3A_102 = arith.constant 0 : i32
      %dma_wait3A_103 = tpu.memref_slice %arg14[%add3A_10, %dma_wait3A_102] : memref<10240x128xf32, #tpu.memory_space<vmem_shared>> -> memref<128x128xf32, #tpu.memory_space<vmem_shared>>
      tpu.wait_dma2 semaphore(%run_scoped3A_95 : memref<!tpu.dma_semaphore, #tpu.memory_space<semaphore_mem>>) src(%arg10 : memref<128x128xf32, #tpu.memory_space<vmem>>) dst(%dma_wait3A_103 : memref<128x128xf32, #tpu.memory_space<vmem_shared>>)
      tpu.yield
    }) : () -> ()
    %mul3A_11 = arith.constant 640 : i32
    %mul3A_12 = arith.muli %arg1, %mul3A_11 : i32
    %add3A_13 = arith.constant 128 : i32
    %add3A_14 = arith.addi %mul3A_12, %add3A_13 : i32
    "tpu.region"() ({
      %run_scoped3A_95 = tpu.sem_alloc : memref<!tpu.dma_semaphore, #tpu.memory_space<semaphore_mem>>
      %dma_start3A_96 = arith.constant 0 : i32
      %dma_start3A_97 = tpu.memref_slice %arg14[%add3A_14, %dma_start3A_96] : memref<10240x128xf32, #tpu.memory_space<vmem_shared>> -> memref<128x128xf32, #tpu.memory_space<vmem_shared>>
      %dma_start3A_98 = arith.constant 0 : i32
      %dma_start3A_99 = tpu.memref_slice %arg14[%add3A_14, %dma_start3A_98] : memref<10240x128xf32, #tpu.memory_space<vmem_shared>> -> memref<128x128xf32, #tpu.memory_space<vmem_shared>>
      tpu.enqueue_dma source(%arg10 : memref<128x128xf32, #tpu.memory_space<vmem>>) target(%dma_start3A_99 : memref<128x128xf32, #tpu.memory_space<vmem_shared>>) target_semaphore(%run_scoped3A_95 : memref<!tpu.dma_semaphore, #tpu.memory_space<semaphore_mem>>)
      %dma_wait3A_100 = arith.constant 0 : i32
      %dma_wait3A_101 = tpu.memref_slice %arg14[%add3A_14, %dma_wait3A_100] : memref<10240x128xf32, #tpu.memory_space<vmem_shared>> -> memref<128x128xf32, #tpu.memory_space<vmem_shared>>
      %dma_wait3A_102 = arith.constant 0 : i32
      %dma_wait3A_103 = tpu.memref_slice %arg14[%add3A_14, %dma_wait3A_102] : memref<10240x128xf32, #tpu.memory_space<vmem_shared>> -> memref<128x128xf32, #tpu.memory_space<vmem_shared>>
      tpu.wait_dma2 semaphore(%run_scoped3A_95 : memref<!tpu.dma_semaphore, #tpu.memory_space<semaphore_mem>>) src(%arg10 : memref<128x128xf32, #tpu.memory_space<vmem>>) dst(%dma_wait3A_103 : memref<128x128xf32, #tpu.memory_space<vmem_shared>>)
      tpu.yield
    }) : () -> ()
    %mul3A_15 = arith.constant 640 : i32
    %mul3A_16 = arith.muli %arg1, %mul3A_15 : i32
    %add3A_17 = arith.constant 256 : i32
    %add3A_18 = arith.addi %mul3A_16, %add3A_17 : i32
    "tpu.region"() ({
      %run_scoped3A_95 = tpu.sem_alloc : memref<!tpu.dma_semaphore, #tpu.memory_space<semaphore_mem>>
      %dma_start3A_96 = arith.constant 0 : i32
      %dma_start3A_97 = tpu.memref_slice %arg14[%add3A_18, %dma_start3A_96] : memref<10240x128xf32, #tpu.memory_space<vmem_shared>> -> memref<128x128xf32, #tpu.memory_space<vmem_shared>>
      %dma_start3A_98 = arith.constant 0 : i32
      %dma_start3A_99 = tpu.memref_slice %arg14[%add3A_18, %dma_start3A_98] : memref<10240x128xf32, #tpu.memory_space<vmem_shared>> -> memref<128x128xf32, #tpu.memory_space<vmem_shared>>
      tpu.enqueue_dma source(%arg10 : memref<128x128xf32, #tpu.memory_space<vmem>>) target(%dma_start3A_99 : memref<128x128xf32, #tpu.memory_space<vmem_shared>>) target_semaphore(%run_scoped3A_95 : memref<!tpu.dma_semaphore, #tpu.memory_space<semaphore_mem>>)
      %dma_wait3A_100 = arith.constant 0 : i32
      %dma_wait3A_101 = tpu.memref_slice %arg14[%add3A_18, %dma_wait3A_100] : memref<10240x128xf32, #tpu.memory_space<vmem_shared>> -> memref<128x128xf32, #tpu.memory_space<vmem_shared>>
      %dma_wait3A_102 = arith.constant 0 : i32
      %dma_wait3A_103 = tpu.memref_slice %arg14[%add3A_18, %dma_wait3A_102] : memref<10240x128xf32, #tpu.memory_space<vmem_shared>> -> memref<128x128xf32, #tpu.memory_space<vmem_shared>>
      tpu.wait_dma2 semaphore(%run_scoped3A_95 : memref<!tpu.dma_semaphore, #tpu.memory_space<semaphore_mem>>) src(%arg10 : memref<128x128xf32, #tpu.memory_space<vmem>>) dst(%dma_wait3A_103 : memref<128x128xf32, #tpu.memory_space<vmem_shared>>)
      tpu.yield
    }) : () -> ()
    %mul3A_19 = arith.constant 640 : i32
    %mul3A_20 = arith.muli %arg1, %mul3A_19 : i32
    %add3A_21 = arith.constant 384 : i32
    %add3A_22 = arith.addi %mul3A_20, %add3A_21 : i32
    "tpu.region"() ({
      %run_scoped3A_95 = tpu.sem_alloc : memref<!tpu.dma_semaphore, #tpu.memory_space<semaphore_mem>>
      %dma_start3A_96 = arith.constant 0 : i32
      %dma_start3A_97 = tpu.memref_slice %arg14[%add3A_22, %dma_start3A_96] : memref<10240x128xf32, #tpu.memory_space<vmem_shared>> -> memref<128x128xf32, #tpu.memory_space<vmem_shared>>
      %dma_start3A_98 = arith.constant 0 : i32
      %dma_start3A_99 = tpu.memref_slice %arg14[%add3A_22, %dma_start3A_98] : memref<10240x128xf32, #tpu.memory_space<vmem_shared>> -> memref<128x128xf32, #tpu.memory_space<vmem_shared>>
      tpu.enqueue_dma source(%arg10 : memref<128x128xf32, #tpu.memory_space<vmem>>) target(%dma_start3A_99 : memref<128x128xf32, #tpu.memory_space<vmem_shared>>) target_semaphore(%run_scoped3A_95 : memref<!tpu.dma_semaphore, #tpu.memory_space<semaphore_mem>>)
      %dma_wait3A_100 = arith.constant 0 : i32
      %dma_wait3A_101 = tpu.memref_slice %arg14[%add3A_22, %dma_wait3A_100] : memref<10240x128xf32, #tpu.memory_space<vmem_shared>> -> memref<128x128xf32, #tpu.memory_space<vmem_shared>>
      %dma_wait3A_102 = arith.constant 0 : i32
      %dma_wait3A_103 = tpu.memref_slice %arg14[%add3A_22, %dma_wait3A_102] : memref<10240x128xf32, #tpu.memory_space<vmem_shared>> -> memref<128x128xf32, #tpu.memory_space<vmem_shared>>
      tpu.wait_dma2 semaphore(%run_scoped3A_95 : memref<!tpu.dma_semaphore, #tpu.memory_space<semaphore_mem>>) src(%arg10 : memref<128x128xf32, #tpu.memory_space<vmem>>) dst(%dma_wait3A_103 : memref<128x128xf32, #tpu.memory_space<vmem_shared>>)
      tpu.yield
    }) : () -> ()
    %mul3A_23 = arith.constant 640 : i32
    %mul3A_24 = arith.muli %arg1, %mul3A_23 : i32
    %add3A_25 = arith.constant 512 : i32
    %add3A_26 = arith.addi %mul3A_24, %add3A_25 : i32
    "tpu.region"() ({
      %run_scoped3A_95 = tpu.sem_alloc : memref<!tpu.dma_semaphore, #tpu.memory_space<semaphore_mem>>
      %dma_start3A_96 = arith.constant 0 : i32
      %dma_start3A_97 = tpu.memref_slice %arg14[%add3A_26, %dma_start3A_96] : memref<10240x128xf32, #tpu.memory_space<vmem_shared>> -> memref<128x128xf32, #tpu.memory_space<vmem_shared>>
      %dma_start3A_98 = arith.constant 0 : i32
      %dma_start3A_99 = tpu.memref_slice %arg14[%add3A_26, %dma_start3A_98] : memref<10240x128xf32, #tpu.memory_space<vmem_shared>> -> memref<128x128xf32, #tpu.memory_space<vmem_shared>>
      tpu.enqueue_dma source(%arg10 : memref<128x128xf32, #tpu.memory_space<vmem>>) target(%dma_start3A_99 : memref<128x128xf32, #tpu.memory_space<vmem_shared>>) target_semaphore(%run_scoped3A_95 : memref<!tpu.dma_semaphore, #tpu.memory_space<semaphore_mem>>)
      %dma_wait3A_100 = arith.constant 0 : i32
      %dma_wait3A_101 = tpu.memref_slice %arg14[%add3A_26, %dma_wait3A_100] : memref<10240x128xf32, #tpu.memory_space<vmem_shared>> -> memref<128x128xf32, #tpu.memory_space<vmem_shared>>
      %dma_wait3A_102 = arith.constant 0 : i32
      %dma_wait3A_103 = tpu.memref_slice %arg14[%add3A_26, %dma_wait3A_102] : memref<10240x128xf32, #tpu.memory_space<vmem_shared>> -> memref<128x128xf32, #tpu.memory_space<vmem_shared>>
      tpu.wait_dma2 semaphore(%run_scoped3A_95 : memref<!tpu.dma_semaphore, #tpu.memory_space<semaphore_mem>>) src(%arg10 : memref<128x128xf32, #tpu.memory_space<vmem>>) dst(%dma_wait3A_103 : memref<128x128xf32, #tpu.memory_space<vmem_shared>>)
      tpu.yield
    }) : () -> ()
    %barrier3A = arith.constant 0 : index
    tpu.barrier barrier_id(%barrier3A)
    %run_scoped3A = arith.constant 0 : i32
    "tpu.region"() ({
      %run_scoped3A_95 = tpu.sem_alloc : memref<!tpu.dma_semaphore, #tpu.memory_space<semaphore_mem>>
      %dma_start3A_96 = arith.constant 0 : i32
      %dma_start3A_97 = arith.constant 0 : i32
      %dma_start3A_98 = tpu.memref_slice %arg2[%run_scoped3A, %add3A, %dma_start3A_96, %dma_start3A_97] : memref<2x32x80x128xi32, #tpu.memory_space<hbm>> -> memref<1x1x40x128xi32, #tpu.memory_space<hbm>>
      %dma_start3A_99 = tpu.memref_squeeze %dma_start3A_98 : memref<1x1x40x128xi32, #tpu.memory_space<hbm>> -> memref<40x128xi32, #tpu.memory_space<hbm>>
      %dma_start3A_100 = arith.constant 0 : i32
      %dma_start3A_101 = arith.constant 0 : i32
      %dma_start3A_102 = tpu.memref_slice %arg2[%run_scoped3A, %add3A, %dma_start3A_100, %dma_start3A_101] : memref<2x32x80x128xi32, #tpu.memory_space<hbm>> -> memref<1x1x40x128xi32, #tpu.memory_space<hbm>>
      %dma_start3A_103 = tpu.memref_squeeze %dma_start3A_102 : memref<1x1x40x128xi32, #tpu.memory_space<hbm>> -> memref<40x128xi32, #tpu.memory_space<hbm>>
      tpu.enqueue_dma source(%dma_start3A_103 : memref<40x128xi32, #tpu.memory_space<hbm>>) target(%arg8 : memref<40x128xi32, #tpu.memory_space<vmem>>) target_semaphore(%run_scoped3A_95 : memref<!tpu.dma_semaphore, #tpu.memory_space<semaphore_mem>>)
      %dma_wait3A_104 = arith.constant 0 : i32
      %dma_wait3A_105 = arith.constant 0 : i32
      %dma_wait3A_106 = tpu.memref_slice %arg2[%run_scoped3A, %add3A, %dma_wait3A_104, %dma_wait3A_105] : memref<2x32x80x128xi32, #tpu.memory_space<hbm>> -> memref<1x1x40x128xi32, #tpu.memory_space<hbm>>
      %dma_wait3A_107 = tpu.memref_squeeze %dma_wait3A_106 : memref<1x1x40x128xi32, #tpu.memory_space<hbm>> -> memref<40x128xi32, #tpu.memory_space<hbm>>
      %dma_wait3A_108 = arith.constant 0 : i32
      %dma_wait3A_109 = arith.constant 0 : i32
      %dma_wait3A_110 = tpu.memref_slice %arg2[%run_scoped3A, %add3A, %dma_wait3A_108, %dma_wait3A_109] : memref<2x32x80x128xi32, #tpu.memory_space<hbm>> -> memref<1x1x40x128xi32, #tpu.memory_space<hbm>>
      %dma_wait3A_111 = tpu.memref_squeeze %dma_wait3A_110 : memref<1x1x40x128xi32, #tpu.memory_space<hbm>> -> memref<40x128xi32, #tpu.memory_space<hbm>>
      tpu.wait_dma2 semaphore(%run_scoped3A_95 : memref<!tpu.dma_semaphore, #tpu.memory_space<semaphore_mem>>) src(%dma_wait3A_111 : memref<40x128xi32, #tpu.memory_space<hbm>>) dst(%arg8 : memref<40x128xi32, #tpu.memory_space<vmem>>)
      tpu.yield
    }) : () -> ()
    %run_scoped3A_27 = arith.constant 1 : i32
    "tpu.region"() ({
      %run_scoped3A_95 = tpu.sem_alloc : memref<!tpu.dma_semaphore, #tpu.memory_space<semaphore_mem>>
      %dma_start3A_96 = arith.constant 0 : i32
      %dma_start3A_97 = arith.constant 0 : i32
      %dma_start3A_98 = tpu.memref_slice %arg2[%run_scoped3A_27, %add3A, %dma_start3A_96, %dma_start3A_97] : memref<2x32x80x128xi32, #tpu.memory_space<hbm>> -> memref<1x1x40x128xi32, #tpu.memory_space<hbm>>
      %dma_start3A_99 = tpu.memref_squeeze %dma_start3A_98 : memref<1x1x40x128xi32, #tpu.memory_space<hbm>> -> memref<40x128xi32, #tpu.memory_space<hbm>>
      %dma_start3A_100 = arith.constant 0 : i32
      %dma_start3A_101 = arith.constant 0 : i32
      %dma_start3A_102 = tpu.memref_slice %arg2[%run_scoped3A_27, %add3A, %dma_start3A_100, %dma_start3A_101] : memref<2x32x80x128xi32, #tpu.memory_space<hbm>> -> memref<1x1x40x128xi32, #tpu.memory_space<hbm>>
      %dma_start3A_103 = tpu.memref_squeeze %dma_start3A_102 : memref<1x1x40x128xi32, #tpu.memory_space<hbm>> -> memref<40x128xi32, #tpu.memory_space<hbm>>
      tpu.enqueue_dma source(%dma_start3A_103 : memref<40x128xi32, #tpu.memory_space<hbm>>) target(%arg9 : memref<40x128xi32, #tpu.memory_space<vmem>>) target_semaphore(%run_scoped3A_95 : memref<!tpu.dma_semaphore, #tpu.memory_space<semaphore_mem>>)
      %dma_wait3A_104 = arith.constant 0 : i32
      %dma_wait3A_105 = arith.constant 0 : i32
      %dma_wait3A_106 = tpu.memref_slice %arg2[%run_scoped3A_27, %add3A, %dma_wait3A_104, %dma_wait3A_105] : memref<2x32x80x128xi32, #tpu.memory_space<hbm>> -> memref<1x1x40x128xi32, #tpu.memory_space<hbm>>
      %dma_wait3A_107 = tpu.memref_squeeze %dma_wait3A_106 : memref<1x1x40x128xi32, #tpu.memory_space<hbm>> -> memref<40x128xi32, #tpu.memory_space<hbm>>
      %dma_wait3A_108 = arith.constant 0 : i32
      %dma_wait3A_109 = arith.constant 0 : i32
      %dma_wait3A_110 = tpu.memref_slice %arg2[%run_scoped3A_27, %add3A, %dma_wait3A_108, %dma_wait3A_109] : memref<2x32x80x128xi32, #tpu.memory_space<hbm>> -> memref<1x1x40x128xi32, #tpu.memory_space<hbm>>
      %dma_wait3A_111 = tpu.memref_squeeze %dma_wait3A_110 : memref<1x1x40x128xi32, #tpu.memory_space<hbm>> -> memref<40x128xi32, #tpu.memory_space<hbm>>
      tpu.wait_dma2 semaphore(%run_scoped3A_95 : memref<!tpu.dma_semaphore, #tpu.memory_space<semaphore_mem>>) src(%dma_wait3A_111 : memref<40x128xi32, #tpu.memory_space<hbm>>) dst(%arg9 : memref<40x128xi32, #tpu.memory_space<vmem>>)
      tpu.yield
    }) : () -> ()
    %dma_start3A = arith.constant 0 : i32
    %dma_start3A_28 = arith.constant 0 : i32
    %dma_start3A_29 = arith.constant 0 : i32
    %dma_start3A_30 = tpu.memref_slice %arg10[%dma_start3A_28, %dma_start3A_29] : memref<128x128xf32, #tpu.memory_space<vmem>> -> memref<64x128xf32, #tpu.memory_space<vmem>>
    %dma_start3A_31 = arith.constant 0 : i32
    %dma_start3A_32 = tpu.memref_slice %arg8[%dma_start3A, %dma_start3A_31] : memref<40x128xi32, #tpu.memory_space<vmem>> -> memref<1x64xi32, #tpu.memory_space<vmem>>
    %dma_start3A_33 = tpu.memref_squeeze %dma_start3A_32 : memref<1x64xi32, #tpu.memory_space<vmem>> -> memref<64xi32, #tpu.memory_space<vmem>>
    %dma_start3A_34 = arith.constant 0 : i32
    %dma_start3A_35 = arith.constant 0 : i32
    %dma_start3A_36 = tpu.memref_slice %arg3[%dma_start3A_34, %dma_start3A_35] : memref<10240x128xf32, #tpu.memory_space<hbm>> -> memref<10240x128xf32, #tpu.memory_space<hbm>>
    tpu.enqueue_indirect_dma source(%dma_start3A_36 : memref<10240x128xf32, #tpu.memory_space<hbm>>) target(%dma_start3A_30 : memref<64x128xf32, #tpu.memory_space<vmem>>) offsets(%dma_start3A_33 : memref<64xi32, #tpu.memory_space<vmem>>) semaphore(%arg15 : memref<!tpu.dma_semaphore, #tpu.memory_space<semaphore_mem>>)
    %dma_start3A_37 = arith.constant 0 : i32
    %dma_start3A_38 = arith.constant 64 : i32
    %dma_start3A_39 = arith.constant 0 : i32
    %dma_start3A_40 = tpu.memref_slice %arg10[%dma_start3A_38, %dma_start3A_39] : memref<128x128xf32, #tpu.memory_space<vmem>> -> memref<64x128xf32, #tpu.memory_space<vmem>>
    %dma_start3A_41 = arith.constant 64 : i32
    %dma_start3A_42 = tpu.memref_slice %arg8[%dma_start3A_37, %dma_start3A_41] : memref<40x128xi32, #tpu.memory_space<vmem>> -> memref<1x64xi32, #tpu.memory_space<vmem>>
    %dma_start3A_43 = tpu.memref_squeeze %dma_start3A_42 : memref<1x64xi32, #tpu.memory_space<vmem>> -> memref<64xi32, #tpu.memory_space<vmem>>
    %dma_start3A_44 = arith.constant 0 : i32
    %dma_start3A_45 = arith.constant 0 : i32
    %dma_start3A_46 = tpu.memref_slice %arg3[%dma_start3A_44, %dma_start3A_45] : memref<10240x128xf32, #tpu.memory_space<hbm>> -> memref<10240x128xf32, #tpu.memory_space<hbm>>
    tpu.enqueue_indirect_dma source(%dma_start3A_46 : memref<10240x128xf32, #tpu.memory_space<hbm>>) target(%dma_start3A_40 : memref<64x128xf32, #tpu.memory_space<vmem>>) offsets(%dma_start3A_43 : memref<64xi32, #tpu.memory_space<vmem>>) semaphore(%arg15 : memref<!tpu.dma_semaphore, #tpu.memory_space<semaphore_mem>>)
    %scan3A_47 = arith.constant 0 : i32
    %scan3A_48 = arith.constant 0 : i32
    %scan3A_49 = arith.constant 20 : i32
    %scan3A_50 = arith.addi %scan3A_48, %scan3A_49 : i32
    %scan3A_51 = arith.constant 1 : i32
    %scan3A_52 = scf.for %scan3A_95 = %scan3A_48 to %scan3A_50 step %scan3A_51 iter_args(%scan3A_96 = %scan3A_47) -> (i32)  : i32 {
      %mul3A_97 = arith.constant 2 : i32
      %mul3A_98 = arith.muli %scan3A_95, %mul3A_97 : i32
      %add3A_99 = arith.constant 1 : i32
      %add3A_100 = arith.addi %mul3A_98, %add3A_99 : i32
      %dma_start3A_101 = arith.constant 0 : i32
      %dma_start3A_102 = arith.constant 0 : i32
      %dma_start3A_103 = tpu.memref_slice %arg11[%dma_start3A_101, %dma_start3A_102] : memref<128x128xf32, #tpu.memory_space<vmem>> -> memref<64x128xf32, #tpu.memory_space<vmem>>
      %dma_start3A_104 = arith.constant 0 : i32
      %dma_start3A_105 = tpu.memref_slice %arg8[%add3A_100, %dma_start3A_104] : memref<40x128xi32, #tpu.memory_space<vmem>> -> memref<1x64xi32, #tpu.memory_space<vmem>>
      %dma_start3A_106 = tpu.memref_squeeze %dma_start3A_105 : memref<1x64xi32, #tpu.memory_space<vmem>> -> memref<64xi32, #tpu.memory_space<vmem>>
      %dma_start3A_107 = arith.constant 0 : i32
      %dma_start3A_108 = arith.constant 0 : i32
      %dma_start3A_109 = tpu.memref_slice %arg3[%dma_start3A_107, %dma_start3A_108] : memref<10240x128xf32, #tpu.memory_space<hbm>> -> memref<10240x128xf32, #tpu.memory_space<hbm>>
      tpu.enqueue_indirect_dma source(%dma_start3A_109 : memref<10240x128xf32, #tpu.memory_space<hbm>>) target(%dma_start3A_103 : memref<64x128xf32, #tpu.memory_space<vmem>>) offsets(%dma_start3A_106 : memref<64xi32, #tpu.memory_space<vmem>>) semaphore(%arg16 : memref<!tpu.dma_semaphore, #tpu.memory_space<semaphore_mem>>)
      %dma_start3A_110 = arith.constant 64 : i32
      %dma_start3A_111 = arith.constant 0 : i32
      %dma_start3A_112 = tpu.memref_slice %arg11[%dma_start3A_110, %dma_start3A_111] : memref<128x128xf32, #tpu.memory_space<vmem>> -> memref<64x128xf32, #tpu.memory_space<vmem>>
      %dma_start3A_113 = arith.constant 64 : i32
      %dma_start3A_114 = tpu.memref_slice %arg8[%add3A_100, %dma_start3A_113] : memref<40x128xi32, #tpu.memory_space<vmem>> -> memref<1x64xi32, #tpu.memory_space<vmem>>
      %dma_start3A_115 = tpu.memref_squeeze %dma_start3A_114 : memref<1x64xi32, #tpu.memory_space<vmem>> -> memref<64xi32, #tpu.memory_space<vmem>>
      %dma_start3A_116 = arith.constant 0 : i32
      %dma_start3A_117 = arith.constant 0 : i32
      %dma_start3A_118 = tpu.memref_slice %arg3[%dma_start3A_116, %dma_start3A_117] : memref<10240x128xf32, #tpu.memory_space<hbm>> -> memref<10240x128xf32, #tpu.memory_space<hbm>>
      tpu.enqueue_indirect_dma source(%dma_start3A_118 : memref<10240x128xf32, #tpu.memory_space<hbm>>) target(%dma_start3A_112 : memref<64x128xf32, #tpu.memory_space<vmem>>) offsets(%dma_start3A_115 : memref<64xi32, #tpu.memory_space<vmem>>) semaphore(%arg16 : memref<!tpu.dma_semaphore, #tpu.memory_space<semaphore_mem>>)
      %dma_wait3A_119 = arith.constant 0 : i32
      %dma_wait3A_120 = tpu.memref_slice %arg8[%mul3A_98, %dma_wait3A_119] : memref<40x128xi32, #tpu.memory_space<vmem>> -> memref<1x128xi32, #tpu.memory_space<vmem>>
      %dma_wait3A_121 = tpu.memref_squeeze %dma_wait3A_120 : memref<1x128xi32, #tpu.memory_space<vmem>> -> memref<128xi32, #tpu.memory_space<vmem>>
      %dma_wait3A_122 = arith.constant 0 : i32
      %dma_wait3A_123 = arith.constant 0 : i32
      %dma_wait3A_124 = tpu.memref_slice %arg3[%dma_wait3A_122, %dma_wait3A_123] : memref<10240x128xf32, #tpu.memory_space<hbm>> -> memref<10240x128xf32, #tpu.memory_space<hbm>>
      tpu.wait_indirect_dma semaphore(%arg15 : memref<!tpu.dma_semaphore, #tpu.memory_space<semaphore_mem>>) src(%dma_wait3A_124 : memref<10240x128xf32, #tpu.memory_space<hbm>>) dst(%arg10 : memref<128x128xf32, #tpu.memory_space<vmem>>)
      "tpu.region"() ({
        %run_scoped3A_140 = tpu.sem_alloc : memref<!tpu.dma_semaphore, #tpu.memory_space<semaphore_mem>>
        %dma_start3A_141 = arith.constant 0 : i32
        %dma_start3A_142 = tpu.memref_slice %arg9[%mul3A_98, %dma_start3A_141] : memref<40x128xi32, #tpu.memory_space<vmem>> -> memref<1x128xi32, #tpu.memory_space<vmem>>
        %dma_start3A_143 = tpu.memref_squeeze %dma_start3A_142 : memref<1x128xi32, #tpu.memory_space<vmem>> -> memref<128xi32, #tpu.memory_space<vmem>>
        %dma_start3A_144 = arith.constant 0 : i32
        %dma_start3A_145 = arith.constant 0 : i32
        %dma_start3A_146 = tpu.memref_slice %arg14[%dma_start3A_144, %dma_start3A_145] : memref<10240x128xf32, #tpu.memory_space<vmem_shared>> -> memref<10240x128xf32, #tpu.memory_space<vmem_shared>>
        tpu.enqueue_indirect_dma source(%arg10 : memref<128x128xf32, #tpu.memory_space<vmem>>) target(%dma_start3A_146 : memref<10240x128xf32, #tpu.memory_space<vmem_shared>>) offsets(%dma_start3A_143 : memref<128xi32, #tpu.memory_space<vmem>>) semaphore(%run_scoped3A_140 : memref<!tpu.dma_semaphore, #tpu.memory_space<semaphore_mem>>) {add = true}
        %dma_wait3A_147 = arith.constant 0 : i32
        %dma_wait3A_148 = tpu.memref_slice %arg9[%mul3A_98, %dma_wait3A_147] : memref<40x128xi32, #tpu.memory_space<vmem>> -> memref<1x128xi32, #tpu.memory_space<vmem>>
        %dma_wait3A_149 = tpu.memref_squeeze %dma_wait3A_148 : memref<1x128xi32, #tpu.memory_space<vmem>> -> memref<128xi32, #tpu.memory_space<vmem>>
        %dma_wait3A_150 = arith.constant 0 : i32
        %dma_wait3A_151 = arith.constant 0 : i32
        %dma_wait3A_152 = tpu.memref_slice %arg14[%dma_wait3A_150, %dma_wait3A_151] : memref<10240x128xf32, #tpu.memory_space<vmem_shared>> -> memref<10240x128xf32, #tpu.memory_space<vmem_shared>>
        tpu.wait_indirect_dma semaphore(%run_scoped3A_140 : memref<!tpu.dma_semaphore, #tpu.memory_space<semaphore_mem>>) src(%arg10 : memref<128x128xf32, #tpu.memory_space<vmem>>) dst(%dma_wait3A_152 : memref<10240x128xf32, #tpu.memory_space<vmem_shared>>)
        tpu.yield
      }) : () -> ()
      %add3A_125 = arith.constant 2 : i32
      %add3A_126 = arith.addi %mul3A_98, %add3A_125 : i32
      %lt3A = arith.constant 40 : i32
      %lt3A_127 = arith.cmpi slt, %add3A_126, %lt3A : i32
      %convert_element_type3A = arith.extui %lt3A_127 : i1 to i32
      %cond3A = arith.constant 0 : i32
      %cond3A_128 = arith.cmpi ne, %convert_element_type3A, %cond3A : i32
      scf.if %cond3A_128 {
        %add3A_140 = arith.constant 2 : i32
        %add3A_141 = arith.addi %mul3A_98, %add3A_140 : i32
        %dma_start3A_142 = arith.constant 0 : i32
        %dma_start3A_143 = arith.constant 0 : i32
        %dma_start3A_144 = tpu.memref_slice %arg10[%dma_start3A_142, %dma_start3A_143] : memref<128x128xf32, #tpu.memory_space<vmem>> -> memref<64x128xf32, #tpu.memory_space<vmem>>
        %dma_start3A_145 = arith.constant 0 : i32
        %dma_start3A_146 = tpu.memref_slice %arg8[%add3A_141, %dma_start3A_145] : memref<40x128xi32, #tpu.memory_space<vmem>> -> memref<1x64xi32, #tpu.memory_space<vmem>>
        %dma_start3A_147 = tpu.memref_squeeze %dma_start3A_146 : memref<1x64xi32, #tpu.memory_space<vmem>> -> memref<64xi32, #tpu.memory_space<vmem>>
        %dma_start3A_148 = arith.constant 0 : i32
        %dma_start3A_149 = arith.constant 0 : i32
        %dma_start3A_150 = tpu.memref_slice %arg3[%dma_start3A_148, %dma_start3A_149] : memref<10240x128xf32, #tpu.memory_space<hbm>> -> memref<10240x128xf32, #tpu.memory_space<hbm>>
        tpu.enqueue_indirect_dma source(%dma_start3A_150 : memref<10240x128xf32, #tpu.memory_space<hbm>>) target(%dma_start3A_144 : memref<64x128xf32, #tpu.memory_space<vmem>>) offsets(%dma_start3A_147 : memref<64xi32, #tpu.memory_space<vmem>>) semaphore(%arg15 : memref<!tpu.dma_semaphore, #tpu.memory_space<semaphore_mem>>)
        %dma_start3A_151 = arith.constant 64 : i32
        %dma_start3A_152 = arith.constant 0 : i32
        %dma_start3A_153 = tpu.memref_slice %arg10[%dma_start3A_151, %dma_start3A_152] : memref<128x128xf32, #tpu.memory_space<vmem>> -> memref<64x128xf32, #tpu.memory_space<vmem>>
        %dma_start3A_154 = arith.constant 64 : i32
        %dma_start3A_155 = tpu.memref_slice %arg8[%add3A_141, %dma_start3A_154] : memref<40x128xi32, #tpu.memory_space<vmem>> -> memref<1x64xi32, #tpu.memory_space<vmem>>
        %dma_start3A_156 = tpu.memref_squeeze %dma_start3A_155 : memref<1x64xi32, #tpu.memory_space<vmem>> -> memref<64xi32, #tpu.memory_space<vmem>>
        %dma_start3A_157 = arith.constant 0 : i32
        %dma_start3A_158 = arith.constant 0 : i32
        %dma_start3A_159 = tpu.memref_slice %arg3[%dma_start3A_157, %dma_start3A_158] : memref<10240x128xf32, #tpu.memory_space<hbm>> -> memref<10240x128xf32, #tpu.memory_space<hbm>>
        tpu.enqueue_indirect_dma source(%dma_start3A_159 : memref<10240x128xf32, #tpu.memory_space<hbm>>) target(%dma_start3A_153 : memref<64x128xf32, #tpu.memory_space<vmem>>) offsets(%dma_start3A_156 : memref<64xi32, #tpu.memory_space<vmem>>) semaphore(%arg15 : memref<!tpu.dma_semaphore, #tpu.memory_space<semaphore_mem>>)
      } else {
      }
      %add3A_129 = arith.constant 1 : i32
      %add3A_130 = arith.addi %mul3A_98, %add3A_129 : i32
      %dma_wait3A_131 = arith.constant 0 : i32
      %dma_wait3A_132 = tpu.memref_slice %arg8[%add3A_130, %dma_wait3A_131] : memref<40x128xi32, #tpu.memory_space<vmem>> -> memref<1x128xi32, #tpu.memory_space<vmem>>
      %dma_wait3A_133 = tpu.memref_squeeze %dma_wait3A_132 : memref<1x128xi32, #tpu.memory_space<vmem>> -> memref<128xi32, #tpu.memory_space<vmem>>
      %dma_wait3A_134 = arith.constant 0 : i32
      %dma_wait3A_135 = arith.constant 0 : i32
      %dma_wait3A_136 = tpu.memref_slice %arg3[%dma_wait3A_134, %dma_wait3A_135] : memref<10240x128xf32, #tpu.memory_space<hbm>> -> memref<10240x128xf32, #tpu.memory_space<hbm>>
      tpu.wait_indirect_dma semaphore(%arg16 : memref<!tpu.dma_semaphore, #tpu.memory_space<semaphore_mem>>) src(%dma_wait3A_136 : memref<10240x128xf32, #tpu.memory_space<hbm>>) dst(%arg11 : memref<128x128xf32, #tpu.memory_space<vmem>>)
      %add3A_137 = arith.constant 1 : i32
      %add3A_138 = arith.addi %mul3A_98, %add3A_137 : i32
      "tpu.region"() ({
        %run_scoped3A_140 = tpu.sem_alloc : memref<!tpu.dma_semaphore, #tpu.memory_space<semaphore_mem>>
        %dma_start3A_141 = arith.constant 0 : i32
        %dma_start3A_142 = tpu.memref_slice %arg9[%add3A_138, %dma_start3A_141] : memref<40x128xi32, #tpu.memory_space<vmem>> -> memref<1x128xi32, #tpu.memory_space<vmem>>
        %dma_start3A_143 = tpu.memref_squeeze %dma_start3A_142 : memref<1x128xi32, #tpu.memory_space<vmem>> -> memref<128xi32, #tpu.memory_space<vmem>>
        %dma_start3A_144 = arith.constant 0 : i32
        %dma_start3A_145 = arith.constant 0 : i32
        %dma_start3A_146 = tpu.memref_slice %arg14[%dma_start3A_144, %dma_start3A_145] : memref<10240x128xf32, #tpu.memory_space<vmem_shared>> -> memref<10240x128xf32, #tpu.memory_space<vmem_shared>>
        tpu.enqueue_indirect_dma source(%arg11 : memref<128x128xf32, #tpu.memory_space<vmem>>) target(%dma_start3A_146 : memref<10240x128xf32, #tpu.memory_space<vmem_shared>>) offsets(%dma_start3A_143 : memref<128xi32, #tpu.memory_space<vmem>>) semaphore(%run_scoped3A_140 : memref<!tpu.dma_semaphore, #tpu.memory_space<semaphore_mem>>) {add = true}
        %dma_wait3A_147 = arith.constant 0 : i32
        %dma_wait3A_148 = tpu.memref_slice %arg9[%add3A_138, %dma_wait3A_147] : memref<40x128xi32, #tpu.memory_space<vmem>> -> memref<1x128xi32, #tpu.memory_space<vmem>>
        %dma_wait3A_149 = tpu.memref_squeeze %dma_wait3A_148 : memref<1x128xi32, #tpu.memory_space<vmem>> -> memref<128xi32, #tpu.memory_space<vmem>>
        %dma_wait3A_150 = arith.constant 0 : i32
        %dma_wait3A_151 = arith.constant 0 : i32
        %dma_wait3A_152 = tpu.memref_slice %arg14[%dma_wait3A_150, %dma_wait3A_151] : memref<10240x128xf32, #tpu.memory_space<vmem_shared>> -> memref<10240x128xf32, #tpu.memory_space<vmem_shared>>
        tpu.wait_indirect_dma semaphore(%run_scoped3A_140 : memref<!tpu.dma_semaphore, #tpu.memory_space<semaphore_mem>>) src(%arg11 : memref<128x128xf32, #tpu.memory_space<vmem>>) dst(%dma_wait3A_152 : memref<10240x128xf32, #tpu.memory_space<vmem_shared>>)
        tpu.yield
      }) : () -> ()
      %scan3A_139 = arith.constant 0 : i32
      scf.yield %scan3A_139 : i32
    }
    %scan3A_53 = arith.constant 20 : i32
    %run_scoped3A_54 = arith.constant 0 : i32
    "tpu.region"() ({
      %run_scoped3A_95 = tpu.sem_alloc : memref<!tpu.dma_semaphore, #tpu.memory_space<semaphore_mem>>
      %dma_start3A_96 = arith.constant 40 : i32
      %dma_start3A_97 = arith.constant 0 : i32
      %dma_start3A_98 = tpu.memref_slice %arg2[%run_scoped3A_54, %add3A, %dma_start3A_96, %dma_start3A_97] : memref<2x32x80x128xi32, #tpu.memory_space<hbm>> -> memref<1x1x40x128xi32, #tpu.memory_space<hbm>>
      %dma_start3A_99 = tpu.memref_squeeze %dma_start3A_98 : memref<1x1x40x128xi32, #tpu.memory_space<hbm>> -> memref<40x128xi32, #tpu.memory_space<hbm>>
      %dma_start3A_100 = arith.constant 40 : i32
      %dma_start3A_101 = arith.constant 0 : i32
      %dma_start3A_102 = tpu.memref_slice %arg2[%run_scoped3A_54, %add3A, %dma_start3A_100, %dma_start3A_101] : memref<2x32x80x128xi32, #tpu.memory_space<hbm>> -> memref<1x1x40x128xi32, #tpu.memory_space<hbm>>
      %dma_start3A_103 = tpu.memref_squeeze %dma_start3A_102 : memref<1x1x40x128xi32, #tpu.memory_space<hbm>> -> memref<40x128xi32, #tpu.memory_space<hbm>>
      tpu.enqueue_dma source(%dma_start3A_103 : memref<40x128xi32, #tpu.memory_space<hbm>>) target(%arg8 : memref<40x128xi32, #tpu.memory_space<vmem>>) target_semaphore(%run_scoped3A_95 : memref<!tpu.dma_semaphore, #tpu.memory_space<semaphore_mem>>)
      %dma_wait3A_104 = arith.constant 40 : i32
      %dma_wait3A_105 = arith.constant 0 : i32
      %dma_wait3A_106 = tpu.memref_slice %arg2[%run_scoped3A_54, %add3A, %dma_wait3A_104, %dma_wait3A_105] : memref<2x32x80x128xi32, #tpu.memory_space<hbm>> -> memref<1x1x40x128xi32, #tpu.memory_space<hbm>>
      %dma_wait3A_107 = tpu.memref_squeeze %dma_wait3A_106 : memref<1x1x40x128xi32, #tpu.memory_space<hbm>> -> memref<40x128xi32, #tpu.memory_space<hbm>>
      %dma_wait3A_108 = arith.constant 40 : i32
      %dma_wait3A_109 = arith.constant 0 : i32
      %dma_wait3A_110 = tpu.memref_slice %arg2[%run_scoped3A_54, %add3A, %dma_wait3A_108, %dma_wait3A_109] : memref<2x32x80x128xi32, #tpu.memory_space<hbm>> -> memref<1x1x40x128xi32, #tpu.memory_space<hbm>>
      %dma_wait3A_111 = tpu.memref_squeeze %dma_wait3A_110 : memref<1x1x40x128xi32, #tpu.memory_space<hbm>> -> memref<40x128xi32, #tpu.memory_space<hbm>>
      tpu.wait_dma2 semaphore(%run_scoped3A_95 : memref<!tpu.dma_semaphore, #tpu.memory_space<semaphore_mem>>) src(%dma_wait3A_111 : memref<40x128xi32, #tpu.memory_space<hbm>>) dst(%arg8 : memref<40x128xi32, #tpu.memory_space<vmem>>)
      tpu.yield
    }) : () -> ()
    %run_scoped3A_55 = arith.constant 1 : i32
    "tpu.region"() ({
      %run_scoped3A_95 = tpu.sem_alloc : memref<!tpu.dma_semaphore, #tpu.memory_space<semaphore_mem>>
      %dma_start3A_96 = arith.constant 40 : i32
      %dma_start3A_97 = arith.constant 0 : i32
      %dma_start3A_98 = tpu.memref_slice %arg2[%run_scoped3A_55, %add3A, %dma_start3A_96, %dma_start3A_97] : memref<2x32x80x128xi32, #tpu.memory_space<hbm>> -> memref<1x1x40x128xi32, #tpu.memory_space<hbm>>
      %dma_start3A_99 = tpu.memref_squeeze %dma_start3A_98 : memref<1x1x40x128xi32, #tpu.memory_space<hbm>> -> memref<40x128xi32, #tpu.memory_space<hbm>>
      %dma_start3A_100 = arith.constant 40 : i32
      %dma_start3A_101 = arith.constant 0 : i32
      %dma_start3A_102 = tpu.memref_slice %arg2[%run_scoped3A_55, %add3A, %dma_start3A_100, %dma_start3A_101] : memref<2x32x80x128xi32, #tpu.memory_space<hbm>> -> memref<1x1x40x128xi32, #tpu.memory_space<hbm>>
      %dma_start3A_103 = tpu.memref_squeeze %dma_start3A_102 : memref<1x1x40x128xi32, #tpu.memory_space<hbm>> -> memref<40x128xi32, #tpu.memory_space<hbm>>
      tpu.enqueue_dma source(%dma_start3A_103 : memref<40x128xi32, #tpu.memory_space<hbm>>) target(%arg9 : memref<40x128xi32, #tpu.memory_space<vmem>>) target_semaphore(%run_scoped3A_95 : memref<!tpu.dma_semaphore, #tpu.memory_space<semaphore_mem>>)
      %dma_wait3A_104 = arith.constant 40 : i32
      %dma_wait3A_105 = arith.constant 0 : i32
      %dma_wait3A_106 = tpu.memref_slice %arg2[%run_scoped3A_55, %add3A, %dma_wait3A_104, %dma_wait3A_105] : memref<2x32x80x128xi32, #tpu.memory_space<hbm>> -> memref<1x1x40x128xi32, #tpu.memory_space<hbm>>
      %dma_wait3A_107 = tpu.memref_squeeze %dma_wait3A_106 : memref<1x1x40x128xi32, #tpu.memory_space<hbm>> -> memref<40x128xi32, #tpu.memory_space<hbm>>
      %dma_wait3A_108 = arith.constant 40 : i32
      %dma_wait3A_109 = arith.constant 0 : i32
      %dma_wait3A_110 = tpu.memref_slice %arg2[%run_scoped3A_55, %add3A, %dma_wait3A_108, %dma_wait3A_109] : memref<2x32x80x128xi32, #tpu.memory_space<hbm>> -> memref<1x1x40x128xi32, #tpu.memory_space<hbm>>
      %dma_wait3A_111 = tpu.memref_squeeze %dma_wait3A_110 : memref<1x1x40x128xi32, #tpu.memory_space<hbm>> -> memref<40x128xi32, #tpu.memory_space<hbm>>
      tpu.wait_dma2 semaphore(%run_scoped3A_95 : memref<!tpu.dma_semaphore, #tpu.memory_space<semaphore_mem>>) src(%dma_wait3A_111 : memref<40x128xi32, #tpu.memory_space<hbm>>) dst(%arg9 : memref<40x128xi32, #tpu.memory_space<vmem>>)
      tpu.yield
    }) : () -> ()
    %dma_start3A_56 = arith.constant 0 : i32
    %dma_start3A_57 = arith.constant 0 : i32
    %dma_start3A_58 = arith.constant 0 : i32
    %dma_start3A_59 = tpu.memref_slice %arg10[%dma_start3A_57, %dma_start3A_58] : memref<128x128xf32, #tpu.memory_space<vmem>> -> memref<64x128xf32, #tpu.memory_space<vmem>>
    %dma_start3A_60 = arith.constant 0 : i32
    %dma_start3A_61 = tpu.memref_slice %arg8[%dma_start3A_56, %dma_start3A_60] : memref<40x128xi32, #tpu.memory_space<vmem>> -> memref<1x64xi32, #tpu.memory_space<vmem>>
    %dma_start3A_62 = tpu.memref_squeeze %dma_start3A_61 : memref<1x64xi32, #tpu.memory_space<vmem>> -> memref<64xi32, #tpu.memory_space<vmem>>
    %dma_start3A_63 = arith.constant 0 : i32
    %dma_start3A_64 = arith.constant 0 : i32
    %dma_start3A_65 = tpu.memref_slice %arg3[%dma_start3A_63, %dma_start3A_64] : memref<10240x128xf32, #tpu.memory_space<hbm>> -> memref<10240x128xf32, #tpu.memory_space<hbm>>
    tpu.enqueue_indirect_dma source(%dma_start3A_65 : memref<10240x128xf32, #tpu.memory_space<hbm>>) target(%dma_start3A_59 : memref<64x128xf32, #tpu.memory_space<vmem>>) offsets(%dma_start3A_62 : memref<64xi32, #tpu.memory_space<vmem>>) semaphore(%arg15 : memref<!tpu.dma_semaphore, #tpu.memory_space<semaphore_mem>>)
    %dma_start3A_66 = arith.constant 0 : i32
    %dma_start3A_67 = arith.constant 64 : i32
    %dma_start3A_68 = arith.constant 0 : i32
    %dma_start3A_69 = tpu.memref_slice %arg10[%dma_start3A_67, %dma_start3A_68] : memref<128x128xf32, #tpu.memory_space<vmem>> -> memref<64x128xf32, #tpu.memory_space<vmem>>
    %dma_start3A_70 = arith.constant 64 : i32
    %dma_start3A_71 = tpu.memref_slice %arg8[%dma_start3A_66, %dma_start3A_70] : memref<40x128xi32, #tpu.memory_space<vmem>> -> memref<1x64xi32, #tpu.memory_space<vmem>>
    %dma_start3A_72 = tpu.memref_squeeze %dma_start3A_71 : memref<1x64xi32, #tpu.memory_space<vmem>> -> memref<64xi32, #tpu.memory_space<vmem>>
    %dma_start3A_73 = arith.constant 0 : i32
    %dma_start3A_74 = arith.constant 0 : i32
    %dma_start3A_75 = tpu.memref_slice %arg3[%dma_start3A_73, %dma_start3A_74] : memref<10240x128xf32, #tpu.memory_space<hbm>> -> memref<10240x128xf32, #tpu.memory_space<hbm>>
    tpu.enqueue_indirect_dma source(%dma_start3A_75 : memref<10240x128xf32, #tpu.memory_space<hbm>>) target(%dma_start3A_69 : memref<64x128xf32, #tpu.memory_space<vmem>>) offsets(%dma_start3A_72 : memref<64xi32, #tpu.memory_space<vmem>>) semaphore(%arg15 : memref<!tpu.dma_semaphore, #tpu.memory_space<semaphore_mem>>)
    %scan3A_76 = arith.constant 0 : i32
    %scan3A_77 = arith.constant 0 : i32
    %scan3A_78 = arith.constant 20 : i32
    %scan3A_79 = arith.addi %scan3A_77, %scan3A_78 : i32
    %scan3A_80 = arith.constant 1 : i32
    %scan3A_81 = scf.for %scan3A_95 = %scan3A_77 to %scan3A_79 step %scan3A_80 iter_args(%scan3A_96 = %scan3A_76) -> (i32)  : i32 {
      %mul3A_97 = arith.constant 2 : i32
      %mul3A_98 = arith.muli %scan3A_95, %mul3A_97 : i32
      %add3A_99 = arith.constant 1 : i32
      %add3A_100 = arith.addi %mul3A_98, %add3A_99 : i32
      %dma_start3A_101 = arith.constant 0 : i32
      %dma_start3A_102 = arith.constant 0 : i32
      %dma_start3A_103 = tpu.memref_slice %arg11[%dma_start3A_101, %dma_start3A_102] : memref<128x128xf32, #tpu.memory_space<vmem>> -> memref<64x128xf32, #tpu.memory_space<vmem>>
      %dma_start3A_104 = arith.constant 0 : i32
      %dma_start3A_105 = tpu.memref_slice %arg8[%add3A_100, %dma_start3A_104] : memref<40x128xi32, #tpu.memory_space<vmem>> -> memref<1x64xi32, #tpu.memory_space<vmem>>
      %dma_start3A_106 = tpu.memref_squeeze %dma_start3A_105 : memref<1x64xi32, #tpu.memory_space<vmem>> -> memref<64xi32, #tpu.memory_space<vmem>>
      %dma_start3A_107 = arith.constant 0 : i32
      %dma_start3A_108 = arith.constant 0 : i32
      %dma_start3A_109 = tpu.memref_slice %arg3[%dma_start3A_107, %dma_start3A_108] : memref<10240x128xf32, #tpu.memory_space<hbm>> -> memref<10240x128xf32, #tpu.memory_space<hbm>>
      tpu.enqueue_indirect_dma source(%dma_start3A_109 : memref<10240x128xf32, #tpu.memory_space<hbm>>) target(%dma_start3A_103 : memref<64x128xf32, #tpu.memory_space<vmem>>) offsets(%dma_start3A_106 : memref<64xi32, #tpu.memory_space<vmem>>) semaphore(%arg16 : memref<!tpu.dma_semaphore, #tpu.memory_space<semaphore_mem>>)
      %dma_start3A_110 = arith.constant 64 : i32
      %dma_start3A_111 = arith.constant 0 : i32
      %dma_start3A_112 = tpu.memref_slice %arg11[%dma_start3A_110, %dma_start3A_111] : memref<128x128xf32, #tpu.memory_space<vmem>> -> memref<64x128xf32, #tpu.memory_space<vmem>>
      %dma_start3A_113 = arith.constant 64 : i32
      %dma_start3A_114 = tpu.memref_slice %arg8[%add3A_100, %dma_start3A_113] : memref<40x128xi32, #tpu.memory_space<vmem>> -> memref<1x64xi32, #tpu.memory_space<vmem>>
      %dma_start3A_115 = tpu.memref_squeeze %dma_start3A_114 : memref<1x64xi32, #tpu.memory_space<vmem>> -> memref<64xi32, #tpu.memory_space<vmem>>
      %dma_start3A_116 = arith.constant 0 : i32
      %dma_start3A_117 = arith.constant 0 : i32
      %dma_start3A_118 = tpu.memref_slice %arg3[%dma_start3A_116, %dma_start3A_117] : memref<10240x128xf32, #tpu.memory_space<hbm>> -> memref<10240x128xf32, #tpu.memory_space<hbm>>
      tpu.enqueue_indirect_dma source(%dma_start3A_118 : memref<10240x128xf32, #tpu.memory_space<hbm>>) target(%dma_start3A_112 : memref<64x128xf32, #tpu.memory_space<vmem>>) offsets(%dma_start3A_115 : memref<64xi32, #tpu.memory_space<vmem>>) semaphore(%arg16 : memref<!tpu.dma_semaphore, #tpu.memory_space<semaphore_mem>>)
      %dma_wait3A_119 = arith.constant 0 : i32
      %dma_wait3A_120 = tpu.memref_slice %arg8[%mul3A_98, %dma_wait3A_119] : memref<40x128xi32, #tpu.memory_space<vmem>> -> memref<1x128xi32, #tpu.memory_space<vmem>>
      %dma_wait3A_121 = tpu.memref_squeeze %dma_wait3A_120 : memref<1x128xi32, #tpu.memory_space<vmem>> -> memref<128xi32, #tpu.memory_space<vmem>>
      %dma_wait3A_122 = arith.constant 0 : i32
      %dma_wait3A_123 = arith.constant 0 : i32
      %dma_wait3A_124 = tpu.memref_slice %arg3[%dma_wait3A_122, %dma_wait3A_123] : memref<10240x128xf32, #tpu.memory_space<hbm>> -> memref<10240x128xf32, #tpu.memory_space<hbm>>
      tpu.wait_indirect_dma semaphore(%arg15 : memref<!tpu.dma_semaphore, #tpu.memory_space<semaphore_mem>>) src(%dma_wait3A_124 : memref<10240x128xf32, #tpu.memory_space<hbm>>) dst(%arg10 : memref<128x128xf32, #tpu.memory_space<vmem>>)
      "tpu.region"() ({
        %run_scoped3A_140 = tpu.sem_alloc : memref<!tpu.dma_semaphore, #tpu.memory_space<semaphore_mem>>
        %dma_start3A_141 = arith.constant 0 : i32
        %dma_start3A_142 = tpu.memref_slice %arg9[%mul3A_98, %dma_start3A_141] : memref<40x128xi32, #tpu.memory_space<vmem>> -> memref<1x128xi32, #tpu.memory_space<vmem>>
        %dma_start3A_143 = tpu.memref_squeeze %dma_start3A_142 : memref<1x128xi32, #tpu.memory_space<vmem>> -> memref<128xi32, #tpu.memory_space<vmem>>
        %dma_start3A_144 = arith.constant 0 : i32
        %dma_start3A_145 = arith.constant 0 : i32
        %dma_start3A_146 = tpu.memref_slice %arg14[%dma_start3A_144, %dma_start3A_145] : memref<10240x128xf32, #tpu.memory_space<vmem_shared>> -> memref<10240x128xf32, #tpu.memory_space<vmem_shared>>
        tpu.enqueue_indirect_dma source(%arg10 : memref<128x128xf32, #tpu.memory_space<vmem>>) target(%dma_start3A_146 : memref<10240x128xf32, #tpu.memory_space<vmem_shared>>) offsets(%dma_start3A_143 : memref<128xi32, #tpu.memory_space<vmem>>) semaphore(%run_scoped3A_140 : memref<!tpu.dma_semaphore, #tpu.memory_space<semaphore_mem>>) {add = true}
        %dma_wait3A_147 = arith.constant 0 : i32
        %dma_wait3A_148 = tpu.memref_slice %arg9[%mul3A_98, %dma_wait3A_147] : memref<40x128xi32, #tpu.memory_space<vmem>> -> memref<1x128xi32, #tpu.memory_space<vmem>>
        %dma_wait3A_149 = tpu.memref_squeeze %dma_wait3A_148 : memref<1x128xi32, #tpu.memory_space<vmem>> -> memref<128xi32, #tpu.memory_space<vmem>>
        %dma_wait3A_150 = arith.constant 0 : i32
        %dma_wait3A_151 = arith.constant 0 : i32
        %dma_wait3A_152 = tpu.memref_slice %arg14[%dma_wait3A_150, %dma_wait3A_151] : memref<10240x128xf32, #tpu.memory_space<vmem_shared>> -> memref<10240x128xf32, #tpu.memory_space<vmem_shared>>
        tpu.wait_indirect_dma semaphore(%run_scoped3A_140 : memref<!tpu.dma_semaphore, #tpu.memory_space<semaphore_mem>>) src(%arg10 : memref<128x128xf32, #tpu.memory_space<vmem>>) dst(%dma_wait3A_152 : memref<10240x128xf32, #tpu.memory_space<vmem_shared>>)
        tpu.yield
      }) : () -> ()
      %add3A_125 = arith.constant 2 : i32
      %add3A_126 = arith.addi %mul3A_98, %add3A_125 : i32
      %lt3A = arith.constant 40 : i32
      %lt3A_127 = arith.cmpi slt, %add3A_126, %lt3A : i32
      %convert_element_type3A = arith.extui %lt3A_127 : i1 to i32
      %cond3A = arith.constant 0 : i32
      %cond3A_128 = arith.cmpi ne, %convert_element_type3A, %cond3A : i32
      scf.if %cond3A_128 {
        %add3A_140 = arith.constant 2 : i32
        %add3A_141 = arith.addi %mul3A_98, %add3A_140 : i32
        %dma_start3A_142 = arith.constant 0 : i32
        %dma_start3A_143 = arith.constant 0 : i32
        %dma_start3A_144 = tpu.memref_slice %arg10[%dma_start3A_142, %dma_start3A_143] : memref<128x128xf32, #tpu.memory_space<vmem>> -> memref<64x128xf32, #tpu.memory_space<vmem>>
        %dma_start3A_145 = arith.constant 0 : i32
        %dma_start3A_146 = tpu.memref_slice %arg8[%add3A_141, %dma_start3A_145] : memref<40x128xi32, #tpu.memory_space<vmem>> -> memref<1x64xi32, #tpu.memory_space<vmem>>
        %dma_start3A_147 = tpu.memref_squeeze %dma_start3A_146 : memref<1x64xi32, #tpu.memory_space<vmem>> -> memref<64xi32, #tpu.memory_space<vmem>>
        %dma_start3A_148 = arith.constant 0 : i32
        %dma_start3A_149 = arith.constant 0 : i32
        %dma_start3A_150 = tpu.memref_slice %arg3[%dma_start3A_148, %dma_start3A_149] : memref<10240x128xf32, #tpu.memory_space<hbm>> -> memref<10240x128xf32, #tpu.memory_space<hbm>>
        tpu.enqueue_indirect_dma source(%dma_start3A_150 : memref<10240x128xf32, #tpu.memory_space<hbm>>) target(%dma_start3A_144 : memref<64x128xf32, #tpu.memory_space<vmem>>) offsets(%dma_start3A_147 : memref<64xi32, #tpu.memory_space<vmem>>) semaphore(%arg15 : memref<!tpu.dma_semaphore, #tpu.memory_space<semaphore_mem>>)
        %dma_start3A_151 = arith.constant 64 : i32
        %dma_start3A_152 = arith.constant 0 : i32
        %dma_start3A_153 = tpu.memref_slice %arg10[%dma_start3A_151, %dma_start3A_152] : memref<128x128xf32, #tpu.memory_space<vmem>> -> memref<64x128xf32, #tpu.memory_space<vmem>>
        %dma_start3A_154 = arith.constant 64 : i32
        %dma_start3A_155 = tpu.memref_slice %arg8[%add3A_141, %dma_start3A_154] : memref<40x128xi32, #tpu.memory_space<vmem>> -> memref<1x64xi32, #tpu.memory_space<vmem>>
        %dma_start3A_156 = tpu.memref_squeeze %dma_start3A_155 : memref<1x64xi32, #tpu.memory_space<vmem>> -> memref<64xi32, #tpu.memory_space<vmem>>
        %dma_start3A_157 = arith.constant 0 : i32
        %dma_start3A_158 = arith.constant 0 : i32
        %dma_start3A_159 = tpu.memref_slice %arg3[%dma_start3A_157, %dma_start3A_158] : memref<10240x128xf32, #tpu.memory_space<hbm>> -> memref<10240x128xf32, #tpu.memory_space<hbm>>
        tpu.enqueue_indirect_dma source(%dma_start3A_159 : memref<10240x128xf32, #tpu.memory_space<hbm>>) target(%dma_start3A_153 : memref<64x128xf32, #tpu.memory_space<vmem>>) offsets(%dma_start3A_156 : memref<64xi32, #tpu.memory_space<vmem>>) semaphore(%arg15 : memref<!tpu.dma_semaphore, #tpu.memory_space<semaphore_mem>>)
      } else {
      }
      %add3A_129 = arith.constant 1 : i32
      %add3A_130 = arith.addi %mul3A_98, %add3A_129 : i32
      %dma_wait3A_131 = arith.constant 0 : i32
      %dma_wait3A_132 = tpu.memref_slice %arg8[%add3A_130, %dma_wait3A_131] : memref<40x128xi32, #tpu.memory_space<vmem>> -> memref<1x128xi32, #tpu.memory_space<vmem>>
      %dma_wait3A_133 = tpu.memref_squeeze %dma_wait3A_132 : memref<1x128xi32, #tpu.memory_space<vmem>> -> memref<128xi32, #tpu.memory_space<vmem>>
      %dma_wait3A_134 = arith.constant 0 : i32
      %dma_wait3A_135 = arith.constant 0 : i32
      %dma_wait3A_136 = tpu.memref_slice %arg3[%dma_wait3A_134, %dma_wait3A_135] : memref<10240x128xf32, #tpu.memory_space<hbm>> -> memref<10240x128xf32, #tpu.memory_space<hbm>>
      tpu.wait_indirect_dma semaphore(%arg16 : memref<!tpu.dma_semaphore, #tpu.memory_space<semaphore_mem>>) src(%dma_wait3A_136 : memref<10240x128xf32, #tpu.memory_space<hbm>>) dst(%arg11 : memref<128x128xf32, #tpu.memory_space<vmem>>)
      %add3A_137 = arith.constant 1 : i32
      %add3A_138 = arith.addi %mul3A_98, %add3A_137 : i32
      "tpu.region"() ({
        %run_scoped3A_140 = tpu.sem_alloc : memref<!tpu.dma_semaphore, #tpu.memory_space<semaphore_mem>>
        %dma_start3A_141 = arith.constant 0 : i32
        %dma_start3A_142 = tpu.memref_slice %arg9[%add3A_138, %dma_start3A_141] : memref<40x128xi32, #tpu.memory_space<vmem>> -> memref<1x128xi32, #tpu.memory_space<vmem>>
        %dma_start3A_143 = tpu.memref_squeeze %dma_start3A_142 : memref<1x128xi32, #tpu.memory_space<vmem>> -> memref<128xi32, #tpu.memory_space<vmem>>
        %dma_start3A_144 = arith.constant 0 : i32
        %dma_start3A_145 = arith.constant 0 : i32
        %dma_start3A_146 = tpu.memref_slice %arg14[%dma_start3A_144, %dma_start3A_145] : memref<10240x128xf32, #tpu.memory_space<vmem_shared>> -> memref<10240x128xf32, #tpu.memory_space<vmem_shared>>
        tpu.enqueue_indirect_dma source(%arg11 : memref<128x128xf32, #tpu.memory_space<vmem>>) target(%dma_start3A_146 : memref<10240x128xf32, #tpu.memory_space<vmem_shared>>) offsets(%dma_start3A_143 : memref<128xi32, #tpu.memory_space<vmem>>) semaphore(%run_scoped3A_140 : memref<!tpu.dma_semaphore, #tpu.memory_space<semaphore_mem>>) {add = true}
        %dma_wait3A_147 = arith.constant 0 : i32
        %dma_wait3A_148 = tpu.memref_slice %arg9[%add3A_138, %dma_wait3A_147] : memref<40x128xi32, #tpu.memory_space<vmem>> -> memref<1x128xi32, #tpu.memory_space<vmem>>
        %dma_wait3A_149 = tpu.memref_squeeze %dma_wait3A_148 : memref<1x128xi32, #tpu.memory_space<vmem>> -> memref<128xi32, #tpu.memory_space<vmem>>
        %dma_wait3A_150 = arith.constant 0 : i32
        %dma_wait3A_151 = arith.constant 0 : i32
        %dma_wait3A_152 = tpu.memref_slice %arg14[%dma_wait3A_150, %dma_wait3A_151] : memref<10240x128xf32, #tpu.memory_space<vmem_shared>> -> memref<10240x128xf32, #tpu.memory_space<vmem_shared>>
        tpu.wait_indirect_dma semaphore(%run_scoped3A_140 : memref<!tpu.dma_semaphore, #tpu.memory_space<semaphore_mem>>) src(%arg11 : memref<128x128xf32, #tpu.memory_space<vmem>>) dst(%dma_wait3A_152 : memref<10240x128xf32, #tpu.memory_space<vmem_shared>>)
        tpu.yield
      }) : () -> ()
      %scan3A_139 = arith.constant 0 : i32
      scf.yield %scan3A_139 : i32
    }
    %scan3A_82 = arith.constant 20 : i32
    %barrier3A_83 = arith.constant 0 : index
    tpu.barrier barrier_id(%barrier3A_83)
    %mul3A_84 = arith.constant 640 : i32
    %mul3A_85 = arith.muli %arg1, %mul3A_84 : i32
    %mul3A_86 = arith.constant 640 : i32
    %mul3A_87 = arith.muli %arg1, %mul3A_86 : i32
    "tpu.region"() ({
      %run_scoped3A_95 = tpu.sem_alloc : memref<!tpu.dma_semaphore, #tpu.memory_space<semaphore_mem>>
      %dma_start3A_96 = arith.constant 0 : i32
      %dma_start3A_97 = tpu.memref_slice %arg6[%arg0, %mul3A_87, %dma_start3A_96] : memref<2x10240x128xf32, #tpu.memory_space<hbm>> -> memref<1x640x128xf32, #tpu.memory_space<hbm>>
      %dma_start3A_98 = tpu.memref_squeeze %dma_start3A_97 : memref<1x640x128xf32, #tpu.memory_space<hbm>> -> memref<640x128xf32, #tpu.memory_space<hbm>>
      %dma_start3A_99 = arith.constant 0 : i32
      %dma_start3A_100 = tpu.memref_slice %arg14[%mul3A_85, %dma_start3A_99] : memref<10240x128xf32, #tpu.memory_space<vmem_shared>> -> memref<640x128xf32, #tpu.memory_space<vmem_shared>>
      tpu.enqueue_dma source(%dma_start3A_100 : memref<640x128xf32, #tpu.memory_space<vmem_shared>>) target(%dma_start3A_98 : memref<640x128xf32, #tpu.memory_space<hbm>>) target_semaphore(%run_scoped3A_95 : memref<!tpu.dma_semaphore, #tpu.memory_space<semaphore_mem>>)
      %dma_wait3A_101 = arith.constant 0 : i32
      %dma_wait3A_102 = tpu.memref_slice %arg6[%arg0, %mul3A_87, %dma_wait3A_101] : memref<2x10240x128xf32, #tpu.memory_space<hbm>> -> memref<1x640x128xf32, #tpu.memory_space<hbm>>
      %dma_wait3A_103 = tpu.memref_squeeze %dma_wait3A_102 : memref<1x640x128xf32, #tpu.memory_space<hbm>> -> memref<640x128xf32, #tpu.memory_space<hbm>>
      %dma_wait3A_104 = arith.constant 0 : i32
      %dma_wait3A_105 = tpu.memref_slice %arg14[%mul3A_85, %dma_wait3A_104] : memref<10240x128xf32, #tpu.memory_space<vmem_shared>> -> memref<640x128xf32, #tpu.memory_space<vmem_shared>>
      tpu.wait_dma2 semaphore(%run_scoped3A_95 : memref<!tpu.dma_semaphore, #tpu.memory_space<semaphore_mem>>) src(%dma_wait3A_105 : memref<640x128xf32, #tpu.memory_space<vmem_shared>>) dst(%dma_wait3A_103 : memref<640x128xf32, #tpu.memory_space<hbm>>)
      tpu.yield
    }) : () -> ()
    "tpu.region"() ({
      %run_scoped3A_95 = tpu.sem_alloc : memref<!tpu.dma_semaphore, #tpu.memory_space<semaphore_mem>>
      %dma_start3A_96 = arith.constant 0 : i32
      %dma_start3A_97 = tpu.memref_slice %arg5[%add3A, %dma_start3A_96] : memref<32x2xi32, #tpu.memory_space<hbm>> -> memref<1x2xi32, #tpu.memory_space<hbm>>
      %dma_start3A_98 = tpu.memref_squeeze %dma_start3A_97 : memref<1x2xi32, #tpu.memory_space<hbm>> -> memref<2xi32, #tpu.memory_space<hbm>>
      %dma_start3A_99 = arith.constant 0 : i32
      %dma_start3A_100 = tpu.memref_slice %arg5[%add3A, %dma_start3A_99] : memref<32x2xi32, #tpu.memory_space<hbm>> -> memref<1x2xi32, #tpu.memory_space<hbm>>
      %dma_start3A_101 = tpu.memref_squeeze %dma_start3A_100 : memref<1x2xi32, #tpu.memory_space<hbm>> -> memref<2xi32, #tpu.memory_space<hbm>>
      tpu.enqueue_dma source(%dma_start3A_101 : memref<2xi32, #tpu.memory_space<hbm>>) target(%arg12 : memref<2xi32, #tpu.memory_space<vmem>>) target_semaphore(%run_scoped3A_95 : memref<!tpu.dma_semaphore, #tpu.memory_space<semaphore_mem>>)
      %dma_wait3A_102 = arith.constant 0 : i32
      %dma_wait3A_103 = tpu.memref_slice %arg5[%add3A, %dma_wait3A_102] : memref<32x2xi32, #tpu.memory_space<hbm>> -> memref<1x2xi32, #tpu.memory_space<hbm>>
      %dma_wait3A_104 = tpu.memref_squeeze %dma_wait3A_103 : memref<1x2xi32, #tpu.memory_space<hbm>> -> memref<2xi32, #tpu.memory_space<hbm>>
      %dma_wait3A_105 = arith.constant 0 : i32
      %dma_wait3A_106 = tpu.memref_slice %arg5[%add3A, %dma_wait3A_105] : memref<32x2xi32, #tpu.memory_space<hbm>> -> memref<1x2xi32, #tpu.memory_space<hbm>>
      %dma_wait3A_107 = tpu.memref_squeeze %dma_wait3A_106 : memref<1x2xi32, #tpu.memory_space<hbm>> -> memref<2xi32, #tpu.memory_space<hbm>>
      tpu.wait_dma2 semaphore(%run_scoped3A_95 : memref<!tpu.dma_semaphore, #tpu.memory_space<semaphore_mem>>) src(%dma_wait3A_107 : memref<2xi32, #tpu.memory_space<hbm>>) dst(%arg12 : memref<2xi32, #tpu.memory_space<vmem>>)
      tpu.yield
    }) : () -> ()
    %dma_start3A_88 = arith.constant 0 : i32
    %dma_start3A_89 = arith.constant 0 : i32
    %dma_start3A_90 = tpu.memref_slice %arg4[%dma_start3A_88, %dma_start3A_89] : memref<10240x128xf32, #tpu.memory_space<hbm>> -> memref<10240x128xf32, #tpu.memory_space<hbm>>
    tpu.enqueue_indirect_dma source(%dma_start3A_90 : memref<10240x128xf32, #tpu.memory_space<hbm>>) target(%arg13 : memref<2x128xf32, #tpu.memory_space<vmem>>) offsets(%arg12 : memref<2xi32, #tpu.memory_space<vmem>>) semaphore(%arg15 : memref<!tpu.dma_semaphore, #tpu.memory_space<semaphore_mem>>)
    %dma_wait3A = arith.constant 0 : i32
    %dma_wait3A_91 = arith.constant 0 : i32
    %dma_wait3A_92 = tpu.memref_slice %arg4[%dma_wait3A, %dma_wait3A_91] : memref<10240x128xf32, #tpu.memory_space<hbm>> -> memref<10240x128xf32, #tpu.memory_space<hbm>>
    tpu.wait_indirect_dma semaphore(%arg15 : memref<!tpu.dma_semaphore, #tpu.memory_space<semaphore_mem>>) src(%dma_wait3A_92 : memref<10240x128xf32, #tpu.memory_space<hbm>>) dst(%arg13 : memref<2x128xf32, #tpu.memory_space<vmem>>)
    %mul3A_93 = arith.constant 2 : i32
    %mul3A_94 = arith.muli %add3A, %mul3A_93 : i32
    "tpu.region"() ({
      %run_scoped3A_95 = tpu.sem_alloc : memref<!tpu.dma_semaphore, #tpu.memory_space<semaphore_mem>>
      %dma_start3A_96 = arith.constant 0 : i32
      %dma_start3A_97 = tpu.memref_slice %arg7[%mul3A_94, %dma_start3A_96] : memref<64x128xf32, #tpu.memory_space<hbm>> -> memref<2x128xf32, #tpu.memory_space<hbm>>
      %dma_start3A_98 = arith.constant 0 : i32
      %dma_start3A_99 = tpu.memref_slice %arg7[%mul3A_94, %dma_start3A_98] : memref<64x128xf32, #tpu.memory_space<hbm>> -> memref<2x128xf32, #tpu.memory_space<hbm>>
      tpu.enqueue_dma source(%arg13 : memref<2x128xf32, #tpu.memory_space<vmem>>) target(%dma_start3A_99 : memref<2x128xf32, #tpu.memory_space<hbm>>) target_semaphore(%run_scoped3A_95 : memref<!tpu.dma_semaphore, #tpu.memory_space<semaphore_mem>>)
      %dma_wait3A_100 = arith.constant 0 : i32
      %dma_wait3A_101 = tpu.memref_slice %arg7[%mul3A_94, %dma_wait3A_100] : memref<64x128xf32, #tpu.memory_space<hbm>> -> memref<2x128xf32, #tpu.memory_space<hbm>>
      %dma_wait3A_102 = arith.constant 0 : i32
      %dma_wait3A_103 = tpu.memref_slice %arg7[%mul3A_94, %dma_wait3A_102] : memref<64x128xf32, #tpu.memory_space<hbm>> -> memref<2x128xf32, #tpu.memory_space<hbm>>
      tpu.wait_dma2 semaphore(%run_scoped3A_95 : memref<!tpu.dma_semaphore, #tpu.memory_space<semaphore_mem>>) src(%arg13 : memref<2x128xf32, #tpu.memory_space<vmem>>) dst(%dma_wait3A_103 : memref<2x128xf32, #tpu.memory_space<hbm>>)
      tpu.yield
    }) : () -> ()
    return
  }
}

module attributes {stable_mosaic.version = 14 : i64} {
  func.func @_mm1_body(%arg0: i32, %arg1: memref<32x2048xf32, #tpu.memory_space<vmem>>, %arg2: memref<2048x128xf32, #tpu.memory_space<vmem>>, %arg3: memref<128x128xf32, #tpu.memory_space<vmem>>, %arg4: memref<2048x128xf32, #tpu.memory_space<vmem>>, %arg5: memref<2048x1xf32, #tpu.memory_space<vmem>>) attributes {dimension_semantics = [#tpu.dimension_semantics<arbitrary>], iteration_bounds = array<i64: 5>, scalar_prefetch = 0 : i64, scratch_operands = 0 : i64, tpu.core_type = #tpu.core_type<tc>, window_params = [{transform_indices = @transform_0, window_bounds = array<i64: 32, 2048>}, {transform_indices = @transform_1, window_bounds = array<i64: 2048, 128>}, {pipeline_mode = #tpu.pipeline_mode<synchronous>, transform_indices = @transform_2, window_bounds = array<i64: 128, 128>}, {transform_indices = @transform_3, window_bounds = array<i64: 2048, 128>}, {transform_indices = @transform_4, window_bounds = array<i64: 2048, 1>}]} {
    %get3A = arith.constant 0 : index
    %get3A_0 = arith.constant 0 : index
    %get3A_1 = vector.load %arg1[%get3A, %get3A_0] : memref<32x2048xf32, #tpu.memory_space<vmem>>, vector<32x2048xf32>
    %reduce_sum3A = arith.constant dense<0.000000e+00> : vector<2048xf32>
    %reduce_sum3A_2 = vector.multi_reduction <add>, %get3A_1, %reduce_sum3A [0] : vector<32x2048xf32> to vector<2048xf32>
    %add3A = arith.constant 1.000000e+00 : f32
    %add3A_3 = vector.broadcast %add3A : f32 to vector<2048xf32>
    %add3A_4 = arith.addf %reduce_sum3A_2, %add3A_3 : vector<2048xf32>
    %rsqrt3A = math.rsqrt %add3A_4 : vector<2048xf32>
    %get3A_5 = arith.constant 0 : index
    %get3A_6 = arith.constant 0 : index
    %get3A_7 = vector.load %arg2[%get3A_5, %get3A_6] : memref<2048x128xf32, #tpu.memory_space<vmem>>, vector<2048x128xf32>
    %get3A_8 = arith.constant 0 : index
    %get3A_9 = arith.constant 0 : index
    %get3A_10 = vector.load %arg3[%get3A_8, %get3A_9] : memref<128x128xf32, #tpu.memory_space<vmem>>, vector<128x128xf32>
    %dot_general3A = arith.constant dense<0.000000e+00> : vector<2048x128xf32>
    %dot_general3A_11 = tpu.matmul %get3A_7, %get3A_10, %dot_general3A {dimension_numbers = #tpu.dot_dimension_numbers<[1], [0], [0], [1], [0, 0, 1, 1], [], []>, transpose_lhs_hint = false} : vector<2048x128xf32>, vector<128x128xf32>, vector<2048x128xf32> -> vector<2048x128xf32>
    %broadcast_in_dim3A = vector.shape_cast %rsqrt3A : vector<2048xf32> to vector<2048x1xf32>
    %mul3A = vector.broadcast %broadcast_in_dim3A : vector<2048x1xf32> to vector<2048x128xf32>
    %mul3A_12 = arith.mulf %dot_general3A_11, %mul3A : vector<2048x128xf32>
    %swap3A = arith.constant 0 : index
    %swap3A_13 = arith.constant 0 : index
    %swap3A_14 = vector.load %arg4[%swap3A, %swap3A_13] : memref<2048x128xf32, #tpu.memory_space<vmem>>, vector<2048x128xf32>
    tpu.vector_store %arg4[%swap3A, %swap3A_13], %mul3A_12 {strides = array<i32>} : memref<2048x128xf32, #tpu.memory_space<vmem>>, vector<2048x128xf32>,
    %broadcast_in_dim3A_15 = vector.shape_cast %rsqrt3A : vector<2048xf32> to vector<2048x1xf32>
    %swap3A_16 = arith.constant 0 : index
    %swap3A_17 = arith.constant 0 : index
    %swap3A_18 = vector.load %arg5[%swap3A_16, %swap3A_17] : memref<2048x1xf32, #tpu.memory_space<vmem>>, vector<2048x1xf32>
    tpu.vector_store %arg5[%swap3A_16, %swap3A_17], %broadcast_in_dim3A_15 {strides = array<i32>} : memref<2048x1xf32, #tpu.memory_space<vmem>>, vector<2048x1xf32>,
    return
  }
  func.func @transform_0(%arg0: i32) -> (i32, i32) {
    %c0_i32 = arith.constant 0 : i32
    %c0_i32_0 = arith.constant 0 : i32
    return %c0_i32, %arg0 : i32, i32
  }
  func.func @transform_1(%arg0: i32) -> (i32, i32) {
    %c0_i32 = arith.constant 0 : i32
    %c0_i32_0 = arith.constant 0 : i32
    return %arg0, %c0_i32 : i32, i32
  }
  func.func @transform_2(%arg0: i32) -> (i32, i32) {
    %c0_i32 = arith.constant 0 : i32
    %c0_i32_0 = arith.constant 0 : i32
    %c0_i32_1 = arith.constant 0 : i32
    return %c0_i32, %c0_i32_0 : i32, i32
  }
  func.func @transform_3(%arg0: i32) -> (i32, i32) {
    %c0_i32 = arith.constant 0 : i32
    %c0_i32_0 = arith.constant 0 : i32
    return %arg0, %c0_i32 : i32, i32
  }
  func.func @transform_4(%arg0: i32) -> (i32, i32) {
    %c0_i32 = arith.constant 0 : i32
    %c0_i32_0 = arith.constant 0 : i32
    return %arg0, %c0_i32 : i32, i32
  }
}

module attributes {stable_mosaic.version = 14 : i64} {
  func.func @_mid_body(%arg0: i32, %arg1: memref<2x2048x128xf32, #tpu.memory_space<vmem>>, %arg2: memref<2048x128xf32, #tpu.memory_space<vmem>>, %arg3: memref<2048x1xf32, #tpu.memory_space<vmem>>, %arg4: memref<1x128xf32, #tpu.memory_space<vmem>>, %arg5: memref<2048x1xi32, #tpu.memory_space<vmem>>, %arg6: memref<64x128xf32, #tpu.memory_space<vmem>>, %arg7: memref<128x128xf32, #tpu.memory_space<vmem>>, %arg8: memref<128x128xf32, #tpu.memory_space<vmem>>, %arg9: memref<2048x128xf32, #tpu.memory_space<vmem>>, %arg10: memref<2048x128xf32, #tpu.memory_space<vmem>>) attributes {dimension_semantics = [#tpu.dimension_semantics<arbitrary>], iteration_bounds = array<i64: 5>, scalar_prefetch = 0 : i64, scratch_operands = 0 : i64, tpu.core_type = #tpu.core_type<tc>, window_params = [{transform_indices = @transform_0, window_bounds = array<i64: 2, 2048, 128>}, {transform_indices = @transform_1, window_bounds = array<i64: 2048, 128>}, {transform_indices = @transform_2, window_bounds = array<i64: 2048, 1>}, {pipeline_mode = #tpu.pipeline_mode<synchronous>, transform_indices = @transform_3, window_bounds = array<i64: 1, 128>}, {transform_indices = @transform_4, window_bounds = array<i64: 2048, 1>}, {pipeline_mode = #tpu.pipeline_mode<synchronous>, transform_indices = @transform_5, window_bounds = array<i64: 64, 128>}, {pipeline_mode = #tpu.pipeline_mode<synchronous>, transform_indices = @transform_6, window_bounds = array<i64: 128, 128>}, {pipeline_mode = #tpu.pipeline_mode<synchronous>, transform_indices = @transform_7, window_bounds = array<i64: 128, 128>}, {transform_indices = @transform_8, window_bounds = array<i64: 2048, 128>}, {transform_indices = @transform_9, window_bounds = array<i64: 2048, 128>}]} {
    %get3A = arith.constant 0 : index
    %get3A_0 = arith.constant 0 : index
    %get3A_1 = vector.load %arg3[%get3A, %get3A_0] : memref<2048x1xf32, #tpu.memory_space<vmem>>, vector<2048x1xf32>
    %get3A_2 = arith.constant 0 : index
    %get3A_3 = arith.constant 0 : index
    %get3A_4 = arith.constant 0 : index
    %get3A_5 = vector.load %arg1[%get3A_2, %get3A_3, %get3A_4] : memref<2x2048x128xf32, #tpu.memory_space<vmem>>, vector<1x2048x128xf32>
    %get3A_6 = vector.shape_cast %get3A_5 : vector<1x2048x128xf32> to vector<2048x128xf32>
    %get3A_7 = arith.constant 1 : index
    %get3A_8 = arith.constant 0 : index
    %get3A_9 = arith.constant 0 : index
    %get3A_10 = vector.load %arg1[%get3A_7, %get3A_8, %get3A_9] : memref<2x2048x128xf32, #tpu.memory_space<vmem>>, vector<1x2048x128xf32>
    %get3A_11 = vector.shape_cast %get3A_10 : vector<1x2048x128xf32> to vector<2048x128xf32>
    %add3A = arith.addf %get3A_6, %get3A_11 : vector<2048x128xf32>
    %get3A_12 = arith.constant 0 : index
    %get3A_13 = arith.constant 0 : index
    %get3A_14 = vector.load %arg2[%get3A_12, %get3A_13] : memref<2048x128xf32, #tpu.memory_space<vmem>>, vector<2048x128xf32>
    %add3A_15 = arith.addf %add3A, %get3A_14 : vector<2048x128xf32>
    %mul3A = vector.broadcast %get3A_1 : vector<2048x1xf32> to vector<2048x128xf32>
    %mul3A_16 = arith.mulf %add3A_15, %mul3A : vector<2048x128xf32>
    %get3A_17 = arith.constant 0 : index
    %get3A_18 = arith.constant 0 : index
    %get3A_19 = vector.load %arg4[%get3A_17, %get3A_18] : memref<1x128xf32, #tpu.memory_space<vmem>>, vector<1x128xf32>
    %add3A_20 = vector.broadcast %get3A_19 : vector<1x128xf32> to vector<2048x128xf32>
    %add3A_21 = arith.addf %mul3A_16, %add3A_20 : vector<2048x128xf32>
    %max3A = arith.constant 0.000000e+00 : f32
    %max3A_22 = vector.broadcast %max3A : f32 to vector<2048x128xf32>
    %max3A_23 = arith.maximumf %add3A_21, %max3A_22 : vector<2048x128xf32>
    %get3A_24 = arith.constant 0 : index
    %get3A_25 = arith.constant 0 : index
    %get3A_26 = vector.load %arg6[%get3A_24, %get3A_25] : memref<64x128xf32, #tpu.memory_space<vmem>>, vector<64x128xf32>
    %max3A_27 = arith.constant 0.000000e+00 : f32
    %max3A_28 = vector.broadcast %max3A_27 : f32 to vector<64x128xf32>
    %max3A_29 = arith.maximumf %get3A_26, %max3A_28 : vector<64x128xf32>
    %get3A_30 = arith.constant 0 : index
    %get3A_31 = arith.constant 0 : index
    %get3A_32 = vector.load %arg8[%get3A_30, %get3A_31] : memref<128x128xf32, #tpu.memory_space<vmem>>, vector<128x128xf32>
    %dot_general3A = arith.constant dense<0.000000e+00> : vector<64x128xf32>
    %dot_general3A_33 = tpu.matmul %max3A_29, %get3A_32, %dot_general3A {dimension_numbers = #tpu.dot_dimension_numbers<[1], [0], [0], [1], [0, 0, 1, 1], [], []>, transpose_lhs_hint = false} : vector<64x128xf32>, vector<128x128xf32>, vector<64x128xf32> -> vector<64x128xf32>
    %get3A_34 = arith.constant 0 : index
    %get3A_35 = arith.constant 0 : index
    %get3A_36 = vector.load %arg5[%get3A_34, %get3A_35] : memref<2048x1xi32, #tpu.memory_space<vmem>>, vector<2048x1xi32>
    %iota3A = tpu.iota {dimensions = array<i32: 1>} : vector<2048x64xi32>
    %eq3A = vector.broadcast %get3A_36 : vector<2048x1xi32> to vector<2048x64xi32>
    %eq3A_37 = arith.cmpi eq, %eq3A, %iota3A : vector<2048x64xi32>
    %convert_element_type3A = arith.extui %eq3A_37 : vector<2048x64xi1> to vector<2048x64xi32>
    %convert_element_type3A_38 = arith.sitofp %convert_element_type3A : vector<2048x64xi32> to vector<2048x64xf32>
    %get3A_39 = arith.constant 0 : index
    %get3A_40 = arith.constant 0 : index
    %get3A_41 = vector.load %arg7[%get3A_39, %get3A_40] : memref<128x128xf32, #tpu.memory_space<vmem>>, vector<128x128xf32>
    %dot_general3A_42 = arith.constant dense<0.000000e+00> : vector<2048x128xf32>
    %dot_general3A_43 = tpu.matmul %max3A_23, %get3A_41, %dot_general3A_42 {dimension_numbers = #tpu.dot_dimension_numbers<[1], [0], [0], [1], [0, 0, 1, 1], [], []>, transpose_lhs_hint = false} : vector<2048x128xf32>, vector<128x128xf32>, vector<2048x128xf32> -> vector<2048x128xf32>
    %dot_general3A_44 = arith.constant dense<0.000000e+00> : vector<2048x128xf32>
    %dot_general3A_45 = tpu.matmul %convert_element_type3A_38, %dot_general3A_33, %dot_general3A_44 {dimension_numbers = #tpu.dot_dimension_numbers<[1], [0], [0], [1], [0, 0, 1, 1], [], []>, transpose_lhs_hint = false} : vector<2048x64xf32>, vector<64x128xf32>, vector<2048x128xf32> -> vector<2048x128xf32>
    %add3A_46 = arith.addf %dot_general3A_43, %dot_general3A_45 : vector<2048x128xf32>
    %swap3A = arith.constant 0 : index
    %swap3A_47 = arith.constant 0 : index
    %swap3A_48 = vector.load %arg9[%swap3A, %swap3A_47] : memref<2048x128xf32, #tpu.memory_space<vmem>>, vector<2048x128xf32>
    tpu.vector_store %arg9[%swap3A, %swap3A_47], %add3A_21 {strides = array<i32>} : memref<2048x128xf32, #tpu.memory_space<vmem>>, vector<2048x128xf32>,
    %mul3A_49 = vector.broadcast %get3A_1 : vector<2048x1xf32> to vector<2048x128xf32>
    %mul3A_50 = arith.mulf %add3A_46, %mul3A_49 : vector<2048x128xf32>
    %swap3A_51 = arith.constant 0 : index
    %swap3A_52 = arith.constant 0 : index
    %swap3A_53 = vector.load %arg10[%swap3A_51, %swap3A_52] : memref<2048x128xf32, #tpu.memory_space<vmem>>, vector<2048x128xf32>
    tpu.vector_store %arg10[%swap3A_51, %swap3A_52], %mul3A_50 {strides = array<i32>} : memref<2048x128xf32, #tpu.memory_space<vmem>>, vector<2048x128xf32>,
    return
  }
  func.func @transform_0(%arg0: i32) -> (i32, i32, i32) {
    %c0_i32 = arith.constant 0 : i32
    %c0_i32_0 = arith.constant 0 : i32
    %c0_i32_1 = arith.constant 0 : i32
    return %c0_i32, %arg0, %c0_i32_0 : i32, i32, i32
  }
  func.func @transform_1(%arg0: i32) -> (i32, i32) {
    %c0_i32 = arith.constant 0 : i32
    %c0_i32_0 = arith.constant 0 : i32
    return %arg0, %c0_i32 : i32, i32
  }
  func.func @transform_2(%arg0: i32) -> (i32, i32) {
    %c0_i32 = arith.constant 0 : i32
    %c0_i32_0 = arith.constant 0 : i32
    return %arg0, %c0_i32 : i32, i32
  }
  func.func @transform_3(%arg0: i32) -> (i32, i32) {
    %c0_i32 = arith.constant 0 : i32
    %c0_i32_0 = arith.constant 0 : i32
    %c0_i32_1 = arith.constant 0 : i32
    return %c0_i32, %c0_i32_0 : i32, i32
  }
  func.func @transform_4(%arg0: i32) -> (i32, i32) {
    %c0_i32 = arith.constant 0 : i32
    %c0_i32_0 = arith.constant 0 : i32
    return %arg0, %c0_i32 : i32, i32
  }
  func.func @transform_5(%arg0: i32) -> (i32, i32) {
    %c0_i32 = arith.constant 0 : i32
    %c0_i32_0 = arith.constant 0 : i32
    %c0_i32_1 = arith.constant 0 : i32
    return %c0_i32, %c0_i32_0 : i32, i32
  }
  func.func @transform_6(%arg0: i32) -> (i32, i32) {
    %c0_i32 = arith.constant 0 : i32
    %c0_i32_0 = arith.constant 0 : i32
    %c0_i32_1 = arith.constant 0 : i32
    return %c0_i32, %c0_i32_0 : i32, i32
  }
  func.func @transform_7(%arg0: i32) -> (i32, i32) {
    %c0_i32 = arith.constant 0 : i32
    %c0_i32_0 = arith.constant 0 : i32
    %c0_i32_1 = arith.constant 0 : i32
    return %c0_i32, %c0_i32_0 : i32, i32
  }
  func.func @transform_8(%arg0: i32) -> (i32, i32) {
    %c0_i32 = arith.constant 0 : i32
    %c0_i32_0 = arith.constant 0 : i32
    return %arg0, %c0_i32 : i32, i32
  }
  func.func @transform_9(%arg0: i32) -> (i32, i32) {
    %c0_i32 = arith.constant 0 : i32
    %c0_i32_0 = arith.constant 0 : i32
    return %arg0, %c0_i32 : i32, i32
  }
}

module attributes {stable_mosaic.version = 14 : i64} {
  func.func @_pool_body(%arg0: i32, %arg1: memref<2x2048x128xf32, #tpu.memory_space<vmem>>, %arg2: memref<2048x128xf32, #tpu.memory_space<vmem>>, %arg3: memref<2048x1xf32, #tpu.memory_space<vmem>>, %arg4: memref<1x128xf32, #tpu.memory_space<vmem>>, %arg5: memref<2048x1xi32, #tpu.memory_space<vmem>>, %arg6: memref<64x128xf32, #tpu.memory_space<vmem>>, %arg7: memref<64x256xf32, #tpu.memory_space<vmem>>, %arg8: memref<64x128xf32, #tpu.memory_space<vmem>>, %arg9: memref<64x128xf32, #tpu.memory_space<vmem>>) attributes {dimension_semantics = [#tpu.dimension_semantics<arbitrary>], iteration_bounds = array<i64: 5>, scalar_prefetch = 0 : i64, scratch_operands = 2 : i64, tpu.core_type = #tpu.core_type<tc>, window_params = [{transform_indices = @transform_0, window_bounds = array<i64: 2, 2048, 128>}, {transform_indices = @transform_1, window_bounds = array<i64: 2048, 128>}, {transform_indices = @transform_2, window_bounds = array<i64: 2048, 1>}, {pipeline_mode = #tpu.pipeline_mode<synchronous>, transform_indices = @transform_3, window_bounds = array<i64: 1, 128>}, {transform_indices = @transform_4, window_bounds = array<i64: 2048, 1>}, {pipeline_mode = #tpu.pipeline_mode<synchronous>, transform_indices = @transform_5, window_bounds = array<i64: 64, 128>}, {pipeline_mode = #tpu.pipeline_mode<synchronous>, transform_indices = @transform_6, window_bounds = array<i64: 64, 256>}]} {
    %get3A = arith.constant 0 : index
    %get3A_0 = arith.constant 0 : index
    %get3A_1 = arith.constant 0 : index
    %get3A_2 = vector.load %arg1[%get3A, %get3A_0, %get3A_1] : memref<2x2048x128xf32, #tpu.memory_space<vmem>>, vector<1x2048x128xf32>
    %get3A_3 = vector.shape_cast %get3A_2 : vector<1x2048x128xf32> to vector<2048x128xf32>
    %get3A_4 = arith.constant 1 : index
    %get3A_5 = arith.constant 0 : index
    %get3A_6 = arith.constant 0 : index
    %get3A_7 = vector.load %arg1[%get3A_4, %get3A_5, %get3A_6] : memref<2x2048x128xf32, #tpu.memory_space<vmem>>, vector<1x2048x128xf32>
    %get3A_8 = vector.shape_cast %get3A_7 : vector<1x2048x128xf32> to vector<2048x128xf32>
    %add3A = arith.addf %get3A_3, %get3A_8 : vector<2048x128xf32>
    %get3A_9 = arith.constant 0 : index
    %get3A_10 = arith.constant 0 : index
    %get3A_11 = vector.load %arg2[%get3A_9, %get3A_10] : memref<2048x128xf32, #tpu.memory_space<vmem>>, vector<2048x128xf32>
    %add3A_12 = arith.addf %add3A, %get3A_11 : vector<2048x128xf32>
    %get3A_13 = arith.constant 0 : index
    %get3A_14 = arith.constant 0 : index
    %get3A_15 = vector.load %arg3[%get3A_13, %get3A_14] : memref<2048x1xf32, #tpu.memory_space<vmem>>, vector<2048x1xf32>
    %mul3A = vector.broadcast %get3A_15 : vector<2048x1xf32> to vector<2048x128xf32>
    %mul3A_16 = arith.mulf %add3A_12, %mul3A : vector<2048x128xf32>
    %get3A_17 = arith.constant 0 : index
    %get3A_18 = arith.constant 0 : index
    %get3A_19 = vector.load %arg4[%get3A_17, %get3A_18] : memref<1x128xf32, #tpu.memory_space<vmem>>, vector<1x128xf32>
    %add3A_20 = vector.broadcast %get3A_19 : vector<1x128xf32> to vector<2048x128xf32>
    %add3A_21 = arith.addf %mul3A_16, %add3A_20 : vector<2048x128xf32>
    %max3A = arith.constant 0.000000e+00 : f32
    %max3A_22 = vector.broadcast %max3A : f32 to vector<2048x128xf32>
    %max3A_23 = arith.maximumf %add3A_21, %max3A_22 : vector<2048x128xf32>
    %get3A_24 = arith.constant 0 : index
    %get3A_25 = arith.constant 0 : index
    %get3A_26 = vector.load %arg5[%get3A_24, %get3A_25] : memref<2048x1xi32, #tpu.memory_space<vmem>>, vector<2048x1xi32>
    %iota3A = tpu.iota {dimensions = array<i32: 1>} : vector<2048x64xi32>
    %eq3A = vector.broadcast %get3A_26 : vector<2048x1xi32> to vector<2048x64xi32>
    %eq3A_27 = arith.cmpi eq, %eq3A, %iota3A : vector<2048x64xi32>
    %convert_element_type3A = arith.extui %eq3A_27 : vector<2048x64xi1> to vector<2048x64xi32>
    %convert_element_type3A_28 = arith.sitofp %convert_element_type3A : vector<2048x64xi32> to vector<2048x64xf32>
    %dot_general3A = arith.constant dense<0.000000e+00> : vector<64x128xf32>
    %dot_general3A_29 = tpu.matmul %convert_element_type3A_28, %max3A_23, %dot_general3A {dimension_numbers = #tpu.dot_dimension_numbers<[0], [0], [1], [1], [0, 1, 1, 1], [], []>, transpose_lhs_hint = false} : vector<2048x64xf32>, vector<2048x128xf32>, vector<64x128xf32> -> vector<64x128xf32>
    %reduce_sum3A = arith.constant dense<0.000000e+00> : vector<64xf32>
    %reduce_sum3A_30 = vector.multi_reduction <add>, %convert_element_type3A_28, %reduce_sum3A [0] : vector<2048x64xf32> to vector<64xf32>
    %eq3A_31 = arith.constant 0 : i32
    %eq3A_32 = arith.cmpi eq, %arg0, %eq3A_31 : i32
    %convert_element_type3A_33 = arith.extui %eq3A_32 : i1 to i32
    %cond3A = arith.constant 0 : i32
    %cond3A_34 = arith.cmpi ne, %convert_element_type3A_33, %cond3A : i32
    scf.if %cond3A_34 {
      %broadcast_in_dim3A_54 = arith.constant 0.000000e+00 : f32
      %broadcast_in_dim3A_55 = vector.broadcast %broadcast_in_dim3A_54 : f32 to vector<64x128xf32>
      %swap3A_56 = arith.constant 0 : index
      %swap3A_57 = arith.constant 0 : index
      %swap3A_58 = vector.load %arg8[%swap3A_56, %swap3A_57] : memref<64x128xf32, #tpu.memory_space<vmem>>, vector<64x128xf32>
      tpu.vector_store %arg8[%swap3A_56, %swap3A_57], %broadcast_in_dim3A_55 {strides = array<i32>} : memref<64x128xf32, #tpu.memory_space<vmem>>, vector<64x128xf32>,
      %broadcast_in_dim3A_59 = arith.constant 0.000000e+00 : f32
      %broadcast_in_dim3A_60 = vector.broadcast %broadcast_in_dim3A_59 : f32 to vector<64x128xf32>
      %swap3A_61 = arith.constant 0 : index
      %swap3A_62 = arith.constant 0 : index
      %swap3A_63 = vector.load %arg9[%swap3A_61, %swap3A_62] : memref<64x128xf32, #tpu.memory_space<vmem>>, vector<64x128xf32>
      tpu.vector_store %arg9[%swap3A_61, %swap3A_62], %broadcast_in_dim3A_60 {strides = array<i32>} : memref<64x128xf32, #tpu.memory_space<vmem>>, vector<64x128xf32>,
    } else {
    }
    %get3A_35 = arith.constant 0 : index
    %get3A_36 = arith.constant 0 : index
    %get3A_37 = vector.load %arg8[%get3A_35, %get3A_36] : memref<64x128xf32, #tpu.memory_space<vmem>>, vector<64x128xf32>
    %add3A_38 = arith.addf %get3A_37, %dot_general3A_29 : vector<64x128xf32>
    %swap3A = arith.constant 0 : index
    %swap3A_39 = arith.constant 0 : index
    %swap3A_40 = vector.load %arg8[%swap3A, %swap3A_39] : memref<64x128xf32, #tpu.memory_space<vmem>>, vector<64x128xf32>
    tpu.vector_store %arg8[%swap3A, %swap3A_39], %add3A_38 {strides = array<i32>} : memref<64x128xf32, #tpu.memory_space<vmem>>, vector<64x128xf32>,
    %get3A_41 = arith.constant 0 : index
    %get3A_42 = arith.constant 0 : index
    %get3A_43 = vector.load %arg9[%get3A_41, %get3A_42] : memref<64x128xf32, #tpu.memory_space<vmem>>, vector<64x128xf32>
    %broadcast_in_dim3A = vector.shape_cast %reduce_sum3A_30 : vector<64xf32> to vector<64x1xf32>
    %add3A_44 = vector.broadcast %broadcast_in_dim3A : vector<64x1xf32> to vector<64x128xf32>
    %add3A_45 = arith.addf %get3A_43, %add3A_44 : vector<64x128xf32>
    %swap3A_46 = arith.constant 0 : index
    %swap3A_47 = arith.constant 0 : index
    %swap3A_48 = vector.load %arg9[%swap3A_46, %swap3A_47] : memref<64x128xf32, #tpu.memory_space<vmem>>, vector<64x128xf32>
    tpu.vector_store %arg9[%swap3A_46, %swap3A_47], %add3A_45 {strides = array<i32>} : memref<64x128xf32, #tpu.memory_space<vmem>>, vector<64x128xf32>,
    %eq3A_49 = arith.constant 4 : i32
    %eq3A_50 = arith.cmpi eq, %arg0, %eq3A_49 : i32
    %convert_element_type3A_51 = arith.extui %eq3A_50 : i1 to i32
    %cond3A_52 = arith.constant 0 : i32
    %cond3A_53 = arith.cmpi ne, %convert_element_type3A_51, %cond3A_52 : i32
    scf.if %cond3A_53 {
      %get3A_54 = arith.constant 0 : index
      %get3A_55 = arith.constant 0 : index
      %get3A_56 = vector.load %arg9[%get3A_54, %get3A_55] : memref<64x128xf32, #tpu.memory_space<vmem>>, vector<64x128xf32>
      %get3A_57 = arith.constant 0 : index
      %get3A_58 = arith.constant 0 : index
      %get3A_59 = vector.load %arg8[%get3A_57, %get3A_58] : memref<64x128xf32, #tpu.memory_space<vmem>>, vector<64x128xf32>
      %max3A_60 = arith.constant 1.000000e+00 : f32
      %max3A_61 = vector.broadcast %max3A_60 : f32 to vector<64x128xf32>
      %max3A_62 = arith.maximumf %get3A_56, %max3A_61 : vector<64x128xf32>
      %div3A = arith.divf %get3A_59, %max3A_62 : vector<64x128xf32>
      %swap3A_63 = arith.constant 0 : index
      %swap3A_64 = arith.constant 0 : index
      %swap3A_65 = vector.load %arg7[%swap3A_63, %swap3A_64] : memref<64x256xf32, #tpu.memory_space<vmem>>, vector<64x128xf32>
      tpu.vector_store %arg7[%swap3A_63, %swap3A_64], %div3A {strides = array<i32>} : memref<64x256xf32, #tpu.memory_space<vmem>>, vector<64x128xf32>,
      %gt3A = arith.constant 0.000000e+00 : f32
      %gt3A_66 = vector.broadcast %gt3A : f32 to vector<64x128xf32>
      %gt3A_67 = arith.cmpf ogt, %get3A_56, %gt3A_66 : vector<64x128xf32>
      %get3A_68 = arith.constant 0 : index
      %get3A_69 = arith.constant 0 : index
      %get3A_70 = vector.load %arg6[%get3A_68, %get3A_69] : memref<64x128xf32, #tpu.memory_space<vmem>>, vector<64x128xf32>
      %jit3A = arith.constant 0.000000e+00 : f32
      %broadcast_in_dim3A_71 = vector.broadcast %jit3A : f32 to vector<64x128xf32>
      %select_n3A = arith.select %gt3A_67, %get3A_70, %broadcast_in_dim3A_71 : vector<64x128xi1>, vector<64x128xf32>
      %swap3A_72 = arith.constant 0 : index
      %swap3A_73 = arith.constant 128 : index
      %swap3A_74 = vector.load %arg7[%swap3A_72, %swap3A_73] : memref<64x256xf32, #tpu.memory_space<vmem>>, vector<64x128xf32>
      tpu.vector_store %arg7[%swap3A_72, %swap3A_73], %select_n3A {strides = array<i32>} : memref<64x256xf32, #tpu.memory_space<vmem>>, vector<64x128xf32>,
    } else {
    }
    return
  }
  func.func @transform_0(%arg0: i32) -> (i32, i32, i32) {
    %c0_i32 = arith.constant 0 : i32
    %c0_i32_0 = arith.constant 0 : i32
    %c0_i32_1 = arith.constant 0 : i32
    return %c0_i32, %arg0, %c0_i32_0 : i32, i32, i32
  }
  func.func @transform_1(%arg0: i32) -> (i32, i32) {
    %c0_i32 = arith.constant 0 : i32
    %c0_i32_0 = arith.constant 0 : i32
    return %arg0, %c0_i32 : i32, i32
  }
  func.func @transform_2(%arg0: i32) -> (i32, i32) {
    %c0_i32 = arith.constant 0 : i32
    %c0_i32_0 = arith.constant 0 : i32
    return %arg0, %c0_i32 : i32, i32
  }
  func.func @transform_3(%arg0: i32) -> (i32, i32) {
    %c0_i32 = arith.constant 0 : i32
    %c0_i32_0 = arith.constant 0 : i32
    %c0_i32_1 = arith.constant 0 : i32
    return %c0_i32, %c0_i32_0 : i32, i32
  }
  func.func @transform_4(%arg0: i32) -> (i32, i32) {
    %c0_i32 = arith.constant 0 : i32
    %c0_i32_0 = arith.constant 0 : i32
    return %arg0, %c0_i32 : i32, i32
  }
  func.func @transform_5(%arg0: i32) -> (i32, i32) {
    %c0_i32 = arith.constant 0 : i32
    %c0_i32_0 = arith.constant 0 : i32
    %c0_i32_1 = arith.constant 0 : i32
    return %c0_i32, %c0_i32_0 : i32, i32
  }
  func.func @transform_6(%arg0: i32) -> (i32, i32) {
    %c0_i32 = arith.constant 0 : i32
    %c0_i32_0 = arith.constant 0 : i32
    %c0_i32_1 = arith.constant 0 : i32
    return %c0_i32, %c0_i32_0 : i32, i32
  }
}

</mosaic_0001>

<sc_bundles>
// kernel: kernel.11.cloned.1.call-start
scs
__scs_entry_jumppad:
0x0: {  	(pc) =	sbr.rel $0x88, $3  }
0x1: {  	(tag) =	ssettag $0x0;
	lr =	simm.s32 $0x1  }
0x2: {  	[smem:$0x3F99] =	sst lr;
	_ =	strace $0xD0000000  }
0x3: {  	_ = 	snop  }
0x4: {  	_ = 	snop  }
0x5: {  	_ = 	snop  }
0x6: {  	_ = 	snop  }
0x7: {  	_ = 	snop  }
__scs_overlays_trampoline_lowered:
0x8: {  	[smem:$0x3FA8] =	sst s0  }
0x9: {  	[smem:$0x3FA9] =	sst s1  }
0xa: {  	[smem:$0x3FAA] =	sst s2  }
0xb: {  	[smem:$0x3FAB] =	sst s3  }
0xc: {  	[smem:$0x3FAC] =	sst s4  }
0xd: {  	[smem:$0x3FAD] =	sst s5  }
0xe: {  	[smem:$0x3FAE] =	sst s6  }
0xf: {  	[smem:$0x3FAF] =	sst s7  }
0x10: {  	[smem:$0x3FB0] =	sst s8  }
0x11: {  	[smem:$0x3FB1] =	sst s9;
	s0 =	simm.s32 @!p0 $0x0  }
0x12: {  	s1 =	sld [smem:$0x3F97];
	s0 =	simm.s32 @p0 $0x1  }
0x13: {  	[smem:$0x3FB2] =	sst s0;
	s0 =	simm.s32 @!p1 $0x0  }
0x14: {  	s2 =	sld [smem:$0x3F96];
	s0 =	simm.s32 @p1 $0x1  }
0x15: {  	[smem:$0x3FB3] =	sst s0;
	s0 =	simm.s32 @!p2 $0x0  }
0x16: {  	s3 =	sld [smem:$0x3FDB];
	s0 =	simm.s32 @p2 $0x1  }
0x17: {  	s4 =	simm.s32 $0x1BF5;
	[smem:$0x3FB5] =	sst s0  }
0x18: {  	s0 =	sld [smem:$0x3F98];
	_ =	swait.ge [sflag:s4], $0x0  }
0x19: {  	s7 =	sld [smem:$0x3F99]  }
0x1a: {  	s8 =	sadd.s32 $0xFFFFE003, lr  }
0x1b: {  	s9 =	sadd.s32 $0xFFFFFEF7, lr;
	s5 =	simm.s32 $0xFFFFFFFF;
	p2 =	slt.u32 s8, $0xFFFFF086  }
0x1c: {  	p1 =	slt.u32 s9, $0xF7A;
	s5 =	simm.s32 @!p2 $0x0  }
0x1d: {  	s5 =	simm.s32 @p1 $0x1;
	p0 =	seq.s32 s7, s2  }
0x1e: {  	s7 =	smul.u32 @!p0 $0xF7A, s2;
	p2 =	seq.s32 @!p0 s5, $0x0  }
0x1f: {  	s9 =	smul.u32 $0xF7A, s1;
	s8 =	simm.s32 @!p0 $0x1BF5;
	p2 =	por !p2, p0  }
0x20: {  	[sflag:s8] =	ssyncset.s32 @!p0 $0xFFFFF086;
	s6 =	sadd.s32 @!p0 s3, s7;
	s7 =	simm.s32 @!p0 $0x108  }
0x21: {  	s3 =	sadd.s32 s3, s9;
	s6 =	sadd.s32 @!p0 $0x88, s6;
	s7 =	simm.s32 @p2 $0x1082  }
0x22: {  	[simem:s7], [sflag:s8] =	dma.local @!p0 [hbm:s6], $0xF7A  }
0x23: {  	s9 =	sor.u32 $0xD0000000, s2;
	s6 =	simm.s32 $0x108;
	_ =	swait.ge @!p0 [sflag:s8], $0x0  }
0x24: {  	s3 =	sadd.s32 $0x88, s3;
	s6 =	simm.s32 @!p1 $0x1082;
	[sflag:s4] =	ssyncset.s32 $0xFFFFF086  }
0x25: {  	[simem:s6], [sflag:s4] =	dma.local [hbm:s3], $0xF7A  }
0x26: {  	[smem:$0x3F99] =	sst s1;
	(tag) =	ssettag s2;
	_ =	strace s9  }
0x27: {  	s1 =	sld [smem:$0x3FA9]  }
0x28: {  	s2 =	sld [smem:$0x3FAA]  }
0x29: {  	s4 =	sld [smem:$0x3FAC]  }
0x2a: {  	p0 =	seq.s32 s5, $0x0;
	s5 =	sld [smem:$0x3FAD]  }
0x2b: {  	s6 =	sld [smem:$0x3FAE]  }
0x2c: {  	s7 =	sld [smem:$0x3FAF]  }
0x2d: {  	s3 =	simm.s32 $0x108;
	s8 =	sld [smem:$0x3FB0]  }
0x2e: {  	s3 =	simm.s32 @!p0 $0x1082;
	s9 =	sld [smem:$0x3FB1]  }
0x2f: {  	lr =	sadd.s32 s0, s3;
	s0 =	sld [smem:$0x3FA8]  }
0x30: {  	s3 =	sld [smem:$0x3FAB]  }
0x31: {  	[smem:$0x3FB4] =	sst s10  }
0x32: {  	s10 =	sld [smem:$0x3FB2];
	_ =	sdelay $0x3  }
0x33: {  	p0 =	seq.s32 s10, $0x1;
	s10 =	sld [smem:$0x3FB4];
	_ =	sdelay $0x3  }
0x34: {  	[smem:$0x3FB4] =	sst s10  }
0x35: {  	s10 =	sld [smem:$0x3FB3];
	_ =	sdelay $0x3  }
0x36: {  	p1 =	seq.s32 s10, $0x1;
	s10 =	sld [smem:$0x3FB4];
	_ =	sdelay $0x3  }
0x37: {  	[smem:$0x3FB4] =	sst s10  }
0x38: {  	s10 =	sld [smem:$0x3FB5]  }
0x39: {  	_ = 	snop;
	(pc) =	sbr.ind lr, $3  }
0x3a: {  	_ = 	snop  }
0x3b: {  	_ = 	snop  }
0x3c: {  	p2 =	seq.s32 s10, $0x1;
	s10 =	sld [smem:$0x3FB4]  }
0x3d: {  	_ =	shalt  }
0x3e: {  	_ =	shalt  }
0x3f: {  	_ =	shalt  }
0x40: {  	_ =	shalt  }
0x41: {  	_ =	shalt  }
0x42: {  	_ =	shalt  }
0x43: {  	_ =	shalt  }
0x44: {  	_ =	shalt  }
0x45: {  	_ =	shalt  }
0x46: {  	_ =	shalt  }
0x47: {  	_ =	shalt  }
0x48: {  	_ =	shalt  }
0x49: {  	_ =	shalt  }
0x4a: {  	_ =	shalt  }
0x4b: {  	_ =	shalt  }
0x4c: {  	_ =	shalt  }
0x4d: {  	_ =	shalt  }
0x4e: {  	_ =	shalt  }
0x4f: {  	_ =	shalt  }
0x50: {  	_ =	shalt  }
0x51: {  	_ =	shalt  }
0x52: {  	_ =	shalt  }
0x53: {  	_ =	shalt  }
0x54: {  	_ =	shalt  }
0x55: {  	_ =	shalt  }
0x56: {  	_ =	shalt  }
0x57: {  	_ =	shalt  }
0x58: {  	_ =	shalt  }
0x59: {  	_ =	shalt  }
0x5a: {  	_ =	shalt  }
0x5b: {  	_ =	shalt  }
0x5c: {  	_ =	shalt  }
0x5d: {  	_ =	shalt  }
0x5e: {  	_ =	shalt  }
0x5f: {  	_ =	shalt  }
0x60: {  	_ =	shalt  }
0x61: {  	_ =	shalt  }
0x62: {  	_ =	shalt  }
0x63: {  	_ =	shalt  }
0x64: {  	_ =	shalt  }
0x65: {  	_ =	shalt  }
0x66: {  	_ =	shalt  }
0x67: {  	_ =	shalt  }
0x68: {  	_ =	shalt  }
0x69: {  	_ =	shalt  }
0x6a: {  	_ =	shalt  }
0x6b: {  	_ =	shalt  }
0x6c: {  	_ =	shalt  }
0x6d: {  	_ =	shalt  }
0x6e: {  	_ =	shalt  }
0x6f: {  	_ =	shalt  }
0x70: {  	_ =	shalt  }
0x71: {  	_ =	shalt  }
0x72: {  	_ =	shalt  }
0x73: {  	_ =	shalt  }
0x74: {  	_ =	shalt  }
0x75: {  	_ =	shalt  }
0x76: {  	_ =	shalt  }
0x77: {  	_ =	shalt  }
0x78: {  	_ =	shalt  }
0x79: {  	_ =	shalt  }
0x7a: {  	_ =	shalt  }
0x7b: {  	_ =	shalt  }
0x7c: {  	_ =	shalt  }
0x7d: {  	_ =	shalt  }
0x7e: {  	_ =	shalt  }
0x7f: {  	_ =	shalt  }
0x80: {  	_ =	shalt  }
0x81: {  	_ =	shalt  }
0x82: {  	_ =	shalt  }
0x83: {  	_ =	shalt  }
0x84: {  	_ =	shalt  }
0x85: {  	_ =	shalt  }
0x86: {  	_ =	shalt  }
0x87: {  	_ =	shalt  }
.Lfunc_end0:
.L_simem_size_0:
called_computation.1_lowered:
.L_overlay_start_0:
0x88: {  	s2 =	sld [smem:$0x3FD9]  }
0x89: {  	s3 =	sld [smem:$0x3FFE];
	_ =	sdelay $0x1  }
0x8a: {  	s1 =	srdreg.scid  }
0x8b: {  	s0 =	sand.u32 $0x1, s1  }
0x8c: {  	s17 =	sshll.u32 s0, $0xA;
	s2 =	sadd.s32 s3, s2  }
0x8d: {  	s2 =	sadd.s32 s2, s17  }
0x8e: {  	[smem:$0x3FC0] =	sst s2  }
0x8f: {  	_ = 	snop  }
0x90: {  	s2 =	sld [smem:$0x3FD0];
	(tm) =	ssettm $0x1  }
0x91: {  	s18 =	sld [smem:$0x3FFB];
	_ =	sdelay $0x3  }
0x92: {  	_ =	strace s18  }
0x93: {  	s3 =	sld [smem:$0x3FFC];
	_ =	sdelay $0x3  }
0x94: {  	_ =	strace s3  }
0x95: {  	s3 =	sld [smem:$0x3FFD];
	_ =	sdelay $0x3  }
0x96: {  	_ =	strace s3  }
0x97: {  	_ =	strace $0x8FFFFFFF  }
0x98: {  	s19 =	sld [smem:$0x3FDB];
	_ =	sdelay $0x1  }
0x99: {  	s4 =	simm.s32 $_scs_section_size  }
0x9a: {  	s5 =	simm.s32 $_size__tile_overlayer_lowered;
	s6 =	simm.s32 $_tile_overlayer_lowered  }
0x9b: {  	s22 =	simm.s32 $0x1BFF;
	s21 =	sshll.u32 s6, $0x1;
	s3 =	sadd.s32 s4, s19  }
0x9c: {  	s7 =	simm.s32 $0x0;
	s20 =	sshll.u32 s5, $0x1;
	s5 =	sadd.s32 s21, s3  }
0x9d: {  	[timem:s7], [sflag:s22] =	dma.local [hbm:s5], s20  }
0x9e: {  	_ =	swait.ge [sflag:s22], s20  }
0x9f: {  	s4 =	ssub.s32 $0x0, s20;
	[sflag:s22] =	ssyncset.done $0x0  }
0xa0: {  	[sflag:s22] =	ssyncadd.s32 s4;
	_ =	sdelay $0x1  }
0xa1: {  	s23 =	simm.s32 $0x1B8B  }
0xa2: {  	_ =	swait.ge [sflag:s23], $0x1  }
0xa3: {  	[sflag:s23] =	ssyncset.done $0x0  }
0xa4: {  	s25 =	simm.s32 $0x1B8E;
	s24 =	sld [smem:$0x3FFE];
	[sflag:s23] =	ssyncadd.s32 $0xFFFFFFFF  }
0xa5: {  	s26 =	simm.s32 $execute0_lowered;
	[smem:$0x3FD2] =	sst s25  }
0xa6: {  	s5 =	sshll.u32 s26, $0x1;
	_ =	strace $0x80000049;
	[dreg:$0x1] =	wrdreg $0xFFFFFFFF  }
0xa7: {  	s28 =	simm.s32 $_size_execute0_lowered;
	s3 =	sadd.s32 s3, s5;
	[dreg:$0x0] =	wrdreg $0x0  }
0xa8: {  	s5 =	sshll.u32 s28, $0x1;
	[dreg:$0x2] =	wrdreg s3  }
0xa9: {  	[dreg:$0x3] =	wrdreg s5  }
0xaa: {  	[dreg:$0x4] =	wrdreg $0xC0  }
0xab: {  	_ =	task [dreg:s7], $0x5FFFF  }
0xac: {  	[dreg:$0x1] =	wrdreg $0xFFFFFFFF  }
0xad: {  	[dreg:$0x0] =	wrdreg $0x60  }
0xae: {  	[dreg:$0x2] =	wrdreg s24  }
0xaf: {  	[dreg:$0x3] =	wrdreg s2  }
0xb0: {  	[dreg:$0x4] =	wrdreg $0xA9800  }
0xb1: {  	[dreg:$0x5] =	wrdreg $0x9  }
0xb2: {  	_ =	task.clear_ibuf [dreg:s7], $0x6FFFF;
	_ =	strace $0x90000049  }
0xb3: {  	s29 =	simm.s32 $0x9;
	_ =	strace $0x8000004B  }
0xb4: {  	_ =	swait.ge [sflag:s29], $0x1  }
0xb5: {  	[sflag:s29] =	ssyncadd.s32 $0xFFFFFFFF  }
0xb6: {  	_ =	strace $0x9000004B  }
0xb7: {  	_ =	sfence  }
0xb8: {  	s30 =	sld [smem:$0x0];
	_ =	sdelay $0x2  }
0xb9: {  	s31 =	sshll.u32 s1, $0xD;
	s1 =	sshrl.u32 s1, $0x2  }
0xba: {  	s3 =	sand.u32 $0x4000, s31;
	s1 =	sadd.s32 s1, s30  }
0xbb: {  	s0 =	sor.u32 s3, s0;
	s1 =	sshll.u32 s1, $0x11  }
0xbc: {  	s0 =	sor.u32 s1, s0  }
0xbd: {  	s0 =	sadd.s32 $0x8F2B, s0  }
0xbe: {  	[sflag:s0] =	ssyncadd.remote.s32 $0x1  }
0xbf: {  	_ =	sfence.sel $0xFFFF  }
0xc0: {  	[dreg:$0x0] =	wrdreg $0xFFFFFFFF;
	(pc) =	sbr.abs _section_cstart, $3  }
0xc1: {  	[dreg:$0x1] =	wrdreg $0xFFFFFFFF  }
0xc2: {  	_ =	task.clear_ibuf [dreg:s7], $0x2FFFF;
	_ =	strace $0x9FFFFFFF  }
0xc3: {  	(tm) =	ssettm $0x7FFFFFFF  }
tec
execute0_lowered:
.L_overlay_start_1:
0x0: {  	(tag) =	ssettag $0x1  }
0x1: {  	s0 =	rddreg [dreg:$0x0]  }
0x2: {  	s1 =	srdreg.scid;
	s3 =	rddreg [dreg:$0x1]  }
0x3: {  	s2 =	rddreg [dreg:$0x2];
	s12 =	stileid.u32  }
0x4: {  	s6 =	simm.s32 $0x0;
	s28 =	simm.s32 $0x80;
	s29 =	simm.s32 $0x2  }
0x5: {  	s30 =	simm.s32 $0x1380;
	s31 =	simm.s32 $0x13C0;
	s1 =	sand.u32 $0x1, s1  }
0x6: {  	[smem:$0x7FF] =	sst s6;
	s7 =	sshll.u32 s12, $0x4;
	s8 =	smul.u32 $0x14000, s12  }
0x7: {  	s10 =	smul.u32 $0x50000, s12;
	s11 =	sadd.s32 $0x23800, s0;
	s26 =	sshll.u32 s12, $0x5  }
0x8: {  	s4 =	sshll.u32 s1, $0x4;
	_ =	strace $0x8000004A;
	s16 =	smul.u32 $0x140000, s1  }
0x9: {  	s7 =	sand.u32 $0x70, s7;
	[dreg:$0x4] =	wrdreg s11;
	s1 =	ssub.s32 $0x2, s1  }
0xa: {  	s5 =	sor.u32 s12, s4;
	s7 =	sadd.s32 s7, s0;
	s17 =	sshrl.u32 s10, $0x2  }
0xb: {  	s19 =	sshrl.u32 s1, $0x1;
	s4 =	smul.u32 $0x2800, s5;
	s6 =	sadd.s32 s8, s16  }
0xc: {  	s1 =	ssub.s32 s1, s19;
	s25 =	sshll.u32 s5, $0x4;
	s5 =	sshll.u32 s5, $0x5  }
0xd: {  	s19 =	simm.s32 $0x2800;
	s18 =	sshrl.u32 s6, $0x3;
	s6 =	sadd.s32 s17, s2  }
0xe: {  	s5 =	sand.u32 $0x380, s5;
	s4 =	sshrl.u32 s4, $0x3;
	s8 =	sadd.s32 $0x4000, s6  }
0xf: {  	s20 =	sadd.s32 $0x8000, s6;
	s21 =	sadd.s32 $0xC000, s6;
	[dreg:$0x5] =	wrdreg s8  }
0x10: {  	s22 =	sadd.s32 $0x10000, s6;
	s9 =	sadd.s32 s4, s0;
	[dreg:$0x6] =	wrdreg s20  }
0x11: {  	s4 =	sadd.s32 $0x4B800, s0;
	s0 =	sadd.s32 s18, s0;
	[dreg:$0x7] =	wrdreg s21  }
0x12: {  	[dreg:$0x8] =	wrdreg s22;
	s8 =	sand.u32 $0x180, s25;
	s18 =	smax.u32 s1, $0x1  }
0x13: {  	s20 =	simm.s32 $0x3;
	s21 =	simm.s32 $0x1400;
	s22 =	simm.s32 $0x40  }
0x14: {  	s25 =	simm.s32 $0x8800;
	s1 =	simm.s32 $0x2780;
	s23 =	sadd.s32 $0x5600, s9  }
0x15: {  	s24 =	sadd.s32 $0xF600, s9;
	s13 =	sadd.s32 $0x5880, s9;
	s14 =	sadd.s32 $0xF880, s9  }
0x16: {  	s9 =	sand.u32 $0x60, s26;
	s7 =	sadd.s32 s8, s7;
	s15 =	sadd.s32 $0x73800, s0  }
0x17: {  	s26 =	simm.s32 $0x1;
	s0 =	simm.s32 $0x2700;
	[dreg:$0x9] =	wrdreg s23  }
0x18: {  	[dreg:$0xa] =	wrdreg s24;
	s3 =	sadd.s32 s3, s9;
	s16 =	sadd.s32 $0x23600, s7  }
0x19: {  	s23 =	simm.s32 $0x4800;
	s24 =	simm.s32 $0x6800;
	s7 =	simm.s32 $0x0  }
0x1a: {  	v0 =	vimm.f32 $0.0e+00;
	s17 =	sadd.s32 s5, s3;
	s3 =	simm.s32 $0xA800;
	s5 =	simm.s32 $0xA880  }
.LBB2_1:
0x1b: {  	s8 =	simm.s32 $0x0;
	s9 =	simm.s32 $0x200  }
.LBB2_2:
0x1c: {  	p0 =	sne.s32 s9, $0xFE00;
	[tilespmem:s8+$0x2870] =	vst v0  }
0x1d: {  	[tilespmem:s8+$0x2800] =	vst v0  }
0x1e: {  	[tilespmem:s8+$0x2810] =	vst v0  }
.Ltmp0:
0x1f: {  	[tilespmem:s8+$0x2820] =	vst v0;
	(pc) =	sbr.rel @p0 .LBB2_2-.Ltmp0, $4  }
0x20: {  	[tilespmem:s8+$0x2830] =	vst v0  }
0x21: {  	[tilespmem:s8+$0x2840] =	vst v0  }
0x22: {  	[tilespmem:s8+$0x2850] =	vst v0  }
0x23: {  	[tilespmem:s8+$0x2860] =	vst v0;
	s8 =	sshra.s32 s9, $0x2;
	s9 =	sadd.s32 $0x200, s9  }
0x24: {  	[tilespmem:s8+$0x2870] =	vst v0  }
0x25: {  	[tilespmem:s8+$0x2800] =	vst v0  }
0x26: {  	[tilespmem:s8+$0x2810] =	vst v0  }
0x27: {  	[tilespmem:s8+$0x2820] =	vst v0  }
0x28: {  	[tilespmem:s8+$0x2830] =	vst v0  }
0x29: {  	[tilespmem:s8+$0x2840] =	vst v0  }
0x2a: {  	[tilespmem:s8+$0x2850] =	vst v0  }
0x2b: {  	[tilespmem:s8+$0x2860] =	vst v0  }
0x2c: {  	[spmem:s6] =	stream.linear.scatter [tilespmem:s19], [sflag:$0x3], $0x4000, $0x38;
	[tilespmem:$0x1E980] =	vst v63  }
0x2d: {  	_ =	swait.ge [sflag:s20], $0x4000  }
0x2e: {  	[sflag:s20] =	ssyncset.done $0x0  }
0x2f: {  	s12 =	rddreg [dreg:$0x5];
	[sflag:s20] =	ssyncadd.s32 $0xFFFFC000  }
0x30: {  	[spmem:s12] =	stream.linear.scatter [tilespmem:s19], [sflag:$0x3], $0x4000, $0x38;
	[tilespmem:$0x1E980] =	vst v63  }
0x31: {  	_ =	swait.ge [sflag:s20], $0x4000  }
0x32: {  	[sflag:s20] =	ssyncset.done $0x0  }
0x33: {  	s9 =	rddreg [dreg:$0x6];
	[sflag:s20] =	ssyncadd.s32 $0xFFFFC000  }
0x34: {  	[spmem:s9] =	stream.linear.scatter [tilespmem:s19], [sflag:$0x3], $0x4000, $0x38;
	[tilespmem:$0x1E980] =	vst v63  }
0x35: {  	_ =	swait.ge [sflag:s20], $0x4000  }
0x36: {  	[sflag:s20] =	ssyncset.done $0x0  }
0x37: {  	s10 =	rddreg [dreg:$0x7];
	[sflag:s20] =	ssyncadd.s32 $0xFFFFC000  }
0x38: {  	[spmem:s10] =	stream.linear.scatter [tilespmem:s19], [sflag:$0x3], $0x4000, $0x38;
	[tilespmem:$0x1E980] =	vst v63  }
0x39: {  	_ =	swait.ge [sflag:s20], $0x4000  }
0x3a: {  	[sflag:s20] =	ssyncset.done $0x0  }
0x3b: {  	s11 =	rddreg [dreg:$0x8];
	[sflag:s20] =	ssyncadd.s32 $0xFFFFC000  }
0x3c: {  	[spmem:s11] =	stream.linear.scatter [tilespmem:s19], [sflag:$0x3], $0x4000, $0x38;
	[tilespmem:$0x1E980] =	vst v63  }
0x3d: {  	_ =	swait.ge [sflag:s20], $0x4000  }
0x3e: {  	[sflag:s20] =	ssyncset.done $0x0  }
0x3f: {  	[sflag:s20] =	ssyncadd.s32 $0xFFFFC000  }
0x40: {  	[bflag:$0x0] =	sbarrier.arrive $0xFFFF  }
0x41: {  	s12 =	simm.s32 $0x0;
	s9 =	rddreg [dreg:$0x9]  }
0x42: {  	[tilespmem:s12], [sflag:$0x3] =	stream.linear.gather [hbm4b:s9+s12], $0x1400, $0x38;
	[tilespmem:$0x1E980] =	vst v63  }
0x43: {  	_ =	swait.ge [sflag:s20], $0x1400  }
0x44: {  	[sflag:s20] =	ssyncset.done $0x0  }
0x45: {  	s10 =	rddreg [dreg:$0xa];
	[sflag:s20] =	ssyncadd.s32 $0xFFFFEC00  }
0x46: {  	[tilespmem:s21], [sflag:$0x3] =	stream.linear.gather [hbm4b:s10+s12], $0x1400, $0x38;
	[tilespmem:$0x1E980] =	vst v63  }
0x47: {  	_ =	swait.ge [sflag:s20], $0x1400  }
0x48: {  	[sflag:s20] =	ssyncset.done $0x0  }
0x49: {  	[sflag:s20] =	ssyncadd.s32 $0xFFFFEC00  }
0x4a: {  	[tilespmem:s19], [sflag:$0x1] =	stream.indirect.gather [hbm4b:s4+s22], $0x80, s12, s22, $0xb8;
	[tilespmem:$0x1E980] =	vst v63  }
0x4b: {  	_ = 	snop  }
0x4c: {  	[tilespmem:s23], [sflag:$0x1] =	stream.indirect.gather [hbm4b:s4+s22], $0x80, s22, s22, $0xb8;
	[tilespmem:$0x1E980] =	vst v63  }
0x4d: {  	s11 =	simm.s32 $0x80  }
0x4e: {  	[tilespmem:s24], [sflag:$0x2] =	stream.indirect.gather [hbm4b:s4+s22], $0x80, s11, s22, $0xb8;
	[tilespmem:$0x1E980] =	vst v63  }
0x4f: {  	s12 =	simm.s32 $0xC0  }
0x50: {  	[tilespmem:s25], [sflag:$0x2] =	stream.indirect.gather [hbm4b:s4+s22], $0x80, s12, s22, $0xb8;
	[tilespmem:$0x1E980] =	vst v63  }
0x51: {  	_ =	swait.ge [sflag:s26], $0x4000  }
0x52: {  	[sflag:s26] =	ssyncset.done $0x0  }
0x53: {  	s9 =	simm.s32 $0x1400;
	[sflag:s26] =	ssyncadd.s32 $0xFFFFC000  }
0x54: {  	[spmem:s2] =	stream.indirect.scatter.add.f32 [tilespmem:s19], [sflag:$0x3], $0x80, s9, s28, $0xb8;
	[tilespmem:$0x1E980] =	vst v63  }
0x55: {  	_ =	swait.ge [sflag:s20], $0x4000  }
0x56: {  	[sflag:s20] =	ssyncset.done $0x0  }
0x57: {  	s10 =	simm.s32 $0x100;
	[sflag:s20] =	ssyncadd.s32 $0xFFFFC000  }
0x58: {  	[tilespmem:s19], [sflag:$0x1] =	stream.indirect.gather [hbm4b:s4+s22], $0x80, s10, s22, $0xb8;
	[tilespmem:$0x1E980] =	vst v63  }
0x59: {  	s11 =	simm.s32 $0x140  }
0x5a: {  	[tilespmem:s23], [sflag:$0x1] =	stream.indirect.gather [hbm4b:s4+s22], $0x80, s11, s22, $0xb8;
	[tilespmem:$0x1E980] =	vst v63  }
0x5b: {  	_ =	swait.ge [sflag:s29], $0x4000  }
0x5c: {  	[sflag:s29] =	ssyncset.done $0x0  }
0x5d: {  	s12 =	simm.s32 $0x1480;
	[sflag:s29] =	ssyncadd.s32 $0xFFFFC000  }
0x5e: {  	[spmem:s2] =	stream.indirect.scatter.add.f32 [tilespmem:s24], [sflag:$0x3], $0x80, s12, s28, $0xb8;
	[tilespmem:$0x1E980] =	vst v63  }
0x5f: {  	_ =	swait.ge [sflag:s20], $0x4000  }
0x60: {  	s8 =	simm.s32 $0x100;
	s9 =	simm.s32 $0x800;
	[sflag:s20] =	ssyncset.done $0x0  }
.LBB2_4:
0x61: {  	s10 =	sadd.s32 $0x80, s8  }
0x62: {  	[sflag:s20] =	ssyncadd.s32 $0xFFFFC000;
	s11 =	smov.u32 s9;
	s12 =	sadd.s32 $0x400, s9  }
0x63: {  	[tilespmem:s24], [sflag:$0x2] =	stream.indirect.gather [hbm4b:s4+s22], $0x80, s10, s22, $0xb8;
	[tilespmem:$0x1E980] =	vst v63  }
0x64: {  	p0 =	sne.s32 s9, $0x4800;
	s9 =	sadd.s32 $0xC0, s8  }
0x65: {  	[tilespmem:s25], [sflag:$0x2] =	stream.indirect.gather [hbm4b:s4+s22], $0x80, s9, s22, $0xb8;
	[tilespmem:$0x1E980] =	vst v63  }
0x66: {  	_ =	swait.ge [sflag:s26], $0x4000  }
0x67: {  	[sflag:s26] =	ssyncset.done $0x0  }
0x68: {  	s9 =	sadd.s32 $0x1400, s8;
	[sflag:s26] =	ssyncadd.s32 $0xFFFFC000  }
0x69: {  	[spmem:s2] =	stream.indirect.scatter.add.f32 [tilespmem:s19], [sflag:$0x3], $0x80, s9, s28, $0xb8;
	[tilespmem:$0x1E980] =	vst v63  }
0x6a: {  	_ =	swait.ge [sflag:s20], $0x4000  }
0x6b: {  	[sflag:s20] =	ssyncset.done $0x0  }
0x6c: {  	s9 =	sadd.s32 $0x100, s8;
	[sflag:s20] =	ssyncadd.s32 $0xFFFFC000  }
0x6d: {  	[tilespmem:s19], [sflag:$0x1] =	stream.indirect.gather [hbm4b:s4+s22], $0x80, s9, s22, $0xb8;
	[tilespmem:$0x1E980] =	vst v63  }
0x6e: {  	s9 =	sadd.s32 $0x140, s8  }
0x6f: {  	[tilespmem:s23], [sflag:$0x1] =	stream.indirect.gather [hbm4b:s4+s22], $0x80, s9, s22, $0xb8;
	[tilespmem:$0x1E980] =	vst v63  }
0x70: {  	_ =	swait.ge [sflag:s29], $0x4000  }
.Ltmp1:
0x71: {  	[sflag:s29] =	ssyncset.done $0x0;
	(pc) =	sbr.rel @p0 .LBB2_4-.Ltmp1, $4  }
0x72: {  	s8 =	sadd.s32 $0x1480, s8;
	[sflag:s29] =	ssyncadd.s32 $0xFFFFC000  }
0x73: {  	[spmem:s2] =	stream.indirect.scatter.add.f32 [tilespmem:s24], [sflag:$0x3], $0x80, s8, s28, $0xb8;
	[tilespmem:$0x1E980] =	vst v63  }
0x74: {  	_ =	swait.ge [sflag:s20], $0x4000  }
0x75: {  	s9 =	smov.u32 s12;
	s8 =	sshra.s32 s11, $0x2;
	[sflag:s20] =	ssyncset.done $0x0  }
0x76: {  	s9 =	sadd.s32 $0x80, s8;
	[sflag:s20] =	ssyncadd.s32 $0xFFFFC000  }
0x77: {  	[tilespmem:s24], [sflag:$0x2] =	stream.indirect.gather [hbm4b:s4+s22], $0x80, s9, s22, $0xb8;
	[tilespmem:$0x1E980] =	vst v63  }
0x78: {  	s12 =	sadd.s32 $0xC0, s8  }
0x79: {  	[tilespmem:s25], [sflag:$0x2] =	stream.indirect.gather [hbm4b:s4+s22], $0x80, s12, s22, $0xb8;
	[tilespmem:$0x1E980] =	vst v63  }
0x7a: {  	_ =	swait.ge [sflag:s26], $0x4000  }
0x7b: {  	[sflag:s26] =	ssyncset.done $0x0  }
0x7c: {  	s10 =	sadd.s32 $0x1400, s8;
	[sflag:s26] =	ssyncadd.s32 $0xFFFFC000  }
0x7d: {  	[spmem:s2] =	stream.indirect.scatter.add.f32 [tilespmem:s19], [sflag:$0x3], $0x80, s10, s28, $0xb8;
	[tilespmem:$0x1E980] =	vst v63  }
0x7e: {  	_ =	swait.ge [sflag:s20], $0x4000  }
0x7f: {  	[sflag:s20] =	ssyncset.done $0x0  }
0x80: {  	s11 =	sadd.s32 $0x100, s8;
	[sflag:s20] =	ssyncadd.s32 $0xFFFFC000  }
0x81: {  	[tilespmem:s19], [sflag:$0x1] =	stream.indirect.gather [hbm4b:s4+s22], $0x80, s11, s22, $0xb8;
	[tilespmem:$0x1E980] =	vst v63  }
0x82: {  	s12 =	sadd.s32 $0x140, s8  }
0x83: {  	[tilespmem:s23], [sflag:$0x1] =	stream.indirect.gather [hbm4b:s4+s22], $0x80, s12, s22, $0xb8;
	[tilespmem:$0x1E980] =	vst v63  }
0x84: {  	_ =	swait.ge [sflag:s29], $0x4000  }
0x85: {  	[sflag:s29] =	ssyncset.done $0x0  }
0x86: {  	s9 =	sadd.s32 $0x1480, s8;
	[sflag:s29] =	ssyncadd.s32 $0xFFFFC000  }
0x87: {  	[spmem:s2] =	stream.indirect.scatter.add.f32 [tilespmem:s24], [sflag:$0x3], $0x80, s9, s28, $0xb8;
	[tilespmem:$0x1E980] =	vst v63  }
0x88: {  	_ =	swait.ge [sflag:s20], $0x4000  }
0x89: {  	[sflag:s20] =	ssyncset.done $0x0  }
0x8a: {  	[sflag:s20] =	ssyncadd.s32 $0xFFFFC000  }
0x8b: {  	[tilespmem:s24], [sflag:$0x2] =	stream.indirect.gather [hbm4b:s4+s22], $0x80, s30, s22, $0xb8;
	[tilespmem:$0x1E980] =	vst v63  }
0x8c: {  	_ = 	snop  }
0x8d: {  	[tilespmem:s25], [sflag:$0x2] =	stream.indirect.gather [hbm4b:s4+s22], $0x80, s31, s22, $0xb8;
	[tilespmem:$0x1E980] =	vst v63  }
0x8e: {  	_ =	swait.ge [sflag:s26], $0x4000  }
0x8f: {  	[sflag:s26] =	ssyncset.done $0x0  }
0x90: {  	[sflag:s26] =	ssyncadd.s32 $0xFFFFC000  }
0x91: {  	[spmem:s2] =	stream.indirect.scatter.add.f32 [tilespmem:s19], [sflag:$0x3], $0x80, s0, s28, $0xb8;
	[tilespmem:$0x1E980] =	vst v63  }
0x92: {  	_ =	swait.ge [sflag:s20], $0x4000  }
0x93: {  	[sflag:s20] =	ssyncset.done $0x0  }
0x94: {  	[sflag:s20] =	ssyncadd.s32 $0xFFFFC000  }
0x95: {  	_ =	swait.ge [sflag:s29], $0x4000  }
0x96: {  	[sflag:s29] =	ssyncset.done $0x0  }
0x97: {  	[sflag:s29] =	ssyncadd.s32 $0xFFFFC000  }
0x98: {  	[spmem:s2] =	stream.indirect.scatter.add.f32 [tilespmem:s24], [sflag:$0x3], $0x80, s1, s28, $0xb8;
	[tilespmem:$0x1E980] =	vst v63  }
0x99: {  	_ =	swait.ge [sflag:s20], $0x4000  }
0x9a: {  	[sflag:s20] =	ssyncset.done $0x0  }
0x9b: {  	s10 =	simm.s32 $0x0;
	[sflag:s20] =	ssyncadd.s32 $0xFFFFC000  }
0x9c: {  	[tilespmem:s10], [sflag:$0x3] =	stream.linear.gather [hbm4b:s13+s10], $0x1400, $0x38;
	[tilespmem:$0x1E980] =	vst v63  }
0x9d: {  	_ =	swait.ge [sflag:s20], $0x1400  }
0x9e: {  	[sflag:s20] =	ssyncset.done $0x0  }
0x9f: {  	[sflag:s20] =	ssyncadd.s32 $0xFFFFEC00  }
0xa0: {  	[tilespmem:s21], [sflag:$0x3] =	stream.linear.gather [hbm4b:s14+s10], $0x1400, $0x38;
	[tilespmem:$0x1E980] =	vst v63  }
0xa1: {  	_ =	swait.ge [sflag:s20], $0x1400  }
0xa2: {  	[sflag:s20] =	ssyncset.done $0x0  }
0xa3: {  	[sflag:s20] =	ssyncadd.s32 $0xFFFFEC00  }
0xa4: {  	[tilespmem:s19], [sflag:$0x1] =	stream.indirect.gather [hbm4b:s4+s22], $0x80, s10, s22, $0xb8;
	[tilespmem:$0x1E980] =	vst v63  }
0xa5: {  	_ = 	snop  }
0xa6: {  	[tilespmem:s23], [sflag:$0x1] =	stream.indirect.gather [hbm4b:s4+s22], $0x80, s22, s22, $0xb8;
	[tilespmem:$0x1E980] =	vst v63  }
0xa7: {  	s11 =	simm.s32 $0x80  }
0xa8: {  	[tilespmem:s24], [sflag:$0x2] =	stream.indirect.gather [hbm4b:s4+s22], $0x80, s11, s22, $0xb8;
	[tilespmem:$0x1E980] =	vst v63  }
0xa9: {  	s12 =	simm.s32 $0xC0  }
0xaa: {  	[tilespmem:s25], [sflag:$0x2] =	stream.indirect.gather [hbm4b:s4+s22], $0x80, s12, s22, $0xb8;
	[tilespmem:$0x1E980] =	vst v63  }
0xab: {  	_ =	swait.ge [sflag:s26], $0x4000  }
0xac: {  	[sflag:s26] =	ssyncset.done $0x0  }
0xad: {  	s9 =	simm.s32 $0x1400;
	[sflag:s26] =	ssyncadd.s32 $0xFFFFC000  }
0xae: {  	[spmem:s2] =	stream.indirect.scatter.add.f32 [tilespmem:s19], [sflag:$0x3], $0x80, s9, s28, $0xb8;
	[tilespmem:$0x1E980] =	vst v63  }
0xaf: {  	_ =	swait.ge [sflag:s20], $0x4000  }
0xb0: {  	[sflag:s20] =	ssyncset.done $0x0  }
0xb1: {  	s10 =	simm.s32 $0x100;
	[sflag:s20] =	ssyncadd.s32 $0xFFFFC000  }
0xb2: {  	[tilespmem:s19], [sflag:$0x1] =	stream.indirect.gather [hbm4b:s4+s22], $0x80, s10, s22, $0xb8;
	[tilespmem:$0x1E980] =	vst v63  }
0xb3: {  	s11 =	simm.s32 $0x140  }
0xb4: {  	[tilespmem:s23], [sflag:$0x1] =	stream.indirect.gather [hbm4b:s4+s22], $0x80, s11, s22, $0xb8;
	[tilespmem:$0x1E980] =	vst v63  }
0xb5: {  	_ =	swait.ge [sflag:s29], $0x4000  }
0xb6: {  	[sflag:s29] =	ssyncset.done $0x0  }
0xb7: {  	s12 =	simm.s32 $0x1480;
	[sflag:s29] =	ssyncadd.s32 $0xFFFFC000  }
0xb8: {  	[spmem:s2] =	stream.indirect.scatter.add.f32 [tilespmem:s24], [sflag:$0x3], $0x80, s12, s28, $0xb8;
	[tilespmem:$0x1E980] =	vst v63  }
0xb9: {  	_ =	swait.ge [sflag:s20], $0x4000  }
0xba: {  	s8 =	simm.s32 $0x100;
	s9 =	simm.s32 $0x800;
	[sflag:s20] =	ssyncset.done $0x0  }
.LBB2_6:
0xbb: {  	s10 =	sadd.s32 $0x80, s8  }
0xbc: {  	[sflag:s20] =	ssyncadd.s32 $0xFFFFC000;
	s11 =	smov.u32 s9;
	s12 =	sadd.s32 $0x400, s9  }
0xbd: {  	[tilespmem:s24], [sflag:$0x2] =	stream.indirect.gather [hbm4b:s4+s22], $0x80, s10, s22, $0xb8;
	[tilespmem:$0x1E980] =	vst v63  }
0xbe: {  	p0 =	sne.s32 s9, $0x4800;
	s9 =	sadd.s32 $0xC0, s8  }
0xbf: {  	[tilespmem:s25], [sflag:$0x2] =	stream.indirect.gather [hbm4b:s4+s22], $0x80, s9, s22, $0xb8;
	[tilespmem:$0x1E980] =	vst v63  }
0xc0: {  	_ =	swait.ge [sflag:s26], $0x4000  }
0xc1: {  	[sflag:s26] =	ssyncset.done $0x0  }
0xc2: {  	s9 =	sadd.s32 $0x1400, s8;
	[sflag:s26] =	ssyncadd.s32 $0xFFFFC000  }
0xc3: {  	[spmem:s2] =	stream.indirect.scatter.add.f32 [tilespmem:s19], [sflag:$0x3], $0x80, s9, s28, $0xb8;
	[tilespmem:$0x1E980] =	vst v63  }
0xc4: {  	_ =	swait.ge [sflag:s20], $0x4000  }
0xc5: {  	[sflag:s20] =	ssyncset.done $0x0  }
0xc6: {  	s9 =	sadd.s32 $0x100, s8;
	[sflag:s20] =	ssyncadd.s32 $0xFFFFC000  }
0xc7: {  	[tilespmem:s19], [sflag:$0x1] =	stream.indirect.gather [hbm4b:s4+s22], $0x80, s9, s22, $0xb8;
	[tilespmem:$0x1E980] =	vst v63  }
0xc8: {  	s9 =	sadd.s32 $0x140, s8  }
0xc9: {  	[tilespmem:s23], [sflag:$0x1] =	stream.indirect.gather [hbm4b:s4+s22], $0x80, s9, s22, $0xb8;
	[tilespmem:$0x1E980] =	vst v63  }
0xca: {  	_ =	swait.ge [sflag:s29], $0x4000  }
.Ltmp2:
0xcb: {  	[sflag:s29] =	ssyncset.done $0x0;
	(pc) =	sbr.rel @p0 .LBB2_6-.Ltmp2, $4  }
0xcc: {  	s8 =	sadd.s32 $0x1480, s8;
	[sflag:s29] =	ssyncadd.s32 $0xFFFFC000  }
0xcd: {  	[spmem:s2] =	stream.indirect.scatter.add.f32 [tilespmem:s24], [sflag:$0x3], $0x80, s8, s28, $0xb8;
	[tilespmem:$0x1E980] =	vst v63  }
0xce: {  	_ =	swait.ge [sflag:s20], $0x4000  }
0xcf: {  	s9 =	smov.u32 s12;
	s8 =	sshra.s32 s11, $0x2;
	[sflag:s20] =	ssyncset.done $0x0  }
0xd0: {  	s9 =	sadd.s32 $0x80, s8;
	[sflag:s20] =	ssyncadd.s32 $0xFFFFC000  }
0xd1: {  	[tilespmem:s24], [sflag:$0x2] =	stream.indirect.gather [hbm4b:s4+s22], $0x80, s9, s22, $0xb8;
	[tilespmem:$0x1E980] =	vst v63  }
0xd2: {  	s11 =	sadd.s32 $0xC0, s8  }
0xd3: {  	[tilespmem:s25], [sflag:$0x2] =	stream.indirect.gather [hbm4b:s4+s22], $0x80, s11, s22, $0xb8;
	[tilespmem:$0x1E980] =	vst v63  }
0xd4: {  	_ =	swait.ge [sflag:s26], $0x4000  }
0xd5: {  	[sflag:s26] =	ssyncset.done $0x0  }
0xd6: {  	s12 =	sadd.s32 $0x1400, s8;
	[sflag:s26] =	ssyncadd.s32 $0xFFFFC000  }
0xd7: {  	[spmem:s2] =	stream.indirect.scatter.add.f32 [tilespmem:s19], [sflag:$0x3], $0x80, s12, s28, $0xb8;
	[tilespmem:$0x1E980] =	vst v63  }
0xd8: {  	_ =	swait.ge [sflag:s20], $0x4000  }
0xd9: {  	[sflag:s20] =	ssyncset.done $0x0  }
0xda: {  	s10 =	sadd.s32 $0x100, s8;
	[sflag:s20] =	ssyncadd.s32 $0xFFFFC000  }
0xdb: {  	[tilespmem:s19], [sflag:$0x1] =	stream.indirect.gather [hbm4b:s4+s22], $0x80, s10, s22, $0xb8;
	[tilespmem:$0x1E980] =	vst v63  }
0xdc: {  	s11 =	sadd.s32 $0x140, s8  }
0xdd: {  	[tilespmem:s23], [sflag:$0x1] =	stream.indirect.gather [hbm4b:s4+s22], $0x80, s11, s22, $0xb8;
	[tilespmem:$0x1E980] =	vst v63  }
0xde: {  	_ =	swait.ge [sflag:s29], $0x4000  }
0xdf: {  	[sflag:s29] =	ssyncset.done $0x0  }
0xe0: {  	s12 =	sadd.s32 $0x1480, s8;
	[sflag:s29] =	ssyncadd.s32 $0xFFFFC000  }
0xe1: {  	[spmem:s2] =	stream.indirect.scatter.add.f32 [tilespmem:s24], [sflag:$0x3], $0x80, s12, s28, $0xb8;
	[tilespmem:$0x1E980] =	vst v63  }
0xe2: {  	_ =	swait.ge [sflag:s20], $0x4000  }
0xe3: {  	[sflag:s20] =	ssyncset.done $0x0  }
0xe4: {  	[sflag:s20] =	ssyncadd.s32 $0xFFFFC000  }
0xe5: {  	[tilespmem:s24], [sflag:$0x2] =	stream.indirect.gather [hbm4b:s4+s22], $0x80, s30, s22, $0xb8;
	[tilespmem:$0x1E980] =	vst v63  }
0xe6: {  	_ = 	snop  }
0xe7: {  	[tilespmem:s25], [sflag:$0x2] =	stream.indirect.gather [hbm4b:s4+s22], $0x80, s31, s22, $0xb8;
	[tilespmem:$0x1E980] =	vst v63  }
0xe8: {  	_ =	swait.ge [sflag:s26], $0x4000  }
0xe9: {  	[sflag:s26] =	ssyncset.done $0x0  }
0xea: {  	[sflag:s26] =	ssyncadd.s32 $0xFFFFC000  }
0xeb: {  	[spmem:s2] =	stream.indirect.scatter.add.f32 [tilespmem:s19], [sflag:$0x3], $0x80, s0, s28, $0xb8;
	[tilespmem:$0x1E980] =	vst v63  }
0xec: {  	_ =	swait.ge [sflag:s20], $0x4000  }
0xed: {  	[sflag:s20] =	ssyncset.done $0x0  }
0xee: {  	[sflag:s20] =	ssyncadd.s32 $0xFFFFC000  }
0xef: {  	_ =	swait.ge [sflag:s29], $0x4000  }
0xf0: {  	[sflag:s29] =	ssyncset.done $0x0  }
0xf1: {  	[sflag:s29] =	ssyncadd.s32 $0xFFFFC000  }
0xf2: {  	[spmem:s2] =	stream.indirect.scatter.add.f32 [tilespmem:s24], [sflag:$0x3], $0x80, s1, s28, $0xb8;
	[tilespmem:$0x1E980] =	vst v63  }
0xf3: {  	_ =	swait.ge [sflag:s20], $0x4000  }
0xf4: {  	s9 =	stileid.u32;
	[sflag:s20] =	ssyncset.done $0x0  }
0xf5: {  	s8 =	sshll.u32 s9, $0x6;
	[sflag:s20] =	ssyncadd.s32 $0xFFFFC000  }
0xf6: {  	s8 =	sor.u32 $0x1C03, s8;
	s10 =	sshrl.u32 s6, $0x3;
	[bflag:$0x0] =	sbarrier.arrive $0xFFFF  }
0xf7: {  	[hbm:s15], [sflag:s8] =	dma.local [spmem:s10], $0x2800  }
0xf8: {  	_ =	swait.ge [sflag:s20], $0x2800  }
0xf9: {  	[sflag:s20] =	ssyncset.done $0x0  }
0xfa: {  	s11 =	simm.s32 $0x0;
	[sflag:s20] =	ssyncadd.s32 $0xFFFFD800  }
0xfb: {  	[tilespmem:s3], [sflag:$0x3] =	stream.linear.gather [hbm4b:s16+s11], $0x80, $0x38;
	[tilespmem:$0x1E980] =	vst v63  }
0xfc: {  	_ =	swait.ge [sflag:s20], $0x80  }
0xfd: {  	[sflag:s20] =	ssyncset.done $0x0  }
0xfe: {  	s12 =	rddreg [dreg:$0x4];
	[sflag:s20] =	ssyncadd.s32 $0xFFFFFF80  }
0xff: {  	[tilespmem:s5], [sflag:$0x1] =	stream.indirect.gather [hbm4b:s12+s29], $0x80, s3, s29, $0xb8;
	[tilespmem:$0x1E980] =	vst v63  }
0x100: {  	s7 =	sadd.s32 $0x1, s7;
	_ =	swait.ge [sflag:s26], $0x100  }
0x101: {  	p0 =	sne.s32 s7, s18;
	[sflag:s26] =	ssyncset.done $0x0  }
.Ltmp3:
0x102: {  	[sflag:s26] =	ssyncadd.s32 $0xFFFFFF00;
	(pc) =	sbr.rel @p0 .LBB2_1-.Ltmp3, $4  }
0x103: {  	[hbm4b:s17+s11] =	stream.linear.scatter [tilespmem:s5], [sflag:$0x3], $0x100, $0x38;
	[tilespmem:$0x1E980] =	vst v63  }
0x104: {  	_ =	swait.ge [sflag:s20], $0x100  }
0x105: {  	[sflag:s20] =	ssyncset.done $0x0  }
0x106: {  	[sflag:s20] =	ssyncadd.s32 $0xFFFFFF00  }
0x107: {  	_ =	sfence.sel $0x180000  }
0x108: {  	[bflag:$0x0] =	sbarrier.arrive $0xFFFF  }
0x109: {  	_ =	strace $0x9000004A  }
0x10a: {  	s0 =	stileid.u32;
	[bflag:$0x2] =	sbarrier.arrive $0xFFFF  }
0x10b: {  	p0 =	sne.s32 s0, $0x0;
	s0 =	rddreg [dreg:$0x3]  }
0x10c: {  	s0 =	sadd.s32 @!p0 $0x100000, s0  }
0x10d: {  	[sflag:s0] =	ssyncadd.tile.s32 @!p0 $0x1;
	_ =	shalt  }
.Lfunc_end2:
_tile_overlayer_lowered:
.L_overlay_start_2:
0x10e: {  	(tag) =	ssettag $0x2  }
0x10f: {  	s0 =	rddreg [dreg:$0x0];
	s2 =	stileid.u32  }
0x110: {  	s1 =	rddreg [dreg:$0x1];
	p0 =	sne.s32 s2, $0x0  }
0x111: {  	s3 =	rddreg [dreg:$0x2];
	[bflag:$0x3] =	sbarrier.arrive $0xFFFF;
	s2 =	simm.s32 @!p0 $0x1C03  }
0x112: {  	[timem:s3], [sflag:s2] =	dma.local @!p0 [hbm:s0], s1  }
0x113: {  	s0 =	simm.s32 @!p0 $0x3  }
0x114: {  	_ =	swait.ge @!p0 [sflag:s0], s1  }
0x115: {  	s1 =	ssub.s32 @!p0 $0x0, s1;
	[sflag:s0] =	ssyncset.done @!p0 $0x0  }
0x116: {  	[sflag:s0] =	ssyncadd.s32 @!p0 s1  }
0x117: {  	[bflag:$0x3] =	sbarrier.arrive $0xFFFF  }
0x118: {  	_ =	shalt  }

// kernel: kernel.14.cloned.1.call-start
scs
__scs_entry_jumppad:
0x0: {  	(pc) =	sbr.rel $0x88, $3  }
0x1: {  	(tag) =	ssettag $0x0;
	lr =	simm.s32 $0x1  }
0x2: {  	[smem:$0x3F99] =	sst lr;
	_ =	strace $0xD0000000  }
0x3: {  	_ = 	snop  }
0x4: {  	_ = 	snop  }
0x5: {  	_ = 	snop  }
0x6: {  	_ = 	snop  }
0x7: {  	_ = 	snop  }
__scs_overlays_trampoline_lowered:
0x8: {  	[smem:$0x3FA8] =	sst s0  }
0x9: {  	[smem:$0x3FA9] =	sst s1  }
0xa: {  	[smem:$0x3FAA] =	sst s2  }
0xb: {  	[smem:$0x3FAB] =	sst s3  }
0xc: {  	[smem:$0x3FAC] =	sst s4  }
0xd: {  	[smem:$0x3FAD] =	sst s5  }
0xe: {  	[smem:$0x3FAE] =	sst s6  }
0xf: {  	[smem:$0x3FAF] =	sst s7  }
0x10: {  	[smem:$0x3FB0] =	sst s8  }
0x11: {  	[smem:$0x3FB1] =	sst s9;
	s0 =	simm.s32 @!p0 $0x0  }
0x12: {  	s1 =	sld [smem:$0x3F97];
	s0 =	simm.s32 @p0 $0x1  }
0x13: {  	[smem:$0x3FB2] =	sst s0;
	s0 =	simm.s32 @!p1 $0x0  }
0x14: {  	s2 =	sld [smem:$0x3F96];
	s0 =	simm.s32 @p1 $0x1  }
0x15: {  	[smem:$0x3FB3] =	sst s0;
	s0 =	simm.s32 @!p2 $0x0  }
0x16: {  	s3 =	sld [smem:$0x3FDB];
	s0 =	simm.s32 @p2 $0x1  }
0x17: {  	s4 =	simm.s32 $0x1BF5;
	[smem:$0x3FB5] =	sst s0  }
0x18: {  	s0 =	sld [smem:$0x3F98];
	_ =	swait.ge [sflag:s4], $0x0  }
0x19: {  	s7 =	sld [smem:$0x3F99]  }
0x1a: {  	s8 =	sadd.s32 $0xFFFFE003, lr  }
0x1b: {  	s9 =	sadd.s32 $0xFFFFFEF7, lr;
	s5 =	simm.s32 $0xFFFFFFFF;
	p2 =	slt.u32 s8, $0xFFFFF086  }
0x1c: {  	p1 =	slt.u32 s9, $0xF7A;
	s5 =	simm.s32 @!p2 $0x0  }
0x1d: {  	s5 =	simm.s32 @p1 $0x1;
	p0 =	seq.s32 s7, s2  }
0x1e: {  	s7 =	smul.u32 @!p0 $0xF7A, s2;
	p2 =	seq.s32 @!p0 s5, $0x0  }
0x1f: {  	s9 =	smul.u32 $0xF7A, s1;
	s8 =	simm.s32 @!p0 $0x1BF5;
	p2 =	por !p2, p0  }
0x20: {  	[sflag:s8] =	ssyncset.s32 @!p0 $0xFFFFF086;
	s6 =	sadd.s32 @!p0 s3, s7;
	s7 =	simm.s32 @!p0 $0x108  }
0x21: {  	s3 =	sadd.s32 s3, s9;
	s6 =	sadd.s32 @!p0 $0x88, s6;
	s7 =	simm.s32 @p2 $0x1082  }
0x22: {  	[simem:s7], [sflag:s8] =	dma.local @!p0 [hbm:s6], $0xF7A  }
0x23: {  	s9 =	sor.u32 $0xD0000000, s2;
	s6 =	simm.s32 $0x108;
	_ =	swait.ge @!p0 [sflag:s8], $0x0  }
0x24: {  	s3 =	sadd.s32 $0x88, s3;
	s6 =	simm.s32 @!p1 $0x1082;
	[sflag:s4] =	ssyncset.s32 $0xFFFFF086  }
0x25: {  	[simem:s6], [sflag:s4] =	dma.local [hbm:s3], $0xF7A  }
0x26: {  	[smem:$0x3F99] =	sst s1;
	(tag) =	ssettag s2;
	_ =	strace s9  }
0x27: {  	s1 =	sld [smem:$0x3FA9]  }
0x28: {  	s2 =	sld [smem:$0x3FAA]  }
0x29: {  	s4 =	sld [smem:$0x3FAC]  }
0x2a: {  	p0 =	seq.s32 s5, $0x0;
	s5 =	sld [smem:$0x3FAD]  }
0x2b: {  	s6 =	sld [smem:$0x3FAE]  }
0x2c: {  	s7 =	sld [smem:$0x3FAF]  }
0x2d: {  	s3 =	simm.s32 $0x108;
	s8 =	sld [smem:$0x3FB0]  }
0x2e: {  	s3 =	simm.s32 @!p0 $0x1082;
	s9 =	sld [smem:$0x3FB1]  }
0x2f: {  	lr =	sadd.s32 s0, s3;
	s0 =	sld [smem:$0x3FA8]  }
0x30: {  	s3 =	sld [smem:$0x3FAB]  }
0x31: {  	[smem:$0x3FB4] =	sst s10  }
0x32: {  	s10 =	sld [smem:$0x3FB2];
	_ =	sdelay $0x3  }
0x33: {  	p0 =	seq.s32 s10, $0x1;
	s10 =	sld [smem:$0x3FB4];
	_ =	sdelay $0x3  }
0x34: {  	[smem:$0x3FB4] =	sst s10  }
0x35: {  	s10 =	sld [smem:$0x3FB3];
	_ =	sdelay $0x3  }
0x36: {  	p1 =	seq.s32 s10, $0x1;
	s10 =	sld [smem:$0x3FB4];
	_ =	sdelay $0x3  }
0x37: {  	[smem:$0x3FB4] =	sst s10  }
0x38: {  	s10 =	sld [smem:$0x3FB5]  }
0x39: {  	_ = 	snop;
	(pc) =	sbr.ind lr, $3  }
0x3a: {  	_ = 	snop  }
0x3b: {  	_ = 	snop  }
0x3c: {  	p2 =	seq.s32 s10, $0x1;
	s10 =	sld [smem:$0x3FB4]  }
0x3d: {  	_ =	shalt  }
0x3e: {  	_ =	shalt  }
0x3f: {  	_ =	shalt  }
0x40: {  	_ =	shalt  }
0x41: {  	_ =	shalt  }
0x42: {  	_ =	shalt  }
0x43: {  	_ =	shalt  }
0x44: {  	_ =	shalt  }
0x45: {  	_ =	shalt  }
0x46: {  	_ =	shalt  }
0x47: {  	_ =	shalt  }
0x48: {  	_ =	shalt  }
0x49: {  	_ =	shalt  }
0x4a: {  	_ =	shalt  }
0x4b: {  	_ =	shalt  }
0x4c: {  	_ =	shalt  }
0x4d: {  	_ =	shalt  }
0x4e: {  	_ =	shalt  }
0x4f: {  	_ =	shalt  }
0x50: {  	_ =	shalt  }
0x51: {  	_ =	shalt  }
0x52: {  	_ =	shalt  }
0x53: {  	_ =	shalt  }
0x54: {  	_ =	shalt  }
0x55: {  	_ =	shalt  }
0x56: {  	_ =	shalt  }
0x57: {  	_ =	shalt  }
0x58: {  	_ =	shalt  }
0x59: {  	_ =	shalt  }
0x5a: {  	_ =	shalt  }
0x5b: {  	_ =	shalt  }
0x5c: {  	_ =	shalt  }
0x5d: {  	_ =	shalt  }
0x5e: {  	_ =	shalt  }
0x5f: {  	_ =	shalt  }
0x60: {  	_ =	shalt  }
0x61: {  	_ =	shalt  }
0x62: {  	_ =	shalt  }
0x63: {  	_ =	shalt  }
0x64: {  	_ =	shalt  }
0x65: {  	_ =	shalt  }
0x66: {  	_ =	shalt  }
0x67: {  	_ =	shalt  }
0x68: {  	_ =	shalt  }
0x69: {  	_ =	shalt  }
0x6a: {  	_ =	shalt  }
0x6b: {  	_ =	shalt  }
0x6c: {  	_ =	shalt  }
0x6d: {  	_ =	shalt  }
0x6e: {  	_ =	shalt  }
0x6f: {  	_ =	shalt  }
0x70: {  	_ =	shalt  }
0x71: {  	_ =	shalt  }
0x72: {  	_ =	shalt  }
0x73: {  	_ =	shalt  }
0x74: {  	_ =	shalt  }
0x75: {  	_ =	shalt  }
0x76: {  	_ =	shalt  }
0x77: {  	_ =	shalt  }
0x78: {  	_ =	shalt  }
0x79: {  	_ =	shalt  }
0x7a: {  	_ =	shalt  }
0x7b: {  	_ =	shalt  }
0x7c: {  	_ =	shalt  }
0x7d: {  	_ =	shalt  }
0x7e: {  	_ =	shalt  }
0x7f: {  	_ =	shalt  }
0x80: {  	_ =	shalt  }
0x81: {  	_ =	shalt  }
0x82: {  	_ =	shalt  }
0x83: {  	_ =	shalt  }
0x84: {  	_ =	shalt  }
0x85: {  	_ =	shalt  }
0x86: {  	_ =	shalt  }
0x87: {  	_ =	shalt  }
.Lfunc_end0:
.L_simem_size_0:
called_computation.2_lowered:
.L_overlay_start_0:
0x88: {  	s2 =	sld [smem:$0x3FD9]  }
0x89: {  	s3 =	sld [smem:$0x3FFE];
	_ =	sdelay $0x1  }
0x8a: {  	s1 =	srdreg.scid  }
0x8b: {  	s0 =	sand.u32 $0x1, s1  }
0x8c: {  	s17 =	sshll.u32 s0, $0xA;
	s2 =	sadd.s32 s3, s2  }
0x8d: {  	s2 =	sadd.s32 s2, s17  }
0x8e: {  	[smem:$0x3FC0] =	sst s2  }
0x8f: {  	_ = 	snop  }
0x90: {  	s2 =	sld [smem:$0x3FD0];
	(tm) =	ssettm $0x1  }
0x91: {  	s18 =	sld [smem:$0x3FFB];
	_ =	sdelay $0x3  }
0x92: {  	_ =	strace s18  }
0x93: {  	s3 =	sld [smem:$0x3FFC];
	_ =	sdelay $0x3  }
0x94: {  	_ =	strace s3  }
0x95: {  	s3 =	sld [smem:$0x3FFD];
	_ =	sdelay $0x3  }
0x96: {  	_ =	strace s3  }
0x97: {  	_ =	strace $0x8FFFFFFF  }
0x98: {  	s19 =	sld [smem:$0x3FDB];
	_ =	sdelay $0x1  }
0x99: {  	s4 =	simm.s32 $_scs_section_size  }
0x9a: {  	s5 =	simm.s32 $_size__tile_overlayer_lowered;
	s6 =	simm.s32 $_tile_overlayer_lowered  }
0x9b: {  	s22 =	simm.s32 $0x1BFF;
	s21 =	sshll.u32 s6, $0x1;
	s3 =	sadd.s32 s4, s19  }
0x9c: {  	s7 =	simm.s32 $0x0;
	s20 =	sshll.u32 s5, $0x1;
	s5 =	sadd.s32 s21, s3  }
0x9d: {  	[timem:s7], [sflag:s22] =	dma.local [hbm:s5], s20  }
0x9e: {  	_ =	swait.ge [sflag:s22], s20  }
0x9f: {  	s4 =	ssub.s32 $0x0, s20;
	[sflag:s22] =	ssyncset.done $0x0  }
0xa0: {  	[sflag:s22] =	ssyncadd.s32 s4;
	_ =	sdelay $0x1  }
0xa1: {  	s23 =	simm.s32 $0x1B8B  }
0xa2: {  	_ =	swait.ge [sflag:s23], $0x1  }
0xa3: {  	[sflag:s23] =	ssyncset.done $0x0  }
0xa4: {  	s25 =	simm.s32 $0x1B8E;
	s24 =	sld [smem:$0x3FFE];
	[sflag:s23] =	ssyncadd.s32 $0xFFFFFFFF  }
0xa5: {  	s26 =	simm.s32 $execute0_lowered;
	[smem:$0x3FD2] =	sst s25  }
0xa6: {  	s5 =	sshll.u32 s26, $0x1;
	_ =	strace $0x8000004C;
	[dreg:$0x1] =	wrdreg $0xFFFFFFFF  }
0xa7: {  	s28 =	simm.s32 $_size_execute0_lowered;
	s3 =	sadd.s32 s3, s5;
	[dreg:$0x0] =	wrdreg $0x0  }
0xa8: {  	s5 =	sshll.u32 s28, $0x1;
	[dreg:$0x2] =	wrdreg s3  }
0xa9: {  	[dreg:$0x3] =	wrdreg s5  }
0xaa: {  	[dreg:$0x4] =	wrdreg $0xC0  }
0xab: {  	_ =	task [dreg:s7], $0x5FFFF  }
0xac: {  	[dreg:$0x1] =	wrdreg $0xFFFFFFFF  }
0xad: {  	[dreg:$0x0] =	wrdreg $0x60  }
0xae: {  	[dreg:$0x2] =	wrdreg s24  }
0xaf: {  	[dreg:$0x3] =	wrdreg s2  }
0xb0: {  	[dreg:$0x4] =	wrdreg $0xA9800  }
0xb1: {  	[dreg:$0x5] =	wrdreg $0x9  }
0xb2: {  	_ =	task.clear_ibuf [dreg:s7], $0x6FFFF;
	_ =	strace $0x9000004C  }
0xb3: {  	s29 =	simm.s32 $0x9;
	_ =	strace $0x8000004E  }
0xb4: {  	_ =	swait.ge [sflag:s29], $0x1  }
0xb5: {  	[sflag:s29] =	ssyncadd.s32 $0xFFFFFFFF  }
0xb6: {  	_ =	strace $0x9000004E  }
0xb7: {  	_ =	sfence  }
0xb8: {  	s30 =	sld [smem:$0x0];
	_ =	sdelay $0x2  }
0xb9: {  	s31 =	sshll.u32 s1, $0xD;
	s1 =	sshrl.u32 s1, $0x2  }
0xba: {  	s3 =	sand.u32 $0x4000, s31;
	s1 =	sadd.s32 s1, s30  }
0xbb: {  	s0 =	sor.u32 s3, s0;
	s1 =	sshll.u32 s1, $0x11  }
0xbc: {  	s0 =	sor.u32 s1, s0  }
0xbd: {  	s0 =	sadd.s32 $0x8F2B, s0  }
0xbe: {  	[sflag:s0] =	ssyncadd.remote.s32 $0x1  }
0xbf: {  	_ =	sfence.sel $0xFFFF  }
0xc0: {  	[dreg:$0x0] =	wrdreg $0xFFFFFFFF;
	(pc) =	sbr.abs _section_cstart, $3  }
0xc1: {  	[dreg:$0x1] =	wrdreg $0xFFFFFFFF  }
0xc2: {  	_ =	task.clear_ibuf [dreg:s7], $0x2FFFF;
	_ =	strace $0x9FFFFFFF  }
0xc3: {  	(tm) =	ssettm $0x7FFFFFFF  }
tec
execute0_lowered:
.L_overlay_start_1:
0x0: {  	(tag) =	ssettag $0x1  }
0x1: {  	s0 =	rddreg [dreg:$0x0]  }
0x2: {  	s1 =	srdreg.scid;
	s3 =	rddreg [dreg:$0x1]  }
0x3: {  	s2 =	rddreg [dreg:$0x2];
	s12 =	stileid.u32  }
0x4: {  	s6 =	simm.s32 $0x0;
	s28 =	simm.s32 $0x80;
	s29 =	simm.s32 $0x2  }
0x5: {  	s30 =	simm.s32 $0x1380;
	s31 =	simm.s32 $0x13C0;
	s1 =	sand.u32 $0x1, s1  }
0x6: {  	[smem:$0x7FF] =	sst s6;
	s7 =	sshll.u32 s12, $0x4;
	s8 =	smul.u32 $0x14000, s12  }
0x7: {  	s10 =	smul.u32 $0x50000, s12;
	s11 =	sadd.s32 $0x4B800, s0;
	s26 =	sshll.u32 s12, $0x5  }
0x8: {  	s4 =	sshll.u32 s1, $0x4;
	_ =	strace $0x8000004D;
	s16 =	smul.u32 $0x140000, s1  }
0x9: {  	s7 =	sand.u32 $0x70, s7;
	[dreg:$0x4] =	wrdreg s11;
	s1 =	ssub.s32 $0x2, s1  }
0xa: {  	s5 =	sor.u32 s12, s4;
	s7 =	sadd.s32 s7, s0;
	s17 =	sshrl.u32 s10, $0x2  }
0xb: {  	s19 =	sshrl.u32 s1, $0x1;
	s4 =	smul.u32 $0x2800, s5;
	s6 =	sadd.s32 s8, s16  }
0xc: {  	s1 =	ssub.s32 s1, s19;
	s25 =	sshll.u32 s5, $0x4;
	s5 =	sshll.u32 s5, $0x5  }
0xd: {  	s19 =	simm.s32 $0x2800;
	s18 =	sshrl.u32 s6, $0x3;
	s6 =	sadd.s32 s17, s2  }
0xe: {  	s5 =	sand.u32 $0x380, s5;
	s4 =	sshrl.u32 s4, $0x3;
	s8 =	sadd.s32 $0x4000, s6  }
0xf: {  	s20 =	sadd.s32 $0x8000, s6;
	s21 =	sadd.s32 $0xC000, s6;
	[dreg:$0x5] =	wrdreg s8  }
0x10: {  	s22 =	sadd.s32 $0x10000, s6;
	s9 =	sadd.s32 s4, s0;
	[dreg:$0x6] =	wrdreg s20  }
0x11: {  	s4 =	sadd.s32 $0x23800, s0;
	s0 =	sadd.s32 s18, s0;
	[dreg:$0x7] =	wrdreg s21  }
0x12: {  	[dreg:$0x8] =	wrdreg s22;
	s8 =	sand.u32 $0x180, s25;
	s18 =	smax.u32 s1, $0x1  }
0x13: {  	s20 =	simm.s32 $0x3;
	s21 =	simm.s32 $0x1400;
	s22 =	simm.s32 $0x40  }
0x14: {  	s25 =	simm.s32 $0x8800;
	s1 =	simm.s32 $0x2780;
	s23 =	sadd.s32 $0x5600, s9  }
0x15: {  	s24 =	sadd.s32 $0xF600, s9;
	s13 =	sadd.s32 $0x5880, s9;
	s14 =	sadd.s32 $0xF880, s9  }
0x16: {  	s9 =	sand.u32 $0x60, s26;
	s7 =	sadd.s32 s8, s7;
	s15 =	sadd.s32 $0x73800, s0  }
0x17: {  	s26 =	simm.s32 $0x1;
	s0 =	simm.s32 $0x2700;
	[dreg:$0x9] =	wrdreg s23  }
0x18: {  	[dreg:$0xa] =	wrdreg s24;
	s3 =	sadd.s32 s3, s9;
	s16 =	sadd.s32 $0x23600, s7  }
0x19: {  	s23 =	simm.s32 $0x4800;
	s24 =	simm.s32 $0x6800;
	s7 =	simm.s32 $0x0  }
0x1a: {  	v0 =	vimm.f32 $0.0e+00;
	s17 =	sadd.s32 s5, s3;
	s3 =	simm.s32 $0xA800;
	s5 =	simm.s32 $0xA880  }
.LBB2_1:
0x1b: {  	s8 =	simm.s32 $0x0;
	s9 =	simm.s32 $0x200  }
.LBB2_2:
0x1c: {  	p0 =	sne.s32 s9, $0xFE00;
	[tilespmem:s8+$0x2870] =	vst v0  }
0x1d: {  	[tilespmem:s8+$0x2800] =	vst v0  }
0x1e: {  	[tilespmem:s8+$0x2810] =	vst v0  }
.Ltmp0:
0x1f: {  	[tilespmem:s8+$0x2820] =	vst v0;
	(pc) =	sbr.rel @p0 .LBB2_2-.Ltmp0, $4  }
0x20: {  	[tilespmem:s8+$0x2830] =	vst v0  }
0x21: {  	[tilespmem:s8+$0x2840] =	vst v0  }
0x22: {  	[tilespmem:s8+$0x2850] =	vst v0  }
0x23: {  	[tilespmem:s8+$0x2860] =	vst v0;
	s8 =	sshra.s32 s9, $0x2;
	s9 =	sadd.s32 $0x200, s9  }
0x24: {  	[tilespmem:s8+$0x2870] =	vst v0  }
0x25: {  	[tilespmem:s8+$0x2800] =	vst v0  }
0x26: {  	[tilespmem:s8+$0x2810] =	vst v0  }
0x27: {  	[tilespmem:s8+$0x2820] =	vst v0  }
0x28: {  	[tilespmem:s8+$0x2830] =	vst v0  }
0x29: {  	[tilespmem:s8+$0x2840] =	vst v0  }
0x2a: {  	[tilespmem:s8+$0x2850] =	vst v0  }
0x2b: {  	[tilespmem:s8+$0x2860] =	vst v0  }
0x2c: {  	[spmem:s6] =	stream.linear.scatter [tilespmem:s19], [sflag:$0x3], $0x4000, $0x38;
	[tilespmem:$0x1E980] =	vst v63  }
0x2d: {  	_ =	swait.ge [sflag:s20], $0x4000  }
0x2e: {  	[sflag:s20] =	ssyncset.done $0x0  }
0x2f: {  	s12 =	rddreg [dreg:$0x5];
	[sflag:s20] =	ssyncadd.s32 $0xFFFFC000  }
0x30: {  	[spmem:s12] =	stream.linear.scatter [tilespmem:s19], [sflag:$0x3], $0x4000, $0x38;
	[tilespmem:$0x1E980] =	vst v63  }
0x31: {  	_ =	swait.ge [sflag:s20], $0x4000  }
0x32: {  	[sflag:s20] =	ssyncset.done $0x0  }
0x33: {  	s9 =	rddreg [dreg:$0x6];
	[sflag:s20] =	ssyncadd.s32 $0xFFFFC000  }
0x34: {  	[spmem:s9] =	stream.linear.scatter [tilespmem:s19], [sflag:$0x3], $0x4000, $0x38;
	[tilespmem:$0x1E980] =	vst v63  }
0x35: {  	_ =	swait.ge [sflag:s20], $0x4000  }
0x36: {  	[sflag:s20] =	ssyncset.done $0x0  }
0x37: {  	s10 =	rddreg [dreg:$0x7];
	[sflag:s20] =	ssyncadd.s32 $0xFFFFC000  }
0x38: {  	[spmem:s10] =	stream.linear.scatter [tilespmem:s19], [sflag:$0x3], $0x4000, $0x38;
	[tilespmem:$0x1E980] =	vst v63  }
0x39: {  	_ =	swait.ge [sflag:s20], $0x4000  }
0x3a: {  	[sflag:s20] =	ssyncset.done $0x0  }
0x3b: {  	s11 =	rddreg [dreg:$0x8];
	[sflag:s20] =	ssyncadd.s32 $0xFFFFC000  }
0x3c: {  	[spmem:s11] =	stream.linear.scatter [tilespmem:s19], [sflag:$0x3], $0x4000, $0x38;
	[tilespmem:$0x1E980] =	vst v63  }
0x3d: {  	_ =	swait.ge [sflag:s20], $0x4000  }
0x3e: {  	[sflag:s20] =	ssyncset.done $0x0  }
0x3f: {  	[sflag:s20] =	ssyncadd.s32 $0xFFFFC000  }
0x40: {  	[bflag:$0x0] =	sbarrier.arrive $0xFFFF  }
0x41: {  	s12 =	simm.s32 $0x0;
	s9 =	rddreg [dreg:$0x9]  }
0x42: {  	[tilespmem:s12], [sflag:$0x3] =	stream.linear.gather [hbm4b:s9+s12], $0x1400, $0x38;
	[tilespmem:$0x1E980] =	vst v63  }
0x43: {  	_ =	swait.ge [sflag:s20], $0x1400  }
0x44: {  	[sflag:s20] =	ssyncset.done $0x0  }
0x45: {  	s10 =	rddreg [dreg:$0xa];
	[sflag:s20] =	ssyncadd.s32 $0xFFFFEC00  }
0x46: {  	[tilespmem:s21], [sflag:$0x3] =	stream.linear.gather [hbm4b:s10+s12], $0x1400, $0x38;
	[tilespmem:$0x1E980] =	vst v63  }
0x47: {  	_ =	swait.ge [sflag:s20], $0x1400  }
0x48: {  	[sflag:s20] =	ssyncset.done $0x0  }
0x49: {  	[sflag:s20] =	ssyncadd.s32 $0xFFFFEC00  }
0x4a: {  	[tilespmem:s19], [sflag:$0x1] =	stream.indirect.gather [hbm4b:s4+s22], $0x80, s12, s22, $0xb8;
	[tilespmem:$0x1E980] =	vst v63  }
0x4b: {  	_ = 	snop  }
0x4c: {  	[tilespmem:s23], [sflag:$0x1] =	stream.indirect.gather [hbm4b:s4+s22], $0x80, s22, s22, $0xb8;
	[tilespmem:$0x1E980] =	vst v63  }
0x4d: {  	s11 =	simm.s32 $0x80  }
0x4e: {  	[tilespmem:s24], [sflag:$0x2] =	stream.indirect.gather [hbm4b:s4+s22], $0x80, s11, s22, $0xb8;
	[tilespmem:$0x1E980] =	vst v63  }
0x4f: {  	s12 =	simm.s32 $0xC0  }
0x50: {  	[tilespmem:s25], [sflag:$0x2] =	stream.indirect.gather [hbm4b:s4+s22], $0x80, s12, s22, $0xb8;
	[tilespmem:$0x1E980] =	vst v63  }
0x51: {  	_ =	swait.ge [sflag:s26], $0x4000  }
0x52: {  	[sflag:s26] =	ssyncset.done $0x0  }
0x53: {  	s9 =	simm.s32 $0x1400;
	[sflag:s26] =	ssyncadd.s32 $0xFFFFC000  }
0x54: {  	[spmem:s2] =	stream.indirect.scatter.add.f32 [tilespmem:s19], [sflag:$0x3], $0x80, s9, s28, $0xb8;
	[tilespmem:$0x1E980] =	vst v63  }
0x55: {  	_ =	swait.ge [sflag:s20], $0x4000  }
0x56: {  	[sflag:s20] =	ssyncset.done $0x0  }
0x57: {  	s10 =	simm.s32 $0x100;
	[sflag:s20] =	ssyncadd.s32 $0xFFFFC000  }
0x58: {  	[tilespmem:s19], [sflag:$0x1] =	stream.indirect.gather [hbm4b:s4+s22], $0x80, s10, s22, $0xb8;
	[tilespmem:$0x1E980] =	vst v63  }
0x59: {  	s11 =	simm.s32 $0x140  }
0x5a: {  	[tilespmem:s23], [sflag:$0x1] =	stream.indirect.gather [hbm4b:s4+s22], $0x80, s11, s22, $0xb8;
	[tilespmem:$0x1E980] =	vst v63  }
0x5b: {  	_ =	swait.ge [sflag:s29], $0x4000  }
0x5c: {  	[sflag:s29] =	ssyncset.done $0x0  }
0x5d: {  	s12 =	simm.s32 $0x1480;
	[sflag:s29] =	ssyncadd.s32 $0xFFFFC000  }
0x5e: {  	[spmem:s2] =	stream.indirect.scatter.add.f32 [tilespmem:s24], [sflag:$0x3], $0x80, s12, s28, $0xb8;
	[tilespmem:$0x1E980] =	vst v63  }
0x5f: {  	_ =	swait.ge [sflag:s20], $0x4000  }
0x60: {  	s8 =	simm.s32 $0x100;
	s9 =	simm.s32 $0x800;
	[sflag:s20] =	ssyncset.done $0x0  }
.LBB2_4:
0x61: {  	s10 =	sadd.s32 $0x80, s8  }
0x62: {  	[sflag:s20] =	ssyncadd.s32 $0xFFFFC000;
	s11 =	smov.u32 s9;
	s12 =	sadd.s32 $0x400, s9  }
0x63: {  	[tilespmem:s24], [sflag:$0x2] =	stream.indirect.gather [hbm4b:s4+s22], $0x80, s10, s22, $0xb8;
	[tilespmem:$0x1E980] =	vst v63  }
0x64: {  	p0 =	sne.s32 s9, $0x4800;
	s9 =	sadd.s32 $0xC0, s8  }
0x65: {  	[tilespmem:s25], [sflag:$0x2] =	stream.indirect.gather [hbm4b:s4+s22], $0x80, s9, s22, $0xb8;
	[tilespmem:$0x1E980] =	vst v63  }
0x66: {  	_ =	swait.ge [sflag:s26], $0x4000  }
0x67: {  	[sflag:s26] =	ssyncset.done $0x0  }
0x68: {  	s9 =	sadd.s32 $0x1400, s8;
	[sflag:s26] =	ssyncadd.s32 $0xFFFFC000  }
0x69: {  	[spmem:s2] =	stream.indirect.scatter.add.f32 [tilespmem:s19], [sflag:$0x3], $0x80, s9, s28, $0xb8;
	[tilespmem:$0x1E980] =	vst v63  }
0x6a: {  	_ =	swait.ge [sflag:s20], $0x4000  }
0x6b: {  	[sflag:s20] =	ssyncset.done $0x0  }
0x6c: {  	s9 =	sadd.s32 $0x100, s8;
	[sflag:s20] =	ssyncadd.s32 $0xFFFFC000  }
0x6d: {  	[tilespmem:s19], [sflag:$0x1] =	stream.indirect.gather [hbm4b:s4+s22], $0x80, s9, s22, $0xb8;
	[tilespmem:$0x1E980] =	vst v63  }
0x6e: {  	s9 =	sadd.s32 $0x140, s8  }
0x6f: {  	[tilespmem:s23], [sflag:$0x1] =	stream.indirect.gather [hbm4b:s4+s22], $0x80, s9, s22, $0xb8;
	[tilespmem:$0x1E980] =	vst v63  }
0x70: {  	_ =	swait.ge [sflag:s29], $0x4000  }
.Ltmp1:
0x71: {  	[sflag:s29] =	ssyncset.done $0x0;
	(pc) =	sbr.rel @p0 .LBB2_4-.Ltmp1, $4  }
0x72: {  	s8 =	sadd.s32 $0x1480, s8;
	[sflag:s29] =	ssyncadd.s32 $0xFFFFC000  }
0x73: {  	[spmem:s2] =	stream.indirect.scatter.add.f32 [tilespmem:s24], [sflag:$0x3], $0x80, s8, s28, $0xb8;
	[tilespmem:$0x1E980] =	vst v63  }
0x74: {  	_ =	swait.ge [sflag:s20], $0x4000  }
0x75: {  	s9 =	smov.u32 s12;
	s8 =	sshra.s32 s11, $0x2;
	[sflag:s20] =	ssyncset.done $0x0  }
0x76: {  	s9 =	sadd.s32 $0x80, s8;
	[sflag:s20] =	ssyncadd.s32 $0xFFFFC000  }
0x77: {  	[tilespmem:s24], [sflag:$0x2] =	stream.indirect.gather [hbm4b:s4+s22], $0x80, s9, s22, $0xb8;
	[tilespmem:$0x1E980] =	vst v63  }
0x78: {  	s12 =	sadd.s32 $0xC0, s8  }
0x79: {  	[tilespmem:s25], [sflag:$0x2] =	stream.indirect.gather [hbm4b:s4+s22], $0x80, s12, s22, $0xb8;
	[tilespmem:$0x1E980] =	vst v63  }
0x7a: {  	_ =	swait.ge [sflag:s26], $0x4000  }
0x7b: {  	[sflag:s26] =	ssyncset.done $0x0  }
0x7c: {  	s10 =	sadd.s32 $0x1400, s8;
	[sflag:s26] =	ssyncadd.s32 $0xFFFFC000  }
0x7d: {  	[spmem:s2] =	stream.indirect.scatter.add.f32 [tilespmem:s19], [sflag:$0x3], $0x80, s10, s28, $0xb8;
	[tilespmem:$0x1E980] =	vst v63  }
0x7e: {  	_ =	swait.ge [sflag:s20], $0x4000  }
0x7f: {  	[sflag:s20] =	ssyncset.done $0x0  }
0x80: {  	s11 =	sadd.s32 $0x100, s8;
	[sflag:s20] =	ssyncadd.s32 $0xFFFFC000  }
0x81: {  	[tilespmem:s19], [sflag:$0x1] =	stream.indirect.gather [hbm4b:s4+s22], $0x80, s11, s22, $0xb8;
	[tilespmem:$0x1E980] =	vst v63  }
0x82: {  	s12 =	sadd.s32 $0x140, s8  }
0x83: {  	[tilespmem:s23], [sflag:$0x1] =	stream.indirect.gather [hbm4b:s4+s22], $0x80, s12, s22, $0xb8;
	[tilespmem:$0x1E980] =	vst v63  }
0x84: {  	_ =	swait.ge [sflag:s29], $0x4000  }
0x85: {  	[sflag:s29] =	ssyncset.done $0x0  }
0x86: {  	s9 =	sadd.s32 $0x1480, s8;
	[sflag:s29] =	ssyncadd.s32 $0xFFFFC000  }
0x87: {  	[spmem:s2] =	stream.indirect.scatter.add.f32 [tilespmem:s24], [sflag:$0x3], $0x80, s9, s28, $0xb8;
	[tilespmem:$0x1E980] =	vst v63  }
0x88: {  	_ =	swait.ge [sflag:s20], $0x4000  }
0x89: {  	[sflag:s20] =	ssyncset.done $0x0  }
0x8a: {  	[sflag:s20] =	ssyncadd.s32 $0xFFFFC000  }
0x8b: {  	[tilespmem:s24], [sflag:$0x2] =	stream.indirect.gather [hbm4b:s4+s22], $0x80, s30, s22, $0xb8;
	[tilespmem:$0x1E980] =	vst v63  }
0x8c: {  	_ = 	snop  }
0x8d: {  	[tilespmem:s25], [sflag:$0x2] =	stream.indirect.gather [hbm4b:s4+s22], $0x80, s31, s22, $0xb8;
	[tilespmem:$0x1E980] =	vst v63  }
0x8e: {  	_ =	swait.ge [sflag:s26], $0x4000  }
0x8f: {  	[sflag:s26] =	ssyncset.done $0x0  }
0x90: {  	[sflag:s26] =	ssyncadd.s32 $0xFFFFC000  }
0x91: {  	[spmem:s2] =	stream.indirect.scatter.add.f32 [tilespmem:s19], [sflag:$0x3], $0x80, s0, s28, $0xb8;
	[tilespmem:$0x1E980] =	vst v63  }
0x92: {  	_ =	swait.ge [sflag:s20], $0x4000  }
0x93: {  	[sflag:s20] =	ssyncset.done $0x0  }
0x94: {  	[sflag:s20] =	ssyncadd.s32 $0xFFFFC000  }
0x95: {  	_ =	swait.ge [sflag:s29], $0x4000  }
0x96: {  	[sflag:s29] =	ssyncset.done $0x0  }
0x97: {  	[sflag:s29] =	ssyncadd.s32 $0xFFFFC000  }
0x98: {  	[spmem:s2] =	stream.indirect.scatter.add.f32 [tilespmem:s24], [sflag:$0x3], $0x80, s1, s28, $0xb8;
	[tilespmem:$0x1E980] =	vst v63  }
0x99: {  	_ =	swait.ge [sflag:s20], $0x4000  }
0x9a: {  	[sflag:s20] =	ssyncset.done $0x0  }
0x9b: {  	s10 =	simm.s32 $0x0;
	[sflag:s20] =	ssyncadd.s32 $0xFFFFC000  }
0x9c: {  	[tilespmem:s10], [sflag:$0x3] =	stream.linear.gather [hbm4b:s13+s10], $0x1400, $0x38;
	[tilespmem:$0x1E980] =	vst v63  }
0x9d: {  	_ =	swait.ge [sflag:s20], $0x1400  }
0x9e: {  	[sflag:s20] =	ssyncset.done $0x0  }
0x9f: {  	[sflag:s20] =	ssyncadd.s32 $0xFFFFEC00  }
0xa0: {  	[tilespmem:s21], [sflag:$0x3] =	stream.linear.gather [hbm4b:s14+s10], $0x1400, $0x38;
	[tilespmem:$0x1E980] =	vst v63  }
0xa1: {  	_ =	swait.ge [sflag:s20], $0x1400  }
0xa2: {  	[sflag:s20] =	ssyncset.done $0x0  }
0xa3: {  	[sflag:s20] =	ssyncadd.s32 $0xFFFFEC00  }
0xa4: {  	[tilespmem:s19], [sflag:$0x1] =	stream.indirect.gather [hbm4b:s4+s22], $0x80, s10, s22, $0xb8;
	[tilespmem:$0x1E980] =	vst v63  }
0xa5: {  	_ = 	snop  }
0xa6: {  	[tilespmem:s23], [sflag:$0x1] =	stream.indirect.gather [hbm4b:s4+s22], $0x80, s22, s22, $0xb8;
	[tilespmem:$0x1E980] =	vst v63  }
0xa7: {  	s11 =	simm.s32 $0x80  }
0xa8: {  	[tilespmem:s24], [sflag:$0x2] =	stream.indirect.gather [hbm4b:s4+s22], $0x80, s11, s22, $0xb8;
	[tilespmem:$0x1E980] =	vst v63  }
0xa9: {  	s12 =	simm.s32 $0xC0  }
0xaa: {  	[tilespmem:s25], [sflag:$0x2] =	stream.indirect.gather [hbm4b:s4+s22], $0x80, s12, s22, $0xb8;
	[tilespmem:$0x1E980] =	vst v63  }
0xab: {  	_ =	swait.ge [sflag:s26], $0x4000  }
0xac: {  	[sflag:s26] =	ssyncset.done $0x0  }
0xad: {  	s9 =	simm.s32 $0x1400;
	[sflag:s26] =	ssyncadd.s32 $0xFFFFC000  }
0xae: {  	[spmem:s2] =	stream.indirect.scatter.add.f32 [tilespmem:s19], [sflag:$0x3], $0x80, s9, s28, $0xb8;
	[tilespmem:$0x1E980] =	vst v63  }
0xaf: {  	_ =	swait.ge [sflag:s20], $0x4000  }
0xb0: {  	[sflag:s20] =	ssyncset.done $0x0  }
0xb1: {  	s10 =	simm.s32 $0x100;
	[sflag:s20] =	ssyncadd.s32 $0xFFFFC000  }
0xb2: {  	[tilespmem:s19], [sflag:$0x1] =	stream.indirect.gather [hbm4b:s4+s22], $0x80, s10, s22, $0xb8;
	[tilespmem:$0x1E980] =	vst v63  }
0xb3: {  	s11 =	simm.s32 $0x140  }
0xb4: {  	[tilespmem:s23], [sflag:$0x1] =	stream.indirect.gather [hbm4b:s4+s22], $0x80, s11, s22, $0xb8;
	[tilespmem:$0x1E980] =	vst v63  }
0xb5: {  	_ =	swait.ge [sflag:s29], $0x4000  }
0xb6: {  	[sflag:s29] =	ssyncset.done $0x0  }
0xb7: {  	s12 =	simm.s32 $0x1480;
	[sflag:s29] =	ssyncadd.s32 $0xFFFFC000  }
0xb8: {  	[spmem:s2] =	stream.indirect.scatter.add.f32 [tilespmem:s24], [sflag:$0x3], $0x80, s12, s28, $0xb8;
	[tilespmem:$0x1E980] =	vst v63  }
0xb9: {  	_ =	swait.ge [sflag:s20], $0x4000  }
0xba: {  	s8 =	simm.s32 $0x100;
	s9 =	simm.s32 $0x800;
	[sflag:s20] =	ssyncset.done $0x0  }
.LBB2_6:
0xbb: {  	s10 =	sadd.s32 $0x80, s8  }
0xbc: {  	[sflag:s20] =	ssyncadd.s32 $0xFFFFC000;
	s11 =	smov.u32 s9;
	s12 =	sadd.s32 $0x400, s9  }
0xbd: {  	[tilespmem:s24], [sflag:$0x2] =	stream.indirect.gather [hbm4b:s4+s22], $0x80, s10, s22, $0xb8;
	[tilespmem:$0x1E980] =	vst v63  }
0xbe: {  	p0 =	sne.s32 s9, $0x4800;
	s9 =	sadd.s32 $0xC0, s8  }
0xbf: {  	[tilespmem:s25], [sflag:$0x2] =	stream.indirect.gather [hbm4b:s4+s22], $0x80, s9, s22, $0xb8;
	[tilespmem:$0x1E980] =	vst v63  }
0xc0: {  	_ =	swait.ge [sflag:s26], $0x4000  }
0xc1: {  	[sflag:s26] =	ssyncset.done $0x0  }
0xc2: {  	s9 =	sadd.s32 $0x1400, s8;
	[sflag:s26] =	ssyncadd.s32 $0xFFFFC000  }
0xc3: {  	[spmem:s2] =	stream.indirect.scatter.add.f32 [tilespmem:s19], [sflag:$0x3], $0x80, s9, s28, $0xb8;
	[tilespmem:$0x1E980] =	vst v63  }
0xc4: {  	_ =	swait.ge [sflag:s20], $0x4000  }
0xc5: {  	[sflag:s20] =	ssyncset.done $0x0  }
0xc6: {  	s9 =	sadd.s32 $0x100, s8;
	[sflag:s20] =	ssyncadd.s32 $0xFFFFC000  }
0xc7: {  	[tilespmem:s19], [sflag:$0x1] =	stream.indirect.gather [hbm4b:s4+s22], $0x80, s9, s22, $0xb8;
	[tilespmem:$0x1E980] =	vst v63  }
0xc8: {  	s9 =	sadd.s32 $0x140, s8  }
0xc9: {  	[tilespmem:s23], [sflag:$0x1] =	stream.indirect.gather [hbm4b:s4+s22], $0x80, s9, s22, $0xb8;
	[tilespmem:$0x1E980] =	vst v63  }
0xca: {  	_ =	swait.ge [sflag:s29], $0x4000  }
.Ltmp2:
0xcb: {  	[sflag:s29] =	ssyncset.done $0x0;
	(pc) =	sbr.rel @p0 .LBB2_6-.Ltmp2, $4  }
0xcc: {  	s8 =	sadd.s32 $0x1480, s8;
	[sflag:s29] =	ssyncadd.s32 $0xFFFFC000  }
0xcd: {  	[spmem:s2] =	stream.indirect.scatter.add.f32 [tilespmem:s24], [sflag:$0x3], $0x80, s8, s28, $0xb8;
	[tilespmem:$0x1E980] =	vst v63  }
0xce: {  	_ =	swait.ge [sflag:s20], $0x4000  }
0xcf: {  	s9 =	smov.u32 s12;
	s8 =	sshra.s32 s11, $0x2;
	[sflag:s20] =	ssyncset.done $0x0  }
0xd0: {  	s9 =	sadd.s32 $0x80, s8;
	[sflag:s20] =	ssyncadd.s32 $0xFFFFC000  }
0xd1: {  	[tilespmem:s24], [sflag:$0x2] =	stream.indirect.gather [hbm4b:s4+s22], $0x80, s9, s22, $0xb8;
	[tilespmem:$0x1E980] =	vst v63  }
0xd2: {  	s11 =	sadd.s32 $0xC0, s8  }
0xd3: {  	[tilespmem:s25], [sflag:$0x2] =	stream.indirect.gather [hbm4b:s4+s22], $0x80, s11, s22, $0xb8;
	[tilespmem:$0x1E980] =	vst v63  }
0xd4: {  	_ =	swait.ge [sflag:s26], $0x4000  }
0xd5: {  	[sflag:s26] =	ssyncset.done $0x0  }
0xd6: {  	s12 =	sadd.s32 $0x1400, s8;
	[sflag:s26] =	ssyncadd.s32 $0xFFFFC000  }
0xd7: {  	[spmem:s2] =	stream.indirect.scatter.add.f32 [tilespmem:s19], [sflag:$0x3], $0x80, s12, s28, $0xb8;
	[tilespmem:$0x1E980] =	vst v63  }
0xd8: {  	_ =	swait.ge [sflag:s20], $0x4000  }
0xd9: {  	[sflag:s20] =	ssyncset.done $0x0  }
0xda: {  	s10 =	sadd.s32 $0x100, s8;
	[sflag:s20] =	ssyncadd.s32 $0xFFFFC000  }
0xdb: {  	[tilespmem:s19], [sflag:$0x1] =	stream.indirect.gather [hbm4b:s4+s22], $0x80, s10, s22, $0xb8;
	[tilespmem:$0x1E980] =	vst v63  }
0xdc: {  	s11 =	sadd.s32 $0x140, s8  }
0xdd: {  	[tilespmem:s23], [sflag:$0x1] =	stream.indirect.gather [hbm4b:s4+s22], $0x80, s11, s22, $0xb8;
	[tilespmem:$0x1E980] =	vst v63  }
0xde: {  	_ =	swait.ge [sflag:s29], $0x4000  }
0xdf: {  	[sflag:s29] =	ssyncset.done $0x0  }
0xe0: {  	s12 =	sadd.s32 $0x1480, s8;
	[sflag:s29] =	ssyncadd.s32 $0xFFFFC000  }
0xe1: {  	[spmem:s2] =	stream.indirect.scatter.add.f32 [tilespmem:s24], [sflag:$0x3], $0x80, s12, s28, $0xb8;
	[tilespmem:$0x1E980] =	vst v63  }
0xe2: {  	_ =	swait.ge [sflag:s20], $0x4000  }
0xe3: {  	[sflag:s20] =	ssyncset.done $0x0  }
0xe4: {  	[sflag:s20] =	ssyncadd.s32 $0xFFFFC000  }
0xe5: {  	[tilespmem:s24], [sflag:$0x2] =	stream.indirect.gather [hbm4b:s4+s22], $0x80, s30, s22, $0xb8;
	[tilespmem:$0x1E980] =	vst v63  }
0xe6: {  	_ = 	snop  }
0xe7: {  	[tilespmem:s25], [sflag:$0x2] =	stream.indirect.gather [hbm4b:s4+s22], $0x80, s31, s22, $0xb8;
	[tilespmem:$0x1E980] =	vst v63  }
0xe8: {  	_ =	swait.ge [sflag:s26], $0x4000  }
0xe9: {  	[sflag:s26] =	ssyncset.done $0x0  }
0xea: {  	[sflag:s26] =	ssyncadd.s32 $0xFFFFC000  }
0xeb: {  	[spmem:s2] =	stream.indirect.scatter.add.f32 [tilespmem:s19], [sflag:$0x3], $0x80, s0, s28, $0xb8;
	[tilespmem:$0x1E980] =	vst v63  }
0xec: {  	_ =	swait.ge [sflag:s20], $0x4000  }
0xed: {  	[sflag:s20] =	ssyncset.done $0x0  }
0xee: {  	[sflag:s20] =	ssyncadd.s32 $0xFFFFC000  }
0xef: {  	_ =	swait.ge [sflag:s29], $0x4000  }
0xf0: {  	[sflag:s29] =	ssyncset.done $0x0  }
0xf1: {  	[sflag:s29] =	ssyncadd.s32 $0xFFFFC000  }
0xf2: {  	[spmem:s2] =	stream.indirect.scatter.add.f32 [tilespmem:s24], [sflag:$0x3], $0x80, s1, s28, $0xb8;
	[tilespmem:$0x1E980] =	vst v63  }
0xf3: {  	_ =	swait.ge [sflag:s20], $0x4000  }
0xf4: {  	s9 =	stileid.u32;
	[sflag:s20] =	ssyncset.done $0x0  }
0xf5: {  	s8 =	sshll.u32 s9, $0x6;
	[sflag:s20] =	ssyncadd.s32 $0xFFFFC000  }
0xf6: {  	s8 =	sor.u32 $0x1C03, s8;
	s10 =	sshrl.u32 s6, $0x3;
	[bflag:$0x0] =	sbarrier.arrive $0xFFFF  }
0xf7: {  	[hbm:s15], [sflag:s8] =	dma.local [spmem:s10], $0x2800  }
0xf8: {  	_ =	swait.ge [sflag:s20], $0x2800  }
0xf9: {  	[sflag:s20] =	ssyncset.done $0x0  }
0xfa: {  	s11 =	simm.s32 $0x0;
	[sflag:s20] =	ssyncadd.s32 $0xFFFFD800  }
0xfb: {  	[tilespmem:s3], [sflag:$0x3] =	stream.linear.gather [hbm4b:s16+s11], $0x80, $0x38;
	[tilespmem:$0x1E980] =	vst v63  }
0xfc: {  	_ =	swait.ge [sflag:s20], $0x80  }
0xfd: {  	[sflag:s20] =	ssyncset.done $0x0  }
0xfe: {  	s12 =	rddreg [dreg:$0x4];
	[sflag:s20] =	ssyncadd.s32 $0xFFFFFF80  }
0xff: {  	[tilespmem:s5], [sflag:$0x1] =	stream.indirect.gather [hbm4b:s12+s29], $0x80, s3, s29, $0xb8;
	[tilespmem:$0x1E980] =	vst v63  }
0x100: {  	s7 =	sadd.s32 $0x1, s7;
	_ =	swait.ge [sflag:s26], $0x100  }
0x101: {  	p0 =	sne.s32 s7, s18;
	[sflag:s26] =	ssyncset.done $0x0  }
.Ltmp3:
0x102: {  	[sflag:s26] =	ssyncadd.s32 $0xFFFFFF00;
	(pc) =	sbr.rel @p0 .LBB2_1-.Ltmp3, $4  }
0x103: {  	[hbm4b:s17+s11] =	stream.linear.scatter [tilespmem:s5], [sflag:$0x3], $0x100, $0x38;
	[tilespmem:$0x1E980] =	vst v63  }
0x104: {  	_ =	swait.ge [sflag:s20], $0x100  }
0x105: {  	[sflag:s20] =	ssyncset.done $0x0  }
0x106: {  	[sflag:s20] =	ssyncadd.s32 $0xFFFFFF00  }
0x107: {  	_ =	sfence.sel $0x180000  }
0x108: {  	[bflag:$0x0] =	sbarrier.arrive $0xFFFF  }
0x109: {  	_ =	strace $0x9000004D  }
0x10a: {  	s0 =	stileid.u32;
	[bflag:$0x2] =	sbarrier.arrive $0xFFFF  }
0x10b: {  	p0 =	sne.s32 s0, $0x0;
	s0 =	rddreg [dreg:$0x3]  }
0x10c: {  	s0 =	sadd.s32 @!p0 $0x100000, s0  }
0x10d: {  	[sflag:s0] =	ssyncadd.tile.s32 @!p0 $0x1;
	_ =	shalt  }
.Lfunc_end2:
_tile_overlayer_lowered:
.L_overlay_start_2:
0x10e: {  	(tag) =	ssettag $0x2  }
0x10f: {  	s0 =	rddreg [dreg:$0x0];
	s2 =	stileid.u32  }
0x110: {  	s1 =	rddreg [dreg:$0x1];
	p0 =	sne.s32 s2, $0x0  }
0x111: {  	s3 =	rddreg [dreg:$0x2];
	[bflag:$0x3] =	sbarrier.arrive $0xFFFF;
	s2 =	simm.s32 @!p0 $0x1C03  }
0x112: {  	[timem:s3], [sflag:s2] =	dma.local @!p0 [hbm:s0], s1  }
0x113: {  	s0 =	simm.s32 @!p0 $0x3  }
0x114: {  	_ =	swait.ge @!p0 [sflag:s0], s1  }
0x115: {  	s1 =	ssub.s32 @!p0 $0x0, s1;
	[sflag:s0] =	ssyncset.done @!p0 $0x0  }
0x116: {  	[sflag:s0] =	ssyncadd.s32 @!p0 s1  }
0x117: {  	[bflag:$0x3] =	sbarrier.arrive $0xFFFF  }
0x118: {  	_ =	shalt  }

// kernel: kernel.8.cloned.1.call-start
scs
__scs_entry_jumppad:
0x0: {  	(pc) =	sbr.rel $0x88, $3  }
0x1: {  	(tag) =	ssettag $0x0;
	lr =	simm.s32 $0x1  }
0x2: {  	[smem:$0x3F99] =	sst lr;
	_ =	strace $0xD0000000  }
0x3: {  	_ = 	snop  }
0x4: {  	_ = 	snop  }
0x5: {  	_ = 	snop  }
0x6: {  	_ = 	snop  }
0x7: {  	_ = 	snop  }
__scs_overlays_trampoline_lowered:
0x8: {  	[smem:$0x3FA8] =	sst s0  }
0x9: {  	[smem:$0x3FA9] =	sst s1  }
0xa: {  	[smem:$0x3FAA] =	sst s2  }
0xb: {  	[smem:$0x3FAB] =	sst s3  }
0xc: {  	[smem:$0x3FAC] =	sst s4  }
0xd: {  	[smem:$0x3FAD] =	sst s5  }
0xe: {  	[smem:$0x3FAE] =	sst s6  }
0xf: {  	[smem:$0x3FAF] =	sst s7  }
0x10: {  	[smem:$0x3FB0] =	sst s8  }
0x11: {  	[smem:$0x3FB1] =	sst s9;
	s0 =	simm.s32 @!p0 $0x0  }
0x12: {  	s1 =	sld [smem:$0x3F97];
	s0 =	simm.s32 @p0 $0x1  }
0x13: {  	[smem:$0x3FB2] =	sst s0;
	s0 =	simm.s32 @!p1 $0x0  }
0x14: {  	s2 =	sld [smem:$0x3F96];
	s0 =	simm.s32 @p1 $0x1  }
0x15: {  	[smem:$0x3FB3] =	sst s0;
	s0 =	simm.s32 @!p2 $0x0  }
0x16: {  	s3 =	sld [smem:$0x3FDB];
	s0 =	simm.s32 @p2 $0x1  }
0x17: {  	s4 =	simm.s32 $0x1BF5;
	[smem:$0x3FB5] =	sst s0  }
0x18: {  	s0 =	sld [smem:$0x3F98];
	_ =	swait.ge [sflag:s4], $0x0  }
0x19: {  	s7 =	sld [smem:$0x3F99]  }
0x1a: {  	s8 =	sadd.s32 $0xFFFFE003, lr  }
0x1b: {  	s9 =	sadd.s32 $0xFFFFFEF7, lr;
	s5 =	simm.s32 $0xFFFFFFFF;
	p2 =	slt.u32 s8, $0xFFFFF086  }
0x1c: {  	p1 =	slt.u32 s9, $0xF7A;
	s5 =	simm.s32 @!p2 $0x0  }
0x1d: {  	s5 =	simm.s32 @p1 $0x1;
	p0 =	seq.s32 s7, s2  }
0x1e: {  	s7 =	smul.u32 @!p0 $0xF7A, s2;
	p2 =	seq.s32 @!p0 s5, $0x0  }
0x1f: {  	s9 =	smul.u32 $0xF7A, s1;
	s8 =	simm.s32 @!p0 $0x1BF5;
	p2 =	por !p2, p0  }
0x20: {  	[sflag:s8] =	ssyncset.s32 @!p0 $0xFFFFF086;
	s6 =	sadd.s32 @!p0 s3, s7;
	s7 =	simm.s32 @!p0 $0x108  }
0x21: {  	s3 =	sadd.s32 s3, s9;
	s6 =	sadd.s32 @!p0 $0x88, s6;
	s7 =	simm.s32 @p2 $0x1082  }
0x22: {  	[simem:s7], [sflag:s8] =	dma.local @!p0 [hbm:s6], $0xF7A  }
0x23: {  	s9 =	sor.u32 $0xD0000000, s2;
	s6 =	simm.s32 $0x108;
	_ =	swait.ge @!p0 [sflag:s8], $0x0  }
0x24: {  	s3 =	sadd.s32 $0x88, s3;
	s6 =	simm.s32 @!p1 $0x1082;
	[sflag:s4] =	ssyncset.s32 $0xFFFFF086  }
0x25: {  	[simem:s6], [sflag:s4] =	dma.local [hbm:s3], $0xF7A  }
0x26: {  	[smem:$0x3F99] =	sst s1;
	(tag) =	ssettag s2;
	_ =	strace s9  }
0x27: {  	s1 =	sld [smem:$0x3FA9]  }
0x28: {  	s2 =	sld [smem:$0x3FAA]  }
0x29: {  	s4 =	sld [smem:$0x3FAC]  }
0x2a: {  	p0 =	seq.s32 s5, $0x0;
	s5 =	sld [smem:$0x3FAD]  }
0x2b: {  	s6 =	sld [smem:$0x3FAE]  }
0x2c: {  	s7 =	sld [smem:$0x3FAF]  }
0x2d: {  	s3 =	simm.s32 $0x108;
	s8 =	sld [smem:$0x3FB0]  }
0x2e: {  	s3 =	simm.s32 @!p0 $0x1082;
	s9 =	sld [smem:$0x3FB1]  }
0x2f: {  	lr =	sadd.s32 s0, s3;
	s0 =	sld [smem:$0x3FA8]  }
0x30: {  	s3 =	sld [smem:$0x3FAB]  }
0x31: {  	[smem:$0x3FB4] =	sst s10  }
0x32: {  	s10 =	sld [smem:$0x3FB2];
	_ =	sdelay $0x3  }
0x33: {  	p0 =	seq.s32 s10, $0x1;
	s10 =	sld [smem:$0x3FB4];
	_ =	sdelay $0x3  }
0x34: {  	[smem:$0x3FB4] =	sst s10  }
0x35: {  	s10 =	sld [smem:$0x3FB3];
	_ =	sdelay $0x3  }
0x36: {  	p1 =	seq.s32 s10, $0x1;
	s10 =	sld [smem:$0x3FB4];
	_ =	sdelay $0x3  }
0x37: {  	[smem:$0x3FB4] =	sst s10  }
0x38: {  	s10 =	sld [smem:$0x3FB5]  }
0x39: {  	_ = 	snop;
	(pc) =	sbr.ind lr, $3  }
0x3a: {  	_ = 	snop  }
0x3b: {  	_ = 	snop  }
0x3c: {  	p2 =	seq.s32 s10, $0x1;
	s10 =	sld [smem:$0x3FB4]  }
0x3d: {  	_ =	shalt  }
0x3e: {  	_ =	shalt  }
0x3f: {  	_ =	shalt  }
0x40: {  	_ =	shalt  }
0x41: {  	_ =	shalt  }
0x42: {  	_ =	shalt  }
0x43: {  	_ =	shalt  }
0x44: {  	_ =	shalt  }
0x45: {  	_ =	shalt  }
0x46: {  	_ =	shalt  }
0x47: {  	_ =	shalt  }
0x48: {  	_ =	shalt  }
0x49: {  	_ =	shalt  }
0x4a: {  	_ =	shalt  }
0x4b: {  	_ =	shalt  }
0x4c: {  	_ =	shalt  }
0x4d: {  	_ =	shalt  }
0x4e: {  	_ =	shalt  }
0x4f: {  	_ =	shalt  }
0x50: {  	_ =	shalt  }
0x51: {  	_ =	shalt  }
0x52: {  	_ =	shalt  }
0x53: {  	_ =	shalt  }
0x54: {  	_ =	shalt  }
0x55: {  	_ =	shalt  }
0x56: {  	_ =	shalt  }
0x57: {  	_ =	shalt  }
0x58: {  	_ =	shalt  }
0x59: {  	_ =	shalt  }
0x5a: {  	_ =	shalt  }
0x5b: {  	_ =	shalt  }
0x5c: {  	_ =	shalt  }
0x5d: {  	_ =	shalt  }
0x5e: {  	_ =	shalt  }
0x5f: {  	_ =	shalt  }
0x60: {  	_ =	shalt  }
0x61: {  	_ =	shalt  }
0x62: {  	_ =	shalt  }
0x63: {  	_ =	shalt  }
0x64: {  	_ =	shalt  }
0x65: {  	_ =	shalt  }
0x66: {  	_ =	shalt  }
0x67: {  	_ =	shalt  }
0x68: {  	_ =	shalt  }
0x69: {  	_ =	shalt  }
0x6a: {  	_ =	shalt  }
0x6b: {  	_ =	shalt  }
0x6c: {  	_ =	shalt  }
0x6d: {  	_ =	shalt  }
0x6e: {  	_ =	shalt  }
0x6f: {  	_ =	shalt  }
0x70: {  	_ =	shalt  }
0x71: {  	_ =	shalt  }
0x72: {  	_ =	shalt  }
0x73: {  	_ =	shalt  }
0x74: {  	_ =	shalt  }
0x75: {  	_ =	shalt  }
0x76: {  	_ =	shalt  }
0x77: {  	_ =	shalt  }
0x78: {  	_ =	shalt  }
0x79: {  	_ =	shalt  }
0x7a: {  	_ =	shalt  }
0x7b: {  	_ =	shalt  }
0x7c: {  	_ =	shalt  }
0x7d: {  	_ =	shalt  }
0x7e: {  	_ =	shalt  }
0x7f: {  	_ =	shalt  }
0x80: {  	_ =	shalt  }
0x81: {  	_ =	shalt  }
0x82: {  	_ =	shalt  }
0x83: {  	_ =	shalt  }
0x84: {  	_ =	shalt  }
0x85: {  	_ =	shalt  }
0x86: {  	_ =	shalt  }
0x87: {  	_ =	shalt  }
.Lfunc_end0:
.L_simem_size_0:
called_computation_lowered:
.L_overlay_start_0:
0x88: {  	s2 =	sld [smem:$0x3FD9]  }
0x89: {  	s3 =	sld [smem:$0x3FFE];
	_ =	sdelay $0x1  }
0x8a: {  	s1 =	srdreg.scid  }
0x8b: {  	s0 =	sand.u32 $0x1, s1  }
0x8c: {  	s16 =	sshll.u32 s0, $0xA;
	s2 =	sadd.s32 s3, s2  }
0x8d: {  	s2 =	sadd.s32 s2, s16  }
0x8e: {  	[smem:$0x3FC0] =	sst s2  }
0x8f: {  	_ = 	snop  }
0x90: {  	(tm) =	ssettm $0x1  }
0x91: {  	s17 =	sld [smem:$0x3FFB];
	_ =	sdelay $0x3  }
0x92: {  	_ =	strace s17  }
0x93: {  	s2 =	sld [smem:$0x3FFC];
	_ =	sdelay $0x3  }
0x94: {  	_ =	strace s2  }
0x95: {  	s2 =	sld [smem:$0x3FFD];
	_ =	sdelay $0x3  }
0x96: {  	_ =	strace s2  }
0x97: {  	_ =	strace $0x8FFFFFFF  }
0x98: {  	s18 =	sld [smem:$0x3FDB];
	_ =	sdelay $0x1  }
0x99: {  	s19 =	simm.s32 $_scs_section_size  }
0x9a: {  	s4 =	simm.s32 $_size__tile_overlayer_lowered;
	s5 =	simm.s32 $_tile_overlayer_lowered  }
0x9b: {  	s22 =	simm.s32 $0x1BFF;
	s21 =	sshll.u32 s5, $0x1;
	s2 =	sadd.s32 s19, s18  }
0x9c: {  	s6 =	simm.s32 $0x0;
	s20 =	sshll.u32 s4, $0x1;
	s4 =	sadd.s32 s21, s2  }
0x9d: {  	[timem:s6], [sflag:s22] =	dma.local [hbm:s4], s20  }
0x9e: {  	_ =	swait.ge [sflag:s22], s20  }
0x9f: {  	s3 =	ssub.s32 $0x0, s20;
	[sflag:s22] =	ssyncset.done $0x0  }
0xa0: {  	[sflag:s22] =	ssyncadd.s32 s3;
	_ =	sdelay $0x1  }
0xa1: {  	s23 =	simm.s32 $0x1B8B  }
0xa2: {  	_ =	swait.ge [sflag:s23], $0x1  }
0xa3: {  	[sflag:s23] =	ssyncset.done $0x0  }
0xa4: {  	s25 =	simm.s32 $0x1B8E;
	s24 =	sld [smem:$0x3FFE];
	[sflag:s23] =	ssyncadd.s32 $0xFFFFFFFF  }
0xa5: {  	s26 =	simm.s32 $execute0_lowered;
	[smem:$0x3FD2] =	sst s25  }
0xa6: {  	s4 =	sshll.u32 s26, $0x1;
	_ =	strace $0x80000046;
	[dreg:$0x1] =	wrdreg $0xFFFFFFFF  }
0xa7: {  	s28 =	simm.s32 $_size_execute0_lowered;
	s2 =	sadd.s32 s2, s4;
	[dreg:$0x0] =	wrdreg $0x0  }
0xa8: {  	s4 =	sshll.u32 s28, $0x1;
	[dreg:$0x2] =	wrdreg s2  }
0xa9: {  	[dreg:$0x3] =	wrdreg s4  }
0xaa: {  	[dreg:$0x4] =	wrdreg $0xC0  }
0xab: {  	_ =	task [dreg:s6], $0x5FFFF  }
0xac: {  	[dreg:$0x1] =	wrdreg $0xFFFFFFFF  }
0xad: {  	[dreg:$0x0] =	wrdreg $0x60  }
0xae: {  	[dreg:$0x2] =	wrdreg s24  }
0xaf: {  	[dreg:$0x3] =	wrdreg $0x9  }
0xb0: {  	_ =	task.clear_ibuf [dreg:s6], $0x4FFFF;
	_ =	strace $0x90000046  }
0xb1: {  	s29 =	simm.s32 $0x9;
	_ =	strace $0x80000048  }
0xb2: {  	_ =	swait.ge [sflag:s29], $0x1  }
0xb3: {  	[sflag:s29] =	ssyncadd.s32 $0xFFFFFFFF  }
0xb4: {  	_ =	strace $0x90000048  }
0xb5: {  	_ =	sfence  }
0xb6: {  	s30 =	sld [smem:$0x0];
	_ =	sdelay $0x2  }
0xb7: {  	s31 =	sshll.u32 s1, $0xD;
	s1 =	sshrl.u32 s1, $0x2  }
0xb8: {  	s3 =	sand.u32 $0x4000, s31;
	s1 =	sadd.s32 s1, s30  }
0xb9: {  	s0 =	sor.u32 s3, s0;
	s1 =	sshll.u32 s1, $0x11  }
0xba: {  	s0 =	sor.u32 s1, s0  }
0xbb: {  	s0 =	sadd.s32 $0x8F2B, s0  }
0xbc: {  	[sflag:s0] =	ssyncadd.remote.s32 $0x1  }
0xbd: {  	_ =	sfence.sel $0xFFFF  }
0xbe: {  	[dreg:$0x0] =	wrdreg $0xFFFFFFFF;
	(pc) =	sbr.abs _section_cstart, $3  }
0xbf: {  	[dreg:$0x1] =	wrdreg $0xFFFFFFFF  }
0xc0: {  	_ =	task.clear_ibuf [dreg:s6], $0x2FFFF;
	_ =	strace $0x9FFFFFFF  }
0xc1: {  	(tm) =	ssettm $0x7FFFFFFF  }
tec
execute0_lowered:
.L_overlay_start_1:
0x0: {  	(tag) =	ssettag $0x1  }
0x1: {  	s0 =	srdreg.scid  }
0x2: {  	s4 =	rddreg [dreg:$0x0];
	s2 =	simm.s32 $0x0;
	s3 =	sand.u32 $0x1, s0  }
0x3: {  	s8 =	simm.s32 $0x80;
	s0 =	stileid.u32;
	s1 =	sshll.u32 s3, $0x4  }
0x4: {  	s9 =	simm.s32 $0x400;
	s10 =	simm.s32 $0x0;
	s5 =	sor.u32 s0, s1  }
0x5: {  	[smem:$0x7FF] =	sst s2;
	s7 =	sshll.u32 s0, $0x7;
	s6 =	sshrl.u32 s5, $0x3  }
0x6: {  	s3 =	ssub.s32 $0x2, s3;
	s1 =	rddreg [dreg:$0x1];
	s6 =	smul.u32 $0x14000, s6  }
0x7: {  	s7 =	sand.u32 $0x380, s7;
	s30 =	sshrl.u32 s3, $0x1;
	s5 =	smul.u32 $0x2800, s5  }
0x8: {  	_ =	strace $0x80000047;
	s31 =	ssub.s32 s3, s30;
	s6 =	sor.u32 s7, s6  }
0x9: {  	s5 =	sshrl.u32 s5, $0x3;
	s7 =	simm.s32 $0x2800;
	s6 =	sshrl.u32 s6, $0x3  }
0xa: {  	s6 =	sadd.s32 s6, s4;
	s4 =	sadd.s32 s4, s5;
	s5 =	smax.u32 s31, $0x1  }
0xb: {  	v0 =	vimm.f32 $0.0e+00;
	v1 =	vimm.f32 $1.000000000e+00;
	s3 =	sadd.s32 $0xF600, s4;
	s4 =	sadd.s32 $0x19600, s6;
	s6 =	simm.s32 $0x1  }
.LBB2_1:
0xc: {  	[tilespmem:s2], [sflag:$0x1] =	stream.linear.gather [hbm4b:s3+s2], $0x2800, $0x38;
	[tilespmem:$0x5000] =	vst v63  }
0xd: {  	_ =	swait.ge [sflag:s6], $0x2800  }
0xe: {  	[sflag:s6] =	ssyncset.done $0x0  }
0xf: {  	s11 =	simm.s32 $0x0;
	[sflag:s6] =	ssyncadd.s32 $0xFFFFD800  }
.LBB2_2:
0x10: {  	p0 =	sne.s32 s11, $0x9FC0  }
.Ltmp0:
0x11: {  	_ = 	snop;
	(pc) =	sbr.rel @p0 .LBB2_2-.Ltmp0, $3  }
0x12: {  	_ =	sdelay $0x1  }
0x13: {  	s12 =	sshra.s32 s11, $0x2  }
0x14: {  	s11 =	sadd.s32 $0x40, s11;
	[tilespmem:s12+$0x2800] =	vst v0  }
0x15: {  	s11 =	simm.s32 $0x0  }
.LBB2_4:
0x16: {  	s12 =	sshra.s32 s11, $0x2  }
0x17: {  	v2 =	vld [tilespmem:s12+$0x0];
	_ =	sdelay $0x7  }
0x18: {  	[tilespmem:v2+s7+$0x0] =	vst.idx.add.f32.msk $0xffff, v1  }
0x19: {  	v2 =	vld [tilespmem:s12+$0x10];
	_ =	sdelay $0x7  }
0x1a: {  	[tilespmem:v2+s7+$0x0] =	vst.idx.add.f32.msk $0xffff, v1  }
0x1b: {  	v2 =	vld [tilespmem:s12+$0x20];
	_ =	sdelay $0x7  }
0x1c: {  	[tilespmem:v2+s7+$0x0] =	vst.idx.add.f32.msk $0xffff, v1  }
0x1d: {  	v2 =	vld [tilespmem:s12+$0x30];
	_ =	sdelay $0x7  }
0x1e: {  	[tilespmem:v2+s7+$0x0] =	vst.idx.add.f32.msk $0xffff, v1  }
0x1f: {  	v2 =	vld [tilespmem:s12+$0x40];
	_ =	sdelay $0x7  }
0x20: {  	[tilespmem:v2+s7+$0x0] =	vst.idx.add.f32.msk $0xffff, v1  }
0x21: {  	v2 =	vld [tilespmem:s12+$0x50];
	_ =	sdelay $0x7  }
0x22: {  	[tilespmem:v2+s7+$0x0] =	vst.idx.add.f32.msk $0xffff, v1  }
0x23: {  	v2 =	vld [tilespmem:s12+$0x60];
	_ =	sdelay $0x7  }
0x24: {  	[tilespmem:v2+s7+$0x0] =	vst.idx.add.f32.msk $0xffff, v1  }
0x25: {  	v2 =	vld [tilespmem:s12+$0x70];
	_ =	sdelay $0x2  }
0x26: {  	p0 =	sne.s32 s11, $0x9E00  }
.Ltmp1:
0x27: {  	_ = 	snop;
	(pc) =	sbr.rel @p0 .LBB2_4-.Ltmp1, $2  }
0x28: {  	_ =	sdelay $0x2  }
0x29: {  	s11 =	sadd.s32 $0x200, s11;
	[tilespmem:v2+s7+$0x0] =	vst.idx.add.f32.msk $0xffff, v1  }
0x2a: {  	s10 =	sadd.s32 $0x1, s10  }
0x2b: {  	p0 =	sne.s32 s10, s5  }
.Ltmp2:
0x2c: {  	_ = 	snop;
	(pc) =	sbr.rel @p0 .LBB2_1-.Ltmp2, $4  }
0x2d: {  	[hbm4b:s4+s8] =	stream.strided.scatter [tilespmem:s7], [sflag:$0x1], $0x2800, s9, s8, $0x38;
	[tilespmem:$0x5000] =	vst v63  }
0x2e: {  	_ =	swait.ge [sflag:s6], $0x2800  }
0x2f: {  	[sflag:s6] =	ssyncset.done $0x0  }
0x30: {  	[sflag:s6] =	ssyncadd.s32 $0xFFFFD800  }
0x31: {  	_ =	sfence.sel $0x180000  }
0x32: {  	[bflag:$0x0] =	sbarrier.arrive $0xFFFF  }
0x33: {  	p0 =	sne.s32 s0, $0x0;
	_ =	strace $0x90000047  }
0x34: {  	s0 =	sadd.s32 @!p0 $0x100000, s1;
	[bflag:$0x2] =	sbarrier.arrive $0xFFFF  }
0x35: {  	[sflag:s0] =	ssyncadd.tile.s32 @!p0 $0x1;
	_ =	shalt  }
.Lfunc_end2:
_tile_overlayer_lowered:
.L_overlay_start_2:
0x36: {  	(tag) =	ssettag $0x2  }
0x37: {  	s0 =	rddreg [dreg:$0x0];
	s2 =	stileid.u32  }
0x38: {  	s1 =	rddreg [dreg:$0x1];
	p0 =	sne.s32 s2, $0x0  }
0x39: {  	s3 =	rddreg [dreg:$0x2];
	[bflag:$0x3] =	sbarrier.arrive $0xFFFF;
	s2 =	simm.s32 @!p0 $0x1C01  }
0x3a: {  	[timem:s3], [sflag:s2] =	dma.local @!p0 [hbm:s0], s1  }
0x3b: {  	s0 =	simm.s32 @!p0 $0x1  }
0x3c: {  	_ =	swait.ge @!p0 [sflag:s0], s1  }
0x3d: {  	s1 =	ssub.s32 @!p0 $0x0, s1;
	[sflag:s0] =	ssyncset.done @!p0 $0x0  }
0x3e: {  	[sflag:s0] =	ssyncadd.s32 @!p0 s1  }
0x3f: {  	[bflag:$0x3] =	sbarrier.arrive $0xFFFF  }
0x40: {  	_ =	shalt  }

</sc_bundles>
